<compile_context>
chip_gen: v7x
topology: tpu7x:2x2x1
jax: 0.10.2.dev20260603
libtpu: 0.0.44.dev20260713+nightly
codegen_flags: <defaults>
</compile_context>

<pallas_src>
import functools
import math

import jax
import jax.numpy as jnp
import numpy as np
from jax import lax
from jax.experimental import pallas as pl
from jax.experimental.pallas import tpu as pltpu
from jax.experimental.pallas import tpu_sc as plsc

_LSH_NUM_PROJS = 7
_BLOCK = 256
_SAMPLE = 256
_NLANE = 16
_CH = 128
_IBLK = 16


def _unit_hamming_distance_array(size_n):
    if size_n == 1:
        return np.array([0, 1], dtype=np.int64)
    a = _unit_hamming_distance_array(size_n - 1)
    return np.concatenate([a, np.flip(a, axis=0) + a.shape[0]], 0)


_PERM = _unit_hamming_distance_array(_LSH_NUM_PROJS).astype(np.int32)


_HCHUNK = 1024


def _hash_body(q_ref, k_ref, p_ref, qb_ref, kb_ref, *, nproj):
    proj = p_ref[0]
    r = lax.broadcasted_iota(jnp.int32, (nproj, 1), 0)
    w = jnp.exp2(r.astype(jnp.float32))

    def bins(x):
        st = lax.dot_general(proj, x, (((0,), (1,)), ((), ())),
                             preferred_element_type=jnp.float32)
        b = (st > 0).astype(jnp.float32) * w
        return jnp.sum(b, axis=0).astype(jnp.int32)

    qb_ref[0, 0] = bins(q_ref[0])
    kb_ref[0, 0] = bins(k_ref[0])


def _lsh_bins_tc(q3, k3, proj3):
    G, S, D = q3.shape
    P = proj3.shape[-1]
    proj3 = proj3.reshape(-1, D, P)[:1]
    body = functools.partial(_hash_body, nproj=P)
    qb, kb = pl.pallas_call(
        body,
        grid=(G,),
        in_specs=[
            pl.BlockSpec((1, S, D), lambda g: (g, 0, 0)),
            pl.BlockSpec((1, S, D), lambda g: (g, 0, 0)),
            pl.BlockSpec((1, D, P), lambda g: (0, 0, 0)),
        ],
        out_specs=[
            pl.BlockSpec((1, 1, S), lambda g: (g, 0, 0)),
            pl.BlockSpec((1, 1, S), lambda g: (g, 0, 0)),
        ],
        out_shape=[jax.ShapeDtypeStruct((G, 1, S), jnp.int32),
                   jax.ShapeDtypeStruct((G, 1, S), jnp.int32)],
        compiler_params=pltpu.CompilerParams(
            dimension_semantics=("parallel",)),
    )(q3, k3, proj3)
    return qb.reshape(G, S), kb.reshape(G, S)



def _route_sort_gather(q2, k2, v2, qbin, kbin, sampled, perm):
    R, D = q2.shape
    G, S = qbin.shape
    M = sampled.shape[1]
    info = plsc.get_sparse_core_info()
    nc, nw = info.num_cores, info.num_cores * info.num_subcores
    assert G == nw and S % (_NLANE * _CH) == 0 and M % _NLANE == 0
    lps = S // _NLANE
    nch = S // _CH
    nch_sub = M // _CH
    assert nch % 2 == 0 and nch_sub % 2 == 0
    nbuck = int(perm.shape[0])
    mesh = plsc.VectorSubcoreMesh(core_axis_name="c", subcore_axis_name="s")
    big = jax.ShapeDtypeStruct((R, D), jnp.float32)
    small = jax.ShapeDtypeStruct((G * M, D), jnp.float32)

    @functools.partial(
        pl.kernel, mesh=mesh,
        out_type=[big, big, big, small, small,
                  jax.ShapeDtypeStruct((R,), jnp.int32)],
        scratch_types=[
            pltpu.VMEM((S,), jnp.int32),
            pltpu.VMEM((nbuck,), jnp.int32),
            pltpu.VMEM((nbuck * _NLANE,), jnp.int32),
            pltpu.VMEM((S,), jnp.int32),
            pltpu.VMEM((S,), jnp.int32),
            pltpu.VMEM((S,), jnp.int32),
            pltpu.VMEM((M,), jnp.int32),
            pltpu.VMEM((M,), jnp.int32),
            pltpu.VMEM((_CH, D), jnp.float32),
            pltpu.VMEM((_CH, D), jnp.float32),
            pltpu.SemaphoreType.DMA,
            pltpu.SemaphoreType.DMA,
            pltpu.SemaphoreType.DMA,
            pltpu.SemaphoreType.DMA,
        ],
        compiler_params=pltpu.CompilerParams(needs_layout_passes=False),
    )
    def k(qbin_h, kbin_h, samp_h, q_h, k_h, v_h, perm_h,
          qs_h, ks_h, vs_h, ksub_h, vsub_h, unsort_h,
          bin_v, perm_v, hist_v, qsi_v, ksi_v, inv_v, samp_v, subidx_v,
          rows0, rows1, sg0, sg1, sw0, sw1):
        g = lax.axis_index("s") * nc + lax.axis_index("c")
        g_s = g * S
        lane = jnp.arange(_NLANE, dtype=jnp.int32)
        pltpu.sync_copy(perm_h, perm_v)

        def count_sort(bin_row, out_idx_v, write_inv):
            pltpu.sync_copy(bin_row, bin_v)

            def zbody(b, c):
                hist_v[pl.ds(b * _NLANE, _NLANE)] = jnp.zeros((_NLANE,), jnp.int32)
                return c
            lax.fori_loop(0, nbuck, zbody, 0)

            def hbody(t, c):
                e = lane * lps + t
                b0 = plsc.load_gather(bin_v, [e])
                hv = plsc.load_gather(perm_v, [b0])
                a = hv * _NLANE + lane
                cnt = plsc.load_gather(hist_v, [a])
                plsc.store_scatter(hist_v, [a], cnt + 1)
                return c
            lax.fori_loop(0, lps, hbody, 0)

            def pbody(b, carry):
                vec = hist_v[pl.ds(b * _NLANE, _NLANE)]
                inc = plsc.cumsum(vec)
                hist_v[pl.ds(b * _NLANE, _NLANE)] = inc - vec + carry
                return carry + jnp.sum(vec)
            lax.fori_loop(0, nbuck, pbody, jnp.int32(0))

            def ebody(t, c):
                e = lane * lps + t
                b0 = plsc.load_gather(bin_v, [e])
                hv = plsc.load_gather(perm_v, [b0])
                a = hv * _NLANE + lane
                p = plsc.load_gather(hist_v, [a])
                plsc.store_scatter(hist_v, [a], p + 1)
                plsc.store_scatter(out_idx_v, [p], e + g_s)
                if write_inv:
                    plsc.store_scatter(inv_v, [e], p + g_s)
                return c
            lax.fori_loop(0, lps, ebody, 0)

        count_sort(qbin_h.at[g], qsi_v, True)
        count_sort(kbin_h.at[g], ksi_v, False)
        pltpu.sync_copy(inv_v, unsort_h.at[pl.ds(g_s, S)])

        pltpu.sync_copy(samp_h.at[g], samp_v)

        def sbody(t, c):
            sv = samp_v[pl.ds(t * _NLANE, _NLANE)]
            subidx_v[pl.ds(t * _NLANE, _NLANE)] = plsc.load_gather(ksi_v, [sv])
            return c
        lax.fori_loop(0, M // _NLANE, sbody, 0)

        def gather_stream(tab_h, idx_v, out_h, npairs, out_base):
            def pair(c2, carry):
                o0 = c2 * 2 * _CH
                o1 = o0 + _CH
                cg0 = pltpu.async_copy(tab_h.at[idx_v.at[pl.ds(o0, _CH)]], rows0, sg0)
                cg1 = pltpu.async_copy(tab_h.at[idx_v.at[pl.ds(o1, _CH)]], rows1, sg1)
                cg0.wait()
                cw0 = pltpu.async_copy(rows0, out_h.at[pl.ds(out_base + o0, _CH)], sw0)
                cg1.wait()
                cw1 = pltpu.async_copy(rows1, out_h.at[pl.ds(out_base + o1, _CH)], sw1)
                cw0.wait()
                cw1.wait()
                return carry
            lax.fori_loop(0, npairs, pair, 0)

        gather_stream(q_h, qsi_v, qs_h, nch // 2, g_s)
        gather_stream(k_h, ksi_v, ks_h, nch // 2, g_s)
        gather_stream(v_h, ksi_v, vs_h, nch // 2, g_s)
        gather_stream(k_h, subidx_v, ksub_h, nch_sub // 2, g * M)
        gather_stream(v_h, subidx_v, vsub_h, nch_sub // 2, g * M)

    return k(qbin, kbin, sampled, q2, k2, v2, perm)



def _gather_rows(table, idx):
    R = idx.shape[0]
    D = table.shape[1]
    info = plsc.get_sparse_core_info()
    nc, nw = info.num_cores, info.num_cores * info.num_subcores
    rpw = R // nw
    assert R % (nw * _CH) == 0 and (rpw // _CH) % 2 == 0
    mesh = plsc.VectorSubcoreMesh(core_axis_name="c", subcore_axis_name="s")

    @functools.partial(
        pl.kernel, mesh=mesh,
        out_type=jax.ShapeDtypeStruct((R, D), table.dtype),
        scratch_types=[
            pltpu.VMEM((rpw,), jnp.int32),
            pltpu.VMEM((_CH, D), jnp.float32),
            pltpu.VMEM((_CH, D), jnp.float32),
            pltpu.SemaphoreType.DMA,
            pltpu.SemaphoreType.DMA,
            pltpu.SemaphoreType.DMA,
            pltpu.SemaphoreType.DMA,
        ],
        compiler_params=pltpu.CompilerParams(needs_layout_passes=False),
    )
    def k(tab_h, idx_h, out_h, idx_v, rows0, rows1, sg0, sg1, sw0, sw1):
        wid = lax.axis_index("s") * nc + lax.axis_index("c")
        base = wid * rpw
        pltpu.sync_copy(idx_h.at[pl.ds(base, rpw)], idx_v)

        def pair(c2, carry):
            o0 = c2 * 2 * _CH
            o1 = o0 + _CH
            cg0 = pltpu.async_copy(tab_h.at[idx_v.at[pl.ds(o0, _CH)]], rows0, sg0)
            cg1 = pltpu.async_copy(tab_h.at[idx_v.at[pl.ds(o1, _CH)]], rows1, sg1)
            cg0.wait()
            cw0 = pltpu.async_copy(rows0, out_h.at[pl.ds(base + o0, _CH)], sw0)
            cg1.wait()
            cw1 = pltpu.async_copy(rows1, out_h.at[pl.ds(base + o1, _CH)], sw1)
            cw0.wait()
            cw1.wait()
            return carry
        lax.fori_loop(0, rpw // (2 * _CH), pair, 0)

    return k(table, idx)



def _attn_body(sblk_ref, q_ref, k_ref, v_ref, ks_ref, vs_ref, o_ref, *, scale, logw):
    i = pl.program_id(1)
    ksub = ks_ref[0]
    vsub = vs_ref[0]
    sblk = sblk_ref[0, 0]
    neg = jnp.float32(jnp.finfo(jnp.float32).min)

    def one(j):
        q = q_ref[0, j] * scale
        s1 = lax.dot_general(q, k_ref[0, j], (((1,), (1,)), ((), ())),
                             preferred_element_type=jnp.float32)
        s2 = lax.dot_general(q, ksub, (((1,), (1,)), ((), ())),
                             preferred_element_type=jnp.float32)
        s2 = s2 + jnp.where(sblk == _IBLK * i + j, neg, jnp.float32(logw))[None, :]
        m = jnp.maximum(jnp.max(s1, axis=1), jnp.max(s2, axis=1))
        p1 = jnp.exp(s1 - m[:, None])
        p2 = jnp.exp(s2 - m[:, None])
        l = jnp.sum(p1, axis=1) + jnp.sum(p2, axis=1)
        o = (lax.dot_general(p1, v_ref[0, j], (((1,), (0,)), ((), ())),
                             preferred_element_type=jnp.float32)
             + lax.dot_general(p2, vsub, (((1,), (0,)), ((), ())),
                               preferred_element_type=jnp.float32))
        o_ref[0, j] = o * (1.0 / l)[:, None]

    for j in range(_IBLK):
        one(j)


def _block_attn(qs, ks, vs, ksub, vsub, sblk, scale):
    G, NB, QB, D = qs.shape
    KB = ks.shape[2]
    M = ksub.shape[1]
    body = functools.partial(_attn_body, scale=scale, logw=math.log(NB * KB / M))
    return pl.pallas_call(
        body,
        grid=(G, NB // _IBLK),
        in_specs=[
            pl.BlockSpec((1, 1, M), lambda h, i: (h, 0, 0)),
            pl.BlockSpec((1, _IBLK, QB, D), lambda h, i: (h, i, 0, 0)),
            pl.BlockSpec((1, _IBLK, KB, D), lambda h, i: (h, i, 0, 0)),
            pl.BlockSpec((1, _IBLK, KB, D), lambda h, i: (h, i, 0, 0)),
            pl.BlockSpec((1, M, D), lambda h, i: (h, 0, 0)),
            pl.BlockSpec((1, M, D), lambda h, i: (h, 0, 0)),
        ],
        out_specs=pl.BlockSpec((1, _IBLK, QB, D), lambda h, i: (h, i, 0, 0)),
        out_shape=jax.ShapeDtypeStruct((G, NB, QB, D), jnp.float32),
        compiler_params=pltpu.CompilerParams(
            dimension_semantics=("parallel", "parallel")),
    )(sblk, qs, ks, vs, ksub, vsub)



def kernel(queries, keys, vals, proj_dir):
    B, H, S, D = queries.shape
    G = B * H
    nbk = S // _BLOCK
    qbs = S // nbk
    scale = D ** (-0.5)

    qbin, kbin = _lsh_bins_tc(queries.reshape(G, S, D), keys.reshape(G, S, D),
                              proj_dir)

    sampled = jax.random.randint(jax.random.key(42), (B, H, _SAMPLE), 0, S)
    sampled = sampled.reshape(G, _SAMPLE).astype(jnp.int32)

    q2 = queries.reshape(G * S, D)
    k2 = keys.reshape(G * S, D)
    v2 = vals.reshape(G * S, D)
    qs, ks, vs, ksub, vsub, idx_unsort = _route_sort_gather(
        q2, k2, v2, qbin, kbin, sampled, jnp.asarray(_PERM))

    sblk = (sampled // _BLOCK).reshape(G, 1, _SAMPLE)
    attn_sorted = _block_attn(
        qs.reshape(G, nbk, qbs, D), ks.reshape(G, nbk, _BLOCK, D),
        vs.reshape(G, nbk, _BLOCK, D), ksub.reshape(G, _SAMPLE, D),
        vsub.reshape(G, _SAMPLE, D), sblk, scale)

    out = _gather_rows(attn_sorted.reshape(G * S, D), idx_unsort)
    return out.reshape(B, H, S, D)

# --- scband reference (transcript-rebuilt; emitter-appended) ---
"""Pipeline reference for scband-custom-open-lm-attn-68487548502260 (READ-ONLY COPY).

The authoritative reference and input builder live on the scoring server;
editing this copy changes nothing except your own understanding.
"""

import math
import jax, jax.numpy as jnp
import numpy as np

LSH_NUM_PROJS = 7
BLOCK_SIZE = 256
SAMPLE_SIZE = 256
MIN_SEQ_LEN = 2048


def _unit_hamming_distance_array(size_n):
    if size_n == 1:
        return np.array([0, 1], dtype=np.int64)
    a = _unit_hamming_distance_array(size_n - 1)
    return np.concatenate([a, np.flip(a, axis=0) + a.shape[0]], 0)

PERM = jnp.asarray(_unit_hamming_distance_array(LSH_NUM_PROJS))
ENC_VEC = jnp.asarray(2 ** np.arange(LSH_NUM_PROJS, dtype=np.int64)).reshape(1, 1, 1, -1)


def lsh_hash(mat, proj_dir):
    # AngularLSH.hash: project onto random hyperplanes, sign bits -> gray-code bucket id
    proj = jnp.einsum('...nd,...dr->...nr', mat, proj_dir)
    bits = (proj > 0).astype(jnp.int64)
    bin_ids = (bits * ENC_VEC).sum(-1)
    return PERM[bin_ids]


def indexing(x, indices):
    # gather rows along axis 2 with per-(batch,head) indices
    return jnp.take_along_axis(x, indices[..., None], axis=2)


def exact_attention(q, k, v, scale, bias=None):
    qk = jnp.einsum('bhnd,bhmd->bhnm', q, k) * scale
    if bias is not None:
        qk = qk + bias
    lse = jax.scipy.special.logsumexp(qk, axis=-1, keepdims=True)
    attn = jnp.einsum('bhnm,bhmd->bhnd', jnp.exp(qk - lse), v)
    return attn, lse


def add_self_attentions(attn1, lse1, attn2, lse2):
    c = 1.0 / (1.0 + jnp.exp(lse2 - lse1))
    attn = c * attn1 + (1.0 - c) * attn2
    lse = lse1 - jnp.log(c + jnp.finfo(lse1.dtype).eps)
    return attn, lse


def hyper_attention_no_causal(query, key, value, proj_dir, scale):
    B, H, n_query, dim = query.shape
    n_key = key.shape[2]
    # 1) sortLSH block-diagonal part
    q_hash = lsh_hash(query, proj_dir)
    k_hash = lsh_hash(key, proj_dir)
    query_sort_idx = jnp.argsort(q_hash, axis=2)
    key_sort_idx = jnp.argsort(k_hash, axis=2)
    query_sort_idx_inv = jnp.argsort(query_sort_idx, axis=2)
    query_sorted = indexing(query, query_sort_idx)
    key_sorted = indexing(key, key_sort_idx)
    value_sorted = indexing(value, key_sort_idx)
    key_block_size = BLOCK_SIZE
    num_blocks = n_key // key_block_size
    query_block_size = n_query // num_blocks
    q_blk = query_sorted.reshape(-1, 1, query_block_size, dim)
    k_blk = key_sorted.reshape(-1, 1, key_block_size, dim)
    v_blk = value_sorted.reshape(-1, 1, key_block_size, dim)
    attn_block, lse_block = exact_attention(q_blk, k_blk, v_blk, scale)
    attn_block = attn_block.reshape(B, H, n_query, dim)
    lse_block = lse_block.reshape(B, H, n_query, 1)
    # 2) residual low-rank part via uniform column sampling
    skey = jax.random.key(42)
    sampled_set = jax.random.randint(skey, (B, H, SAMPLE_SIZE), 0, n_key)
    offset_n = jnp.arange(n_query).reshape(1, 1, -1, 1)
    weights = n_key / SAMPLE_SIZE
    value_subset = indexing(value_sorted, sampled_set)
    key_subset = indexing(key_sorted, sampled_set)
    block_mask = (offset_n // query_block_size) == (sampled_set[:, :, None, :] // key_block_size)
    block_mask = block_mask.astype(query.dtype) * jnp.finfo(query.dtype).min
    attn_res, lse_res = exact_attention(query_sorted, key_subset, value_subset, scale, bias=block_mask)
    lse_res = lse_res + math.log(weights)
    attn, lse = add_self_attentions(attn_block, lse_block, attn_res, lse_res)
    # un-sort rows back to original query order
    attn = indexing(attn, query_sort_idx_inv)
    return attn


def setup_inputs(seed: int = 0):
    key = jax.random.key(seed)
    k1, k2, k3, k4 = jax.random.split(key, 4)
    B, H, S, D = 1, 32, 4096, 128
    queries = jax.random.normal(k1, (B, H, S, D), dtype=jnp.float32)
    keys = jax.random.normal(k2, (B, H, S, D), dtype=jnp.float32)
    vals = jax.random.normal(k3, (B, H, S, D), dtype=jnp.float32)
    proj_dir = jax.random.normal(k4, (1, 1, D, LSH_NUM_PROJS), dtype=jnp.float32)
    return {"queries": queries, "keys": keys, "vals": vals, "proj_dir": proj_dir}


def reference(queries, keys, vals, proj_dir):
    # CustomOpenLmAttn.forward with attn_method='hyper', no cache, no mask,
    # equal q/k lengths -> HyperAttention non-causal path
    softmax_scale = queries.shape[-1] ** (-0.5)
    out = hyper_attention_no_causal(queries, keys, vals, proj_dir, softmax_scale)
    return out

if __name__ == "__main__":
    import jax
    _d = setup_inputs()
    print(jax.jit(kernel)(*tuple(_d.values())))

</pallas_src>

<mosaic_0001>
#map = affine_map<(d0, d1) -> (0, 0)>
#map1 = affine_map<(d0, d1) -> (0)>
module attributes {stable_mosaic.version = 14 : i64} {
  func.func @k(%arg0: i32, %arg1: i32, %arg2: memref<131072x128xf32, #tpu.memory_space<hbm>>, %arg3: memref<131072xi32, #tpu.memory_space<hbm>>, %arg4: memref<131072x128xf32, #tpu.memory_space<hbm>>, %arg5: memref<4096xi32, #tpu.memory_space<vmem>>, %arg6: memref<128x128xf32, #tpu.memory_space<vmem>>, %arg7: memref<128x128xf32, #tpu.memory_space<vmem>>, %arg8: memref<!tpu.dma_semaphore, #tpu.memory_space<semaphore_mem>>, %arg9: memref<!tpu.dma_semaphore, #tpu.memory_space<semaphore_mem>>, %arg10: memref<!tpu.dma_semaphore, #tpu.memory_space<semaphore_mem>>, %arg11: memref<!tpu.dma_semaphore, #tpu.memory_space<semaphore_mem>>) attributes {dimension_semantics = [#tpu.dimension_semantics<core_parallel>, #tpu.dimension_semantics<subcore_parallel>], iteration_bounds = array<i64: 2, 16>, scalar_prefetch = 0 : i64, scratch_operands = 7 : i64, tpu.core_type = #tpu.core_type<sc_vector_subcore>, window_params = [{transform_indices = #map}, {transform_indices = #map1}, {transform_indices = #map}]} {
    %mul3A = arith.constant 2 : i32
    %mul3A_0 = arith.muli %arg1, %mul3A : i32
    %add3A = arith.addi %mul3A_0, %arg0 : i32
    %mul3A_1 = arith.constant 4096 : i32
    %mul3A_2 = arith.muli %add3A, %mul3A_1 : i32
    "tpu.region"() ({
      %run_scoped3A = tpu.sem_alloc : memref<!tpu.dma_semaphore, #tpu.memory_space<semaphore_mem>>
      %dma_start3A = tpu.memref_slice %arg3[%mul3A_2] : memref<131072xi32, #tpu.memory_space<hbm>> -> memref<4096xi32, #tpu.memory_space<hbm>>
      %dma_start3A_8 = tpu.memref_slice %arg3[%mul3A_2] : memref<131072xi32, #tpu.memory_space<hbm>> -> memref<4096xi32, #tpu.memory_space<hbm>>
      tpu.enqueue_dma source(%dma_start3A_8 : memref<4096xi32, #tpu.memory_space<hbm>>) target(%arg5 : memref<4096xi32, #tpu.memory_space<vmem>>) target_semaphore(%run_scoped3A : memref<!tpu.dma_semaphore, #tpu.memory_space<semaphore_mem>>)
      %dma_wait3A = tpu.memref_slice %arg3[%mul3A_2] : memref<131072xi32, #tpu.memory_space<hbm>> -> memref<4096xi32, #tpu.memory_space<hbm>>
      %dma_wait3A_9 = tpu.memref_slice %arg3[%mul3A_2] : memref<131072xi32, #tpu.memory_space<hbm>> -> memref<4096xi32, #tpu.memory_space<hbm>>
      tpu.wait_dma2 semaphore(%run_scoped3A : memref<!tpu.dma_semaphore, #tpu.memory_space<semaphore_mem>>) src(%dma_wait3A_9 : memref<4096xi32, #tpu.memory_space<hbm>>) dst(%arg5 : memref<4096xi32, #tpu.memory_space<vmem>>)
      tpu.yield
    }) : () -> ()
    %scan3A = arith.constant 0 : i32
    %scan3A_3 = arith.constant 0 : i32
    %scan3A_4 = arith.constant 16 : i32
    %scan3A_5 = arith.addi %scan3A_3, %scan3A_4 : i32
    %scan3A_6 = arith.constant 1 : i32
    scf.for %scan3A_8 = %scan3A_3 to %scan3A_5 step %scan3A_6  : i32 {
      %mul3A_9 = arith.constant 2 : i32
      %mul3A_10 = arith.muli %scan3A_8, %mul3A_9 : i32
      %mul3A_11 = arith.constant 128 : i32
      %mul3A_12 = arith.muli %mul3A_10, %mul3A_11 : i32
      %add3A_13 = arith.constant 128 : i32
      %add3A_14 = arith.addi %mul3A_12, %add3A_13 : i32
      %dma_start3A = tpu.memref_slice %arg5[%mul3A_12] : memref<4096xi32, #tpu.memory_space<vmem>> -> memref<128xi32, #tpu.memory_space<vmem>>
      %dma_start3A_15 = arith.constant 0 : i32
      %dma_start3A_16 = arith.constant 0 : i32
      %dma_start3A_17 = tpu.memref_slice %arg2[%dma_start3A_15, %dma_start3A_16] : memref<131072x128xf32, #tpu.memory_space<hbm>> -> memref<131072x128xf32, #tpu.memory_space<hbm>>
      tpu.enqueue_indirect_dma source(%dma_start3A_17 : memref<131072x128xf32, #tpu.memory_space<hbm>>) target(%arg6 : memref<128x128xf32, #tpu.memory_space<vmem>>) offsets(%dma_start3A : memref<128xi32, #tpu.memory_space<vmem>>) semaphore(%arg8 : memref<!tpu.dma_semaphore, #tpu.memory_space<semaphore_mem>>)
      %dma_start3A_18 = tpu.memref_slice %arg5[%add3A_14] : memref<4096xi32, #tpu.memory_space<vmem>> -> memref<128xi32, #tpu.memory_space<vmem>>
      %dma_start3A_19 = arith.constant 0 : i32
      %dma_start3A_20 = arith.constant 0 : i32
      %dma_start3A_21 = tpu.memref_slice %arg2[%dma_start3A_19, %dma_start3A_20] : memref<131072x128xf32, #tpu.memory_space<hbm>> -> memref<131072x128xf32, #tpu.memory_space<hbm>>
      tpu.enqueue_indirect_dma source(%dma_start3A_21 : memref<131072x128xf32, #tpu.memory_space<hbm>>) target(%arg7 : memref<128x128xf32, #tpu.memory_space<vmem>>) offsets(%dma_start3A_18 : memref<128xi32, #tpu.memory_space<vmem>>) semaphore(%arg9 : memref<!tpu.dma_semaphore, #tpu.memory_space<semaphore_mem>>)
      %dma_wait3A = tpu.memref_slice %arg5[%mul3A_12] : memref<4096xi32, #tpu.memory_space<vmem>> -> memref<128xi32, #tpu.memory_space<vmem>>
      %dma_wait3A_22 = arith.constant 0 : i32
      %dma_wait3A_23 = arith.constant 0 : i32
      %dma_wait3A_24 = tpu.memref_slice %arg2[%dma_wait3A_22, %dma_wait3A_23] : memref<131072x128xf32, #tpu.memory_space<hbm>> -> memref<131072x128xf32, #tpu.memory_space<hbm>>
      tpu.wait_indirect_dma semaphore(%arg8 : memref<!tpu.dma_semaphore, #tpu.memory_space<semaphore_mem>>) src(%dma_wait3A_24 : memref<131072x128xf32, #tpu.memory_space<hbm>>) dst(%arg6 : memref<128x128xf32, #tpu.memory_space<vmem>>)
      %add3A_25 = arith.addi %mul3A_2, %mul3A_12 : i32
      %dma_start3A_26 = arith.constant 0 : i32
      %dma_start3A_27 = tpu.memref_slice %arg4[%add3A_25, %dma_start3A_26] : memref<131072x128xf32, #tpu.memory_space<hbm>> -> memref<128x128xf32, #tpu.memory_space<hbm>>
      %dma_start3A_28 = arith.constant 0 : i32
      %dma_start3A_29 = tpu.memref_slice %arg4[%add3A_25, %dma_start3A_28] : memref<131072x128xf32, #tpu.memory_space<hbm>> -> memref<128x128xf32, #tpu.memory_space<hbm>>
      tpu.enqueue_dma source(%arg6 : memref<128x128xf32, #tpu.memory_space<vmem>>) target(%dma_start3A_29 : memref<128x128xf32, #tpu.memory_space<hbm>>) target_semaphore(%arg10 : memref<!tpu.dma_semaphore, #tpu.memory_space<semaphore_mem>>)
      %dma_wait3A_30 = tpu.memref_slice %arg5[%add3A_14] : memref<4096xi32, #tpu.memory_space<vmem>> -> memref<128xi32, #tpu.memory_space<vmem>>
      %dma_wait3A_31 = arith.constant 0 : i32
      %dma_wait3A_32 = arith.constant 0 : i32
      %dma_wait3A_33 = tpu.memref_slice %arg2[%dma_wait3A_31, %dma_wait3A_32] : memref<131072x128xf32, #tpu.memory_space<hbm>> -> memref<131072x128xf32, #tpu.memory_space<hbm>>
      tpu.wait_indirect_dma semaphore(%arg9 : memref<!tpu.dma_semaphore, #tpu.memory_space<semaphore_mem>>) src(%dma_wait3A_33 : memref<131072x128xf32, #tpu.memory_space<hbm>>) dst(%arg7 : memref<128x128xf32, #tpu.memory_space<vmem>>)
      %add3A_34 = arith.addi %mul3A_2, %add3A_14 : i32
      %dma_start3A_35 = arith.constant 0 : i32
      %dma_start3A_36 = tpu.memref_slice %arg4[%add3A_34, %dma_start3A_35] : memref<131072x128xf32, #tpu.memory_space<hbm>> -> memref<128x128xf32, #tpu.memory_space<hbm>>
      %dma_start3A_37 = arith.constant 0 : i32
      %dma_start3A_38 = tpu.memref_slice %arg4[%add3A_34, %dma_start3A_37] : memref<131072x128xf32, #tpu.memory_space<hbm>> -> memref<128x128xf32, #tpu.memory_space<hbm>>
      tpu.enqueue_dma source(%arg7 : memref<128x128xf32, #tpu.memory_space<vmem>>) target(%dma_start3A_38 : memref<128x128xf32, #tpu.memory_space<hbm>>) target_semaphore(%arg11 : memref<!tpu.dma_semaphore, #tpu.memory_space<semaphore_mem>>)
      %dma_wait3A_39 = arith.constant 0 : i32
      %dma_wait3A_40 = tpu.memref_slice %arg4[%add3A_25, %dma_wait3A_39] : memref<131072x128xf32, #tpu.memory_space<hbm>> -> memref<128x128xf32, #tpu.memory_space<hbm>>
      %dma_wait3A_41 = arith.constant 0 : i32
      %dma_wait3A_42 = tpu.memref_slice %arg4[%add3A_25, %dma_wait3A_41] : memref<131072x128xf32, #tpu.memory_space<hbm>> -> memref<128x128xf32, #tpu.memory_space<hbm>>
      tpu.wait_dma2 semaphore(%arg10 : memref<!tpu.dma_semaphore, #tpu.memory_space<semaphore_mem>>) src(%arg6 : memref<128x128xf32, #tpu.memory_space<vmem>>) dst(%dma_wait3A_42 : memref<128x128xf32, #tpu.memory_space<hbm>>)
      %dma_wait3A_43 = arith.constant 0 : i32
      %dma_wait3A_44 = tpu.memref_slice %arg4[%add3A_34, %dma_wait3A_43] : memref<131072x128xf32, #tpu.memory_space<hbm>> -> memref<128x128xf32, #tpu.memory_space<hbm>>
      %dma_wait3A_45 = arith.constant 0 : i32
      %dma_wait3A_46 = tpu.memref_slice %arg4[%add3A_34, %dma_wait3A_45] : memref<131072x128xf32, #tpu.memory_space<hbm>> -> memref<128x128xf32, #tpu.memory_space<hbm>>
      tpu.wait_dma2 semaphore(%arg11 : memref<!tpu.dma_semaphore, #tpu.memory_space<semaphore_mem>>) src(%arg7 : memref<128x128xf32, #tpu.memory_space<vmem>>) dst(%dma_wait3A_46 : memref<128x128xf32, #tpu.memory_space<hbm>>)
    }
    %scan3A_7 = arith.constant 16 : i32
    return
  }
}

#map = affine_map<(d0, d1) -> (0, 0)>
#map1 = affine_map<(d0, d1) -> (0)>
module attributes {stable_mosaic.version = 14 : i64} {
  func.func @k(%arg0: i32, %arg1: i32, %arg2: memref<32x4096xi32, #tpu.memory_space<hbm>>, %arg3: memref<32x4096xi32, #tpu.memory_space<hbm>>, %arg4: memref<32x256xi32, #tpu.memory_space<hbm>>, %arg5: memref<131072x128xf32, #tpu.memory_space<hbm>>, %arg6: memref<131072x128xf32, #tpu.memory_space<hbm>>, %arg7: memref<131072x128xf32, #tpu.memory_space<hbm>>, %arg8: memref<128xi32, #tpu.memory_space<hbm>>, %arg9: memref<131072x128xf32, #tpu.memory_space<hbm>>, %arg10: memref<131072x128xf32, #tpu.memory_space<hbm>>, %arg11: memref<131072x128xf32, #tpu.memory_space<hbm>>, %arg12: memref<8192x128xf32, #tpu.memory_space<hbm>>, %arg13: memref<8192x128xf32, #tpu.memory_space<hbm>>, %arg14: memref<131072xi32, #tpu.memory_space<hbm>>, %arg15: memref<4096xi32, #tpu.memory_space<vmem>>, %arg16: memref<128xi32, #tpu.memory_space<vmem>>, %arg17: memref<2048xi32, #tpu.memory_space<vmem>>, %arg18: memref<4096xi32, #tpu.memory_space<vmem>>, %arg19: memref<4096xi32, #tpu.memory_space<vmem>>, %arg20: memref<4096xi32, #tpu.memory_space<vmem>>, %arg21: memref<256xi32, #tpu.memory_space<vmem>>, %arg22: memref<256xi32, #tpu.memory_space<vmem>>, %arg23: memref<128x128xf32, #tpu.memory_space<vmem>>, %arg24: memref<128x128xf32, #tpu.memory_space<vmem>>, %arg25: memref<!tpu.dma_semaphore, #tpu.memory_space<semaphore_mem>>, %arg26: memref<!tpu.dma_semaphore, #tpu.memory_space<semaphore_mem>>, %arg27: memref<!tpu.dma_semaphore, #tpu.memory_space<semaphore_mem>>, %arg28: memref<!tpu.dma_semaphore, #tpu.memory_space<semaphore_mem>>) attributes {dimension_semantics = [#tpu.dimension_semantics<core_parallel>, #tpu.dimension_semantics<subcore_parallel>], iteration_bounds = array<i64: 2, 16>, scalar_prefetch = 0 : i64, scratch_operands = 14 : i64, tpu.core_type = #tpu.core_type<sc_vector_subcore>, window_params = [{transform_indices = #map}, {transform_indices = #map}, {transform_indices = #map}, {transform_indices = #map}, {transform_indices = #map}, {transform_indices = #map}, {transform_indices = #map1}, {transform_indices = #map}, {transform_indices = #map}, {transform_indices = #map}, {transform_indices = #map}, {transform_indices = #map}, {transform_indices = #map1}]} {
    %mul3A = arith.constant 2 : i32
    %mul3A_0 = arith.muli %arg1, %mul3A : i32
    %add3A = arith.addi %mul3A_0, %arg0 : i32
    %mul3A_1 = arith.constant 4096 : i32
    %mul3A_2 = arith.muli %add3A, %mul3A_1 : i32
    %iota3A = tpu.iota {dimensions = array<i32: 0>} : vector<16xi32>
    "tpu.region"() ({
      %run_scoped3A = tpu.sem_alloc : memref<!tpu.dma_semaphore, #tpu.memory_space<semaphore_mem>>
      tpu.enqueue_dma source(%arg8 : memref<128xi32, #tpu.memory_space<hbm>>) target(%arg16 : memref<128xi32, #tpu.memory_space<vmem>>) target_semaphore(%run_scoped3A : memref<!tpu.dma_semaphore, #tpu.memory_space<semaphore_mem>>)
      tpu.wait_dma2 semaphore(%run_scoped3A : memref<!tpu.dma_semaphore, #tpu.memory_space<semaphore_mem>>) src(%arg8 : memref<128xi32, #tpu.memory_space<hbm>>) dst(%arg16 : memref<128xi32, #tpu.memory_space<vmem>>)
      tpu.yield
    }) : () -> ()
    "tpu.region"() ({
      %run_scoped3A = tpu.sem_alloc : memref<!tpu.dma_semaphore, #tpu.memory_space<semaphore_mem>>
      %dma_start3A_164 = arith.constant 0 : i32
      %dma_start3A_165 = tpu.memref_slice %arg2[%add3A, %dma_start3A_164] : memref<32x4096xi32, #tpu.memory_space<hbm>> -> memref<1x4096xi32, #tpu.memory_space<hbm>>
      %dma_start3A_166 = tpu.memref_squeeze %dma_start3A_165 : memref<1x4096xi32, #tpu.memory_space<hbm>> -> memref<4096xi32, #tpu.memory_space<hbm>>
      %dma_start3A_167 = arith.constant 0 : i32
      %dma_start3A_168 = tpu.memref_slice %arg2[%add3A, %dma_start3A_167] : memref<32x4096xi32, #tpu.memory_space<hbm>> -> memref<1x4096xi32, #tpu.memory_space<hbm>>
      %dma_start3A_169 = tpu.memref_squeeze %dma_start3A_168 : memref<1x4096xi32, #tpu.memory_space<hbm>> -> memref<4096xi32, #tpu.memory_space<hbm>>
      tpu.enqueue_dma source(%dma_start3A_169 : memref<4096xi32, #tpu.memory_space<hbm>>) target(%arg15 : memref<4096xi32, #tpu.memory_space<vmem>>) target_semaphore(%run_scoped3A : memref<!tpu.dma_semaphore, #tpu.memory_space<semaphore_mem>>)
      %dma_wait3A_170 = arith.constant 0 : i32
      %dma_wait3A_171 = tpu.memref_slice %arg2[%add3A, %dma_wait3A_170] : memref<32x4096xi32, #tpu.memory_space<hbm>> -> memref<1x4096xi32, #tpu.memory_space<hbm>>
      %dma_wait3A_172 = tpu.memref_squeeze %dma_wait3A_171 : memref<1x4096xi32, #tpu.memory_space<hbm>> -> memref<4096xi32, #tpu.memory_space<hbm>>
      %dma_wait3A_173 = arith.constant 0 : i32
      %dma_wait3A_174 = tpu.memref_slice %arg2[%add3A, %dma_wait3A_173] : memref<32x4096xi32, #tpu.memory_space<hbm>> -> memref<1x4096xi32, #tpu.memory_space<hbm>>
      %dma_wait3A_175 = tpu.memref_squeeze %dma_wait3A_174 : memref<1x4096xi32, #tpu.memory_space<hbm>> -> memref<4096xi32, #tpu.memory_space<hbm>>
      tpu.wait_dma2 semaphore(%run_scoped3A : memref<!tpu.dma_semaphore, #tpu.memory_space<semaphore_mem>>) src(%dma_wait3A_175 : memref<4096xi32, #tpu.memory_space<hbm>>) dst(%arg15 : memref<4096xi32, #tpu.memory_space<vmem>>)
      tpu.yield
    }) : () -> ()
    %scan3A = arith.constant 0 : i32
    %scan3A_3 = arith.constant 0 : i32
    %scan3A_4 = arith.constant 128 : i32
    %scan3A_5 = arith.addi %scan3A_3, %scan3A_4 : i32
    %scan3A_6 = arith.constant 1 : i32
    scf.for %scan3A_164 = %scan3A_3 to %scan3A_5 step %scan3A_6  : i32 {
      %broadcast_in_dim3A = arith.constant 0 : i32
      %broadcast_in_dim3A_165 = vector.broadcast %broadcast_in_dim3A : i32 to vector<16xi32>
      %mul3A_166 = arith.constant 16 : i32
      %mul3A_167 = arith.muli %scan3A_164, %mul3A_166 : i32
      %swap3A = arith.index_cast %mul3A_167 : i32 to index
      %swap3A_168 = tpu.vector_load %arg17[%swap3A] {strides = array<i32>} : memref<2048xi32, #tpu.memory_space<vmem>>, vector<16xi32>,
      tpu.vector_store %arg17[%swap3A], %broadcast_in_dim3A_165 {strides = array<i32>} : memref<2048xi32, #tpu.memory_space<vmem>>, vector<16xi32>,
    }
    %scan3A_7 = arith.constant 128 : i32
    %scan3A_8 = arith.constant 0 : i32
    %scan3A_9 = arith.constant 0 : i32
    %scan3A_10 = arith.constant 256 : i32
    %scan3A_11 = arith.addi %scan3A_9, %scan3A_10 : i32
    %scan3A_12 = arith.constant 1 : i32
    scf.for %scan3A_164 = %scan3A_9 to %scan3A_11 step %scan3A_12  : i32 {
      %mul3A_165 = arith.constant 256 : i32
      %mul3A_166 = vector.broadcast %mul3A_165 : i32 to vector<16xi32>
      %mul3A_167 = arith.muli %iota3A, %mul3A_166 : vector<16xi32>
      %add3A_168 = vector.broadcast %scan3A_164 : i32 to vector<16xi32>
      %add3A_169 = arith.addi %mul3A_167, %add3A_168 : vector<16xi32>
      %gather3A = tpu.vector_load_idx %arg15[%add3A_169] : memref<4096xi32, #tpu.memory_space<vmem>>[vector<16xi32>], vector<16xi32>,
      %gather3A_170 = tpu.vector_load_idx %arg16[%gather3A] : memref<128xi32, #tpu.memory_space<vmem>>[vector<16xi32>], vector<16xi32>,
      %mul3A_171 = arith.constant 16 : i32
      %mul3A_172 = vector.broadcast %mul3A_171 : i32 to vector<16xi32>
      %mul3A_173 = arith.muli %gather3A_170, %mul3A_172 : vector<16xi32>
      %add3A_174 = arith.addi %mul3A_173, %iota3A : vector<16xi32>
      %gather3A_175 = tpu.vector_load_idx %arg17[%add3A_174] : memref<2048xi32, #tpu.memory_space<vmem>>[vector<16xi32>], vector<16xi32>,
      %add3A_176 = arith.constant 1 : i32
      %add3A_177 = vector.broadcast %add3A_176 : i32 to vector<16xi32>
      %add3A_178 = arith.addi %gather3A_175, %add3A_177 : vector<16xi32>
      tpu.vector_store_idx %arg17[%add3A_174], %add3A_178 : memref<2048xi32, #tpu.memory_space<vmem>>[vector<16xi32>], vector<16xi32>,
    }
    %scan3A_13 = arith.constant 256 : i32
    %scan3A_14 = arith.constant 0 : i32
    %scan3A_15 = arith.constant 0 : i32
    %scan3A_16 = arith.constant 128 : i32
    %scan3A_17 = arith.addi %scan3A_15, %scan3A_16 : i32
    %scan3A_18 = arith.constant 1 : i32
    %scan3A_19 = scf.for %scan3A_164 = %scan3A_15 to %scan3A_17 step %scan3A_18 iter_args(%scan3A_165 = %scan3A_14) -> (i32)  : i32 {
      %mul3A_166 = arith.constant 16 : i32
      %mul3A_167 = arith.muli %scan3A_164, %mul3A_166 : i32
      %get3A = arith.index_cast %mul3A_167 : i32 to index
      %get3A_168 = tpu.vector_load %arg17[%get3A] {strides = array<i32>} : memref<2048xi32, #tpu.memory_space<vmem>>, vector<16xi32>,
      %broadcast_in_dim3A = arith.constant true
      %broadcast_in_dim3A_169 = vector.broadcast %broadcast_in_dim3A : i1 to vector<16xi1>
      %masked_cumsum3A = tpu.scan <sum>, %get3A_168 masked %broadcast_in_dim3A_169 : vector<16xi32>, vector<16xi1> -> vector<16xi32>
      %sub3A = arith.subi %masked_cumsum3A, %get3A_168 : vector<16xi32>
      %add3A_170 = vector.broadcast %scan3A_165 : i32 to vector<16xi32>
      %add3A_171 = arith.addi %sub3A, %add3A_170 : vector<16xi32>
      %mul3A_172 = arith.constant 16 : i32
      %mul3A_173 = arith.muli %scan3A_164, %mul3A_172 : i32
      %swap3A = arith.index_cast %mul3A_173 : i32 to index
      %swap3A_174 = tpu.vector_load %arg17[%swap3A] {strides = array<i32>} : memref<2048xi32, #tpu.memory_space<vmem>>, vector<16xi32>,
      tpu.vector_store %arg17[%swap3A], %add3A_171 {strides = array<i32>} : memref<2048xi32, #tpu.memory_space<vmem>>, vector<16xi32>,
      %reduce_sum3A = arith.constant true
      %reduce_sum3A_175 = vector.broadcast %reduce_sum3A : i1 to vector<16xi1>
      %reduce_sum3A_176 = tpu.scan <sum>, %get3A_168 masked %reduce_sum3A_175 : vector<16xi32>, vector<16xi1> -> vector<16xi32>
      %reduce_sum3A_177 = vector.extract %reduce_sum3A_176[15] : i32 from vector<16xi32>
      %add3A_178 = arith.addi %scan3A_165, %reduce_sum3A_177 : i32
      scf.yield %add3A_178 : i32
    }
    %scan3A_20 = arith.constant 128 : i32
    %scan3A_21 = arith.constant 0 : i32
    %scan3A_22 = arith.constant 0 : i32
    %scan3A_23 = arith.constant 256 : i32
    %scan3A_24 = arith.addi %scan3A_22, %scan3A_23 : i32
    %scan3A_25 = arith.constant 1 : i32
    scf.for %scan3A_164 = %scan3A_22 to %scan3A_24 step %scan3A_25  : i32 {
      %mul3A_165 = arith.constant 256 : i32
      %mul3A_166 = vector.broadcast %mul3A_165 : i32 to vector<16xi32>
      %mul3A_167 = arith.muli %iota3A, %mul3A_166 : vector<16xi32>
      %add3A_168 = vector.broadcast %scan3A_164 : i32 to vector<16xi32>
      %add3A_169 = arith.addi %mul3A_167, %add3A_168 : vector<16xi32>
      %gather3A = tpu.vector_load_idx %arg15[%add3A_169] : memref<4096xi32, #tpu.memory_space<vmem>>[vector<16xi32>], vector<16xi32>,
      %gather3A_170 = tpu.vector_load_idx %arg16[%gather3A] : memref<128xi32, #tpu.memory_space<vmem>>[vector<16xi32>], vector<16xi32>,
      %mul3A_171 = arith.constant 16 : i32
      %mul3A_172 = vector.broadcast %mul3A_171 : i32 to vector<16xi32>
      %mul3A_173 = arith.muli %gather3A_170, %mul3A_172 : vector<16xi32>
      %add3A_174 = arith.addi %mul3A_173, %iota3A : vector<16xi32>
      %gather3A_175 = tpu.vector_load_idx %arg17[%add3A_174] : memref<2048xi32, #tpu.memory_space<vmem>>[vector<16xi32>], vector<16xi32>,
      %add3A_176 = arith.constant 1 : i32
      %add3A_177 = vector.broadcast %add3A_176 : i32 to vector<16xi32>
      %add3A_178 = arith.addi %gather3A_175, %add3A_177 : vector<16xi32>
      tpu.vector_store_idx %arg17[%add3A_174], %add3A_178 : memref<2048xi32, #tpu.memory_space<vmem>>[vector<16xi32>], vector<16xi32>,
      %add3A_179 = vector.broadcast %mul3A_2 : i32 to vector<16xi32>
      %add3A_180 = arith.addi %add3A_169, %add3A_179 : vector<16xi32>
      tpu.vector_store_idx %arg18[%gather3A_175], %add3A_180 : memref<4096xi32, #tpu.memory_space<vmem>>[vector<16xi32>], vector<16xi32>,
      %add3A_181 = vector.broadcast %mul3A_2 : i32 to vector<16xi32>
      %add3A_182 = arith.addi %gather3A_175, %add3A_181 : vector<16xi32>
      tpu.vector_store_idx %arg20[%add3A_169], %add3A_182 : memref<4096xi32, #tpu.memory_space<vmem>>[vector<16xi32>], vector<16xi32>,
    }
    %scan3A_26 = arith.constant 256 : i32
    "tpu.region"() ({
      %run_scoped3A = tpu.sem_alloc : memref<!tpu.dma_semaphore, #tpu.memory_space<semaphore_mem>>
      %dma_start3A_164 = arith.constant 0 : i32
      %dma_start3A_165 = tpu.memref_slice %arg3[%add3A, %dma_start3A_164] : memref<32x4096xi32, #tpu.memory_space<hbm>> -> memref<1x4096xi32, #tpu.memory_space<hbm>>
      %dma_start3A_166 = tpu.memref_squeeze %dma_start3A_165 : memref<1x4096xi32, #tpu.memory_space<hbm>> -> memref<4096xi32, #tpu.memory_space<hbm>>
      %dma_start3A_167 = arith.constant 0 : i32
      %dma_start3A_168 = tpu.memref_slice %arg3[%add3A, %dma_start3A_167] : memref<32x4096xi32, #tpu.memory_space<hbm>> -> memref<1x4096xi32, #tpu.memory_space<hbm>>
      %dma_start3A_169 = tpu.memref_squeeze %dma_start3A_168 : memref<1x4096xi32, #tpu.memory_space<hbm>> -> memref<4096xi32, #tpu.memory_space<hbm>>
      tpu.enqueue_dma source(%dma_start3A_169 : memref<4096xi32, #tpu.memory_space<hbm>>) target(%arg15 : memref<4096xi32, #tpu.memory_space<vmem>>) target_semaphore(%run_scoped3A : memref<!tpu.dma_semaphore, #tpu.memory_space<semaphore_mem>>)
      %dma_wait3A_170 = arith.constant 0 : i32
      %dma_wait3A_171 = tpu.memref_slice %arg3[%add3A, %dma_wait3A_170] : memref<32x4096xi32, #tpu.memory_space<hbm>> -> memref<1x4096xi32, #tpu.memory_space<hbm>>
      %dma_wait3A_172 = tpu.memref_squeeze %dma_wait3A_171 : memref<1x4096xi32, #tpu.memory_space<hbm>> -> memref<4096xi32, #tpu.memory_space<hbm>>
      %dma_wait3A_173 = arith.constant 0 : i32
      %dma_wait3A_174 = tpu.memref_slice %arg3[%add3A, %dma_wait3A_173] : memref<32x4096xi32, #tpu.memory_space<hbm>> -> memref<1x4096xi32, #tpu.memory_space<hbm>>
      %dma_wait3A_175 = tpu.memref_squeeze %dma_wait3A_174 : memref<1x4096xi32, #tpu.memory_space<hbm>> -> memref<4096xi32, #tpu.memory_space<hbm>>
      tpu.wait_dma2 semaphore(%run_scoped3A : memref<!tpu.dma_semaphore, #tpu.memory_space<semaphore_mem>>) src(%dma_wait3A_175 : memref<4096xi32, #tpu.memory_space<hbm>>) dst(%arg15 : memref<4096xi32, #tpu.memory_space<vmem>>)
      tpu.yield
    }) : () -> ()
    %scan3A_27 = arith.constant 0 : i32
    %scan3A_28 = arith.constant 0 : i32
    %scan3A_29 = arith.constant 128 : i32
    %scan3A_30 = arith.addi %scan3A_28, %scan3A_29 : i32
    %scan3A_31 = arith.constant 1 : i32
    scf.for %scan3A_164 = %scan3A_28 to %scan3A_30 step %scan3A_31  : i32 {
      %broadcast_in_dim3A = arith.constant 0 : i32
      %broadcast_in_dim3A_165 = vector.broadcast %broadcast_in_dim3A : i32 to vector<16xi32>
      %mul3A_166 = arith.constant 16 : i32
      %mul3A_167 = arith.muli %scan3A_164, %mul3A_166 : i32
      %swap3A = arith.index_cast %mul3A_167 : i32 to index
      %swap3A_168 = tpu.vector_load %arg17[%swap3A] {strides = array<i32>} : memref<2048xi32, #tpu.memory_space<vmem>>, vector<16xi32>,
      tpu.vector_store %arg17[%swap3A], %broadcast_in_dim3A_165 {strides = array<i32>} : memref<2048xi32, #tpu.memory_space<vmem>>, vector<16xi32>,
    }
    %scan3A_32 = arith.constant 128 : i32
    %scan3A_33 = arith.constant 0 : i32
    %scan3A_34 = arith.constant 0 : i32
    %scan3A_35 = arith.constant 256 : i32
    %scan3A_36 = arith.addi %scan3A_34, %scan3A_35 : i32
    %scan3A_37 = arith.constant 1 : i32
    scf.for %scan3A_164 = %scan3A_34 to %scan3A_36 step %scan3A_37  : i32 {
      %mul3A_165 = arith.constant 256 : i32
      %mul3A_166 = vector.broadcast %mul3A_165 : i32 to vector<16xi32>
      %mul3A_167 = arith.muli %iota3A, %mul3A_166 : vector<16xi32>
      %add3A_168 = vector.broadcast %scan3A_164 : i32 to vector<16xi32>
      %add3A_169 = arith.addi %mul3A_167, %add3A_168 : vector<16xi32>
      %gather3A = tpu.vector_load_idx %arg15[%add3A_169] : memref<4096xi32, #tpu.memory_space<vmem>>[vector<16xi32>], vector<16xi32>,
      %gather3A_170 = tpu.vector_load_idx %arg16[%gather3A] : memref<128xi32, #tpu.memory_space<vmem>>[vector<16xi32>], vector<16xi32>,
      %mul3A_171 = arith.constant 16 : i32
      %mul3A_172 = vector.broadcast %mul3A_171 : i32 to vector<16xi32>
      %mul3A_173 = arith.muli %gather3A_170, %mul3A_172 : vector<16xi32>
      %add3A_174 = arith.addi %mul3A_173, %iota3A : vector<16xi32>
      %gather3A_175 = tpu.vector_load_idx %arg17[%add3A_174] : memref<2048xi32, #tpu.memory_space<vmem>>[vector<16xi32>], vector<16xi32>,
      %add3A_176 = arith.constant 1 : i32
      %add3A_177 = vector.broadcast %add3A_176 : i32 to vector<16xi32>
      %add3A_178 = arith.addi %gather3A_175, %add3A_177 : vector<16xi32>
      tpu.vector_store_idx %arg17[%add3A_174], %add3A_178 : memref<2048xi32, #tpu.memory_space<vmem>>[vector<16xi32>], vector<16xi32>,
    }
    %scan3A_38 = arith.constant 256 : i32
    %scan3A_39 = arith.constant 0 : i32
    %scan3A_40 = arith.constant 0 : i32
    %scan3A_41 = arith.constant 128 : i32
    %scan3A_42 = arith.addi %scan3A_40, %scan3A_41 : i32
    %scan3A_43 = arith.constant 1 : i32
    %scan3A_44 = scf.for %scan3A_164 = %scan3A_40 to %scan3A_42 step %scan3A_43 iter_args(%scan3A_165 = %scan3A_39) -> (i32)  : i32 {
      %mul3A_166 = arith.constant 16 : i32
      %mul3A_167 = arith.muli %scan3A_164, %mul3A_166 : i32
      %get3A = arith.index_cast %mul3A_167 : i32 to index
      %get3A_168 = tpu.vector_load %arg17[%get3A] {strides = array<i32>} : memref<2048xi32, #tpu.memory_space<vmem>>, vector<16xi32>,
      %broadcast_in_dim3A = arith.constant true
      %broadcast_in_dim3A_169 = vector.broadcast %broadcast_in_dim3A : i1 to vector<16xi1>
      %masked_cumsum3A = tpu.scan <sum>, %get3A_168 masked %broadcast_in_dim3A_169 : vector<16xi32>, vector<16xi1> -> vector<16xi32>
      %sub3A = arith.subi %masked_cumsum3A, %get3A_168 : vector<16xi32>
      %add3A_170 = vector.broadcast %scan3A_165 : i32 to vector<16xi32>
      %add3A_171 = arith.addi %sub3A, %add3A_170 : vector<16xi32>
      %mul3A_172 = arith.constant 16 : i32
      %mul3A_173 = arith.muli %scan3A_164, %mul3A_172 : i32
      %swap3A = arith.index_cast %mul3A_173 : i32 to index
      %swap3A_174 = tpu.vector_load %arg17[%swap3A] {strides = array<i32>} : memref<2048xi32, #tpu.memory_space<vmem>>, vector<16xi32>,
      tpu.vector_store %arg17[%swap3A], %add3A_171 {strides = array<i32>} : memref<2048xi32, #tpu.memory_space<vmem>>, vector<16xi32>,
      %reduce_sum3A = arith.constant true
      %reduce_sum3A_175 = vector.broadcast %reduce_sum3A : i1 to vector<16xi1>
      %reduce_sum3A_176 = tpu.scan <sum>, %get3A_168 masked %reduce_sum3A_175 : vector<16xi32>, vector<16xi1> -> vector<16xi32>
      %reduce_sum3A_177 = vector.extract %reduce_sum3A_176[15] : i32 from vector<16xi32>
      %add3A_178 = arith.addi %scan3A_165, %reduce_sum3A_177 : i32
      scf.yield %add3A_178 : i32
    }
    %scan3A_45 = arith.constant 128 : i32
    %scan3A_46 = arith.constant 0 : i32
    %scan3A_47 = arith.constant 0 : i32
    %scan3A_48 = arith.constant 256 : i32
    %scan3A_49 = arith.addi %scan3A_47, %scan3A_48 : i32
    %scan3A_50 = arith.constant 1 : i32
    scf.for %scan3A_164 = %scan3A_47 to %scan3A_49 step %scan3A_50  : i32 {
      %mul3A_165 = arith.constant 256 : i32
      %mul3A_166 = vector.broadcast %mul3A_165 : i32 to vector<16xi32>
      %mul3A_167 = arith.muli %iota3A, %mul3A_166 : vector<16xi32>
      %add3A_168 = vector.broadcast %scan3A_164 : i32 to vector<16xi32>
      %add3A_169 = arith.addi %mul3A_167, %add3A_168 : vector<16xi32>
      %gather3A = tpu.vector_load_idx %arg15[%add3A_169] : memref<4096xi32, #tpu.memory_space<vmem>>[vector<16xi32>], vector<16xi32>,
      %gather3A_170 = tpu.vector_load_idx %arg16[%gather3A] : memref<128xi32, #tpu.memory_space<vmem>>[vector<16xi32>], vector<16xi32>,
      %mul3A_171 = arith.constant 16 : i32
      %mul3A_172 = vector.broadcast %mul3A_171 : i32 to vector<16xi32>
      %mul3A_173 = arith.muli %gather3A_170, %mul3A_172 : vector<16xi32>
      %add3A_174 = arith.addi %mul3A_173, %iota3A : vector<16xi32>
      %gather3A_175 = tpu.vector_load_idx %arg17[%add3A_174] : memref<2048xi32, #tpu.memory_space<vmem>>[vector<16xi32>], vector<16xi32>,
      %add3A_176 = arith.constant 1 : i32
      %add3A_177 = vector.broadcast %add3A_176 : i32 to vector<16xi32>
      %add3A_178 = arith.addi %gather3A_175, %add3A_177 : vector<16xi32>
      tpu.vector_store_idx %arg17[%add3A_174], %add3A_178 : memref<2048xi32, #tpu.memory_space<vmem>>[vector<16xi32>], vector<16xi32>,
      %add3A_179 = vector.broadcast %mul3A_2 : i32 to vector<16xi32>
      %add3A_180 = arith.addi %add3A_169, %add3A_179 : vector<16xi32>
      tpu.vector_store_idx %arg19[%gather3A_175], %add3A_180 : memref<4096xi32, #tpu.memory_space<vmem>>[vector<16xi32>], vector<16xi32>,
    }
    %scan3A_51 = arith.constant 256 : i32
    "tpu.region"() ({
      %run_scoped3A = tpu.sem_alloc : memref<!tpu.dma_semaphore, #tpu.memory_space<semaphore_mem>>
      %dma_start3A_164 = tpu.memref_slice %arg14[%mul3A_2] : memref<131072xi32, #tpu.memory_space<hbm>> -> memref<4096xi32, #tpu.memory_space<hbm>>
      %dma_start3A_165 = tpu.memref_slice %arg14[%mul3A_2] : memref<131072xi32, #tpu.memory_space<hbm>> -> memref<4096xi32, #tpu.memory_space<hbm>>
      tpu.enqueue_dma source(%arg20 : memref<4096xi32, #tpu.memory_space<vmem>>) target(%dma_start3A_165 : memref<4096xi32, #tpu.memory_space<hbm>>) target_semaphore(%run_scoped3A : memref<!tpu.dma_semaphore, #tpu.memory_space<semaphore_mem>>)
      %dma_wait3A_166 = tpu.memref_slice %arg14[%mul3A_2] : memref<131072xi32, #tpu.memory_space<hbm>> -> memref<4096xi32, #tpu.memory_space<hbm>>
      %dma_wait3A_167 = tpu.memref_slice %arg14[%mul3A_2] : memref<131072xi32, #tpu.memory_space<hbm>> -> memref<4096xi32, #tpu.memory_space<hbm>>
      tpu.wait_dma2 semaphore(%run_scoped3A : memref<!tpu.dma_semaphore, #tpu.memory_space<semaphore_mem>>) src(%arg20 : memref<4096xi32, #tpu.memory_space<vmem>>) dst(%dma_wait3A_167 : memref<4096xi32, #tpu.memory_space<hbm>>)
      tpu.yield
    }) : () -> ()
    "tpu.region"() ({
      %run_scoped3A = tpu.sem_alloc : memref<!tpu.dma_semaphore, #tpu.memory_space<semaphore_mem>>
      %dma_start3A_164 = arith.constant 0 : i32
      %dma_start3A_165 = tpu.memref_slice %arg4[%add3A, %dma_start3A_164] : memref<32x256xi32, #tpu.memory_space<hbm>> -> memref<1x256xi32, #tpu.memory_space<hbm>>
      %dma_start3A_166 = tpu.memref_squeeze %dma_start3A_165 : memref<1x256xi32, #tpu.memory_space<hbm>> -> memref<256xi32, #tpu.memory_space<hbm>>
      %dma_start3A_167 = arith.constant 0 : i32
      %dma_start3A_168 = tpu.memref_slice %arg4[%add3A, %dma_start3A_167] : memref<32x256xi32, #tpu.memory_space<hbm>> -> memref<1x256xi32, #tpu.memory_space<hbm>>
      %dma_start3A_169 = tpu.memref_squeeze %dma_start3A_168 : memref<1x256xi32, #tpu.memory_space<hbm>> -> memref<256xi32, #tpu.memory_space<hbm>>
      tpu.enqueue_dma source(%dma_start3A_169 : memref<256xi32, #tpu.memory_space<hbm>>) target(%arg21 : memref<256xi32, #tpu.memory_space<vmem>>) target_semaphore(%run_scoped3A : memref<!tpu.dma_semaphore, #tpu.memory_space<semaphore_mem>>)
      %dma_wait3A_170 = arith.constant 0 : i32
      %dma_wait3A_171 = tpu.memref_slice %arg4[%add3A, %dma_wait3A_170] : memref<32x256xi32, #tpu.memory_space<hbm>> -> memref<1x256xi32, #tpu.memory_space<hbm>>
      %dma_wait3A_172 = tpu.memref_squeeze %dma_wait3A_171 : memref<1x256xi32, #tpu.memory_space<hbm>> -> memref<256xi32, #tpu.memory_space<hbm>>
      %dma_wait3A_173 = arith.constant 0 : i32
      %dma_wait3A_174 = tpu.memref_slice %arg4[%add3A, %dma_wait3A_173] : memref<32x256xi32, #tpu.memory_space<hbm>> -> memref<1x256xi32, #tpu.memory_space<hbm>>
      %dma_wait3A_175 = tpu.memref_squeeze %dma_wait3A_174 : memref<1x256xi32, #tpu.memory_space<hbm>> -> memref<256xi32, #tpu.memory_space<hbm>>
      tpu.wait_dma2 semaphore(%run_scoped3A : memref<!tpu.dma_semaphore, #tpu.memory_space<semaphore_mem>>) src(%dma_wait3A_175 : memref<256xi32, #tpu.memory_space<hbm>>) dst(%arg21 : memref<256xi32, #tpu.memory_space<vmem>>)
      tpu.yield
    }) : () -> ()
    %scan3A_52 = arith.constant 0 : i32
    %scan3A_53 = arith.constant 0 : i32
    %scan3A_54 = arith.constant 16 : i32
    %scan3A_55 = arith.addi %scan3A_53, %scan3A_54 : i32
    %scan3A_56 = arith.constant 1 : i32
    scf.for %scan3A_164 = %scan3A_53 to %scan3A_55 step %scan3A_56  : i32 {
      %mul3A_165 = arith.constant 16 : i32
      %mul3A_166 = arith.muli %scan3A_164, %mul3A_165 : i32
      %get3A = arith.index_cast %mul3A_166 : i32 to index
      %get3A_167 = tpu.vector_load %arg21[%get3A] {strides = array<i32>} : memref<256xi32, #tpu.memory_space<vmem>>, vector<16xi32>,
      %gather3A = tpu.vector_load_idx %arg19[%get3A_167] : memref<4096xi32, #tpu.memory_space<vmem>>[vector<16xi32>], vector<16xi32>,
      %mul3A_168 = arith.constant 16 : i32
      %mul3A_169 = arith.muli %scan3A_164, %mul3A_168 : i32
      %swap3A = arith.index_cast %mul3A_169 : i32 to index
      %swap3A_170 = tpu.vector_load %arg22[%swap3A] {strides = array<i32>} : memref<256xi32, #tpu.memory_space<vmem>>, vector<16xi32>,
      tpu.vector_store %arg22[%swap3A], %gather3A {strides = array<i32>} : memref<256xi32, #tpu.memory_space<vmem>>, vector<16xi32>,
    }
    %scan3A_57 = arith.constant 16 : i32
    %scan3A_58 = arith.constant 0 : i32
    %scan3A_59 = arith.constant 0 : i32
    %scan3A_60 = arith.constant 16 : i32
    %scan3A_61 = arith.addi %scan3A_59, %scan3A_60 : i32
    %scan3A_62 = arith.constant 1 : i32
    scf.for %scan3A_164 = %scan3A_59 to %scan3A_61 step %scan3A_62  : i32 {
      %mul3A_165 = arith.constant 2 : i32
      %mul3A_166 = arith.muli %scan3A_164, %mul3A_165 : i32
      %mul3A_167 = arith.constant 128 : i32
      %mul3A_168 = arith.muli %mul3A_166, %mul3A_167 : i32
      %add3A_169 = arith.constant 128 : i32
      %add3A_170 = arith.addi %mul3A_168, %add3A_169 : i32
      %dma_start3A_171 = tpu.memref_slice %arg18[%mul3A_168] : memref<4096xi32, #tpu.memory_space<vmem>> -> memref<128xi32, #tpu.memory_space<vmem>>
      %dma_start3A_172 = arith.constant 0 : i32
      %dma_start3A_173 = arith.constant 0 : i32
      %dma_start3A_174 = tpu.memref_slice %arg5[%dma_start3A_172, %dma_start3A_173] : memref<131072x128xf32, #tpu.memory_space<hbm>> -> memref<131072x128xf32, #tpu.memory_space<hbm>>
      tpu.enqueue_indirect_dma source(%dma_start3A_174 : memref<131072x128xf32, #tpu.memory_space<hbm>>) target(%arg23 : memref<128x128xf32, #tpu.memory_space<vmem>>) offsets(%dma_start3A_171 : memref<128xi32, #tpu.memory_space<vmem>>) semaphore(%arg25 : memref<!tpu.dma_semaphore, #tpu.memory_space<semaphore_mem>>)
      %dma_start3A_175 = tpu.memref_slice %arg18[%add3A_170] : memref<4096xi32, #tpu.memory_space<vmem>> -> memref<128xi32, #tpu.memory_space<vmem>>
      %dma_start3A_176 = arith.constant 0 : i32
      %dma_start3A_177 = arith.constant 0 : i32
      %dma_start3A_178 = tpu.memref_slice %arg5[%dma_start3A_176, %dma_start3A_177] : memref<131072x128xf32, #tpu.memory_space<hbm>> -> memref<131072x128xf32, #tpu.memory_space<hbm>>
      tpu.enqueue_indirect_dma source(%dma_start3A_178 : memref<131072x128xf32, #tpu.memory_space<hbm>>) target(%arg24 : memref<128x128xf32, #tpu.memory_space<vmem>>) offsets(%dma_start3A_175 : memref<128xi32, #tpu.memory_space<vmem>>) semaphore(%arg26 : memref<!tpu.dma_semaphore, #tpu.memory_space<semaphore_mem>>)
      %dma_wait3A_179 = tpu.memref_slice %arg18[%mul3A_168] : memref<4096xi32, #tpu.memory_space<vmem>> -> memref<128xi32, #tpu.memory_space<vmem>>
      %dma_wait3A_180 = arith.constant 0 : i32
      %dma_wait3A_181 = arith.constant 0 : i32
      %dma_wait3A_182 = tpu.memref_slice %arg5[%dma_wait3A_180, %dma_wait3A_181] : memref<131072x128xf32, #tpu.memory_space<hbm>> -> memref<131072x128xf32, #tpu.memory_space<hbm>>
      tpu.wait_indirect_dma semaphore(%arg25 : memref<!tpu.dma_semaphore, #tpu.memory_space<semaphore_mem>>) src(%dma_wait3A_182 : memref<131072x128xf32, #tpu.memory_space<hbm>>) dst(%arg23 : memref<128x128xf32, #tpu.memory_space<vmem>>)
      %add3A_183 = arith.addi %mul3A_2, %mul3A_168 : i32
      %dma_start3A_184 = arith.constant 0 : i32
      %dma_start3A_185 = tpu.memref_slice %arg9[%add3A_183, %dma_start3A_184] : memref<131072x128xf32, #tpu.memory_space<hbm>> -> memref<128x128xf32, #tpu.memory_space<hbm>>
      %dma_start3A_186 = arith.constant 0 : i32
      %dma_start3A_187 = tpu.memref_slice %arg9[%add3A_183, %dma_start3A_186] : memref<131072x128xf32, #tpu.memory_space<hbm>> -> memref<128x128xf32, #tpu.memory_space<hbm>>
      tpu.enqueue_dma source(%arg23 : memref<128x128xf32, #tpu.memory_space<vmem>>) target(%dma_start3A_187 : memref<128x128xf32, #tpu.memory_space<hbm>>) target_semaphore(%arg27 : memref<!tpu.dma_semaphore, #tpu.memory_space<semaphore_mem>>)
      %dma_wait3A_188 = tpu.memref_slice %arg18[%add3A_170] : memref<4096xi32, #tpu.memory_space<vmem>> -> memref<128xi32, #tpu.memory_space<vmem>>
      %dma_wait3A_189 = arith.constant 0 : i32
      %dma_wait3A_190 = arith.constant 0 : i32
      %dma_wait3A_191 = tpu.memref_slice %arg5[%dma_wait3A_189, %dma_wait3A_190] : memref<131072x128xf32, #tpu.memory_space<hbm>> -> memref<131072x128xf32, #tpu.memory_space<hbm>>
      tpu.wait_indirect_dma semaphore(%arg26 : memref<!tpu.dma_semaphore, #tpu.memory_space<semaphore_mem>>) src(%dma_wait3A_191 : memref<131072x128xf32, #tpu.memory_space<hbm>>) dst(%arg24 : memref<128x128xf32, #tpu.memory_space<vmem>>)
      %add3A_192 = arith.addi %mul3A_2, %add3A_170 : i32
      %dma_start3A_193 = arith.constant 0 : i32
      %dma_start3A_194 = tpu.memref_slice %arg9[%add3A_192, %dma_start3A_193] : memref<131072x128xf32, #tpu.memory_space<hbm>> -> memref<128x128xf32, #tpu.memory_space<hbm>>
      %dma_start3A_195 = arith.constant 0 : i32
      %dma_start3A_196 = tpu.memref_slice %arg9[%add3A_192, %dma_start3A_195] : memref<131072x128xf32, #tpu.memory_space<hbm>> -> memref<128x128xf32, #tpu.memory_space<hbm>>
      tpu.enqueue_dma source(%arg24 : memref<128x128xf32, #tpu.memory_space<vmem>>) target(%dma_start3A_196 : memref<128x128xf32, #tpu.memory_space<hbm>>) target_semaphore(%arg28 : memref<!tpu.dma_semaphore, #tpu.memory_space<semaphore_mem>>)
      %dma_wait3A_197 = arith.constant 0 : i32
      %dma_wait3A_198 = tpu.memref_slice %arg9[%add3A_183, %dma_wait3A_197] : memref<131072x128xf32, #tpu.memory_space<hbm>> -> memref<128x128xf32, #tpu.memory_space<hbm>>
      %dma_wait3A_199 = arith.constant 0 : i32
      %dma_wait3A_200 = tpu.memref_slice %arg9[%add3A_183, %dma_wait3A_199] : memref<131072x128xf32, #tpu.memory_space<hbm>> -> memref<128x128xf32, #tpu.memory_space<hbm>>
      tpu.wait_dma2 semaphore(%arg27 : memref<!tpu.dma_semaphore, #tpu.memory_space<semaphore_mem>>) src(%arg23 : memref<128x128xf32, #tpu.memory_space<vmem>>) dst(%dma_wait3A_200 : memref<128x128xf32, #tpu.memory_space<hbm>>)
      %dma_wait3A_201 = arith.constant 0 : i32
      %dma_wait3A_202 = tpu.memref_slice %arg9[%add3A_192, %dma_wait3A_201] : memref<131072x128xf32, #tpu.memory_space<hbm>> -> memref<128x128xf32, #tpu.memory_space<hbm>>
      %dma_wait3A_203 = arith.constant 0 : i32
      %dma_wait3A_204 = tpu.memref_slice %arg9[%add3A_192, %dma_wait3A_203] : memref<131072x128xf32, #tpu.memory_space<hbm>> -> memref<128x128xf32, #tpu.memory_space<hbm>>
      tpu.wait_dma2 semaphore(%arg28 : memref<!tpu.dma_semaphore, #tpu.memory_space<semaphore_mem>>) src(%arg24 : memref<128x128xf32, #tpu.memory_space<vmem>>) dst(%dma_wait3A_204 : memref<128x128xf32, #tpu.memory_space<hbm>>)
    }
    %scan3A_63 = arith.constant 16 : i32
    %scan3A_64 = arith.constant 0 : i32
    %scan3A_65 = arith.constant 0 : i32
    %scan3A_66 = arith.constant 16 : i32
    %scan3A_67 = arith.addi %scan3A_65, %scan3A_66 : i32
    %scan3A_68 = arith.constant 1 : i32
    scf.for %scan3A_164 = %scan3A_65 to %scan3A_67 step %scan3A_68  : i32 {
      %mul3A_165 = arith.constant 2 : i32
      %mul3A_166 = arith.muli %scan3A_164, %mul3A_165 : i32
      %mul3A_167 = arith.constant 128 : i32
      %mul3A_168 = arith.muli %mul3A_166, %mul3A_167 : i32
      %add3A_169 = arith.constant 128 : i32
      %add3A_170 = arith.addi %mul3A_168, %add3A_169 : i32
      %dma_start3A_171 = tpu.memref_slice %arg19[%mul3A_168] : memref<4096xi32, #tpu.memory_space<vmem>> -> memref<128xi32, #tpu.memory_space<vmem>>
      %dma_start3A_172 = arith.constant 0 : i32
      %dma_start3A_173 = arith.constant 0 : i32
      %dma_start3A_174 = tpu.memref_slice %arg6[%dma_start3A_172, %dma_start3A_173] : memref<131072x128xf32, #tpu.memory_space<hbm>> -> memref<131072x128xf32, #tpu.memory_space<hbm>>
      tpu.enqueue_indirect_dma source(%dma_start3A_174 : memref<131072x128xf32, #tpu.memory_space<hbm>>) target(%arg23 : memref<128x128xf32, #tpu.memory_space<vmem>>) offsets(%dma_start3A_171 : memref<128xi32, #tpu.memory_space<vmem>>) semaphore(%arg25 : memref<!tpu.dma_semaphore, #tpu.memory_space<semaphore_mem>>)
      %dma_start3A_175 = tpu.memref_slice %arg19[%add3A_170] : memref<4096xi32, #tpu.memory_space<vmem>> -> memref<128xi32, #tpu.memory_space<vmem>>
      %dma_start3A_176 = arith.constant 0 : i32
      %dma_start3A_177 = arith.constant 0 : i32
      %dma_start3A_178 = tpu.memref_slice %arg6[%dma_start3A_176, %dma_start3A_177] : memref<131072x128xf32, #tpu.memory_space<hbm>> -> memref<131072x128xf32, #tpu.memory_space<hbm>>
      tpu.enqueue_indirect_dma source(%dma_start3A_178 : memref<131072x128xf32, #tpu.memory_space<hbm>>) target(%arg24 : memref<128x128xf32, #tpu.memory_space<vmem>>) offsets(%dma_start3A_175 : memref<128xi32, #tpu.memory_space<vmem>>) semaphore(%arg26 : memref<!tpu.dma_semaphore, #tpu.memory_space<semaphore_mem>>)
      %dma_wait3A_179 = tpu.memref_slice %arg19[%mul3A_168] : memref<4096xi32, #tpu.memory_space<vmem>> -> memref<128xi32, #tpu.memory_space<vmem>>
      %dma_wait3A_180 = arith.constant 0 : i32
      %dma_wait3A_181 = arith.constant 0 : i32
      %dma_wait3A_182 = tpu.memref_slice %arg6[%dma_wait3A_180, %dma_wait3A_181] : memref<131072x128xf32, #tpu.memory_space<hbm>> -> memref<131072x128xf32, #tpu.memory_space<hbm>>
      tpu.wait_indirect_dma semaphore(%arg25 : memref<!tpu.dma_semaphore, #tpu.memory_space<semaphore_mem>>) src(%dma_wait3A_182 : memref<131072x128xf32, #tpu.memory_space<hbm>>) dst(%arg23 : memref<128x128xf32, #tpu.memory_space<vmem>>)
      %add3A_183 = arith.addi %mul3A_2, %mul3A_168 : i32
      %dma_start3A_184 = arith.constant 0 : i32
      %dma_start3A_185 = tpu.memref_slice %arg10[%add3A_183, %dma_start3A_184] : memref<131072x128xf32, #tpu.memory_space<hbm>> -> memref<128x128xf32, #tpu.memory_space<hbm>>
      %dma_start3A_186 = arith.constant 0 : i32
      %dma_start3A_187 = tpu.memref_slice %arg10[%add3A_183, %dma_start3A_186] : memref<131072x128xf32, #tpu.memory_space<hbm>> -> memref<128x128xf32, #tpu.memory_space<hbm>>
      tpu.enqueue_dma source(%arg23 : memref<128x128xf32, #tpu.memory_space<vmem>>) target(%dma_start3A_187 : memref<128x128xf32, #tpu.memory_space<hbm>>) target_semaphore(%arg27 : memref<!tpu.dma_semaphore, #tpu.memory_space<semaphore_mem>>)
      %dma_wait3A_188 = tpu.memref_slice %arg19[%add3A_170] : memref<4096xi32, #tpu.memory_space<vmem>> -> memref<128xi32, #tpu.memory_space<vmem>>
      %dma_wait3A_189 = arith.constant 0 : i32
      %dma_wait3A_190 = arith.constant 0 : i32
      %dma_wait3A_191 = tpu.memref_slice %arg6[%dma_wait3A_189, %dma_wait3A_190] : memref<131072x128xf32, #tpu.memory_space<hbm>> -> memref<131072x128xf32, #tpu.memory_space<hbm>>
      tpu.wait_indirect_dma semaphore(%arg26 : memref<!tpu.dma_semaphore, #tpu.memory_space<semaphore_mem>>) src(%dma_wait3A_191 : memref<131072x128xf32, #tpu.memory_space<hbm>>) dst(%arg24 : memref<128x128xf32, #tpu.memory_space<vmem>>)
      %add3A_192 = arith.addi %mul3A_2, %add3A_170 : i32
      %dma_start3A_193 = arith.constant 0 : i32
      %dma_start3A_194 = tpu.memref_slice %arg10[%add3A_192, %dma_start3A_193] : memref<131072x128xf32, #tpu.memory_space<hbm>> -> memref<128x128xf32, #tpu.memory_space<hbm>>
      %dma_start3A_195 = arith.constant 0 : i32
      %dma_start3A_196 = tpu.memref_slice %arg10[%add3A_192, %dma_start3A_195] : memref<131072x128xf32, #tpu.memory_space<hbm>> -> memref<128x128xf32, #tpu.memory_space<hbm>>
      tpu.enqueue_dma source(%arg24 : memref<128x128xf32, #tpu.memory_space<vmem>>) target(%dma_start3A_196 : memref<128x128xf32, #tpu.memory_space<hbm>>) target_semaphore(%arg28 : memref<!tpu.dma_semaphore, #tpu.memory_space<semaphore_mem>>)
      %dma_wait3A_197 = arith.constant 0 : i32
      %dma_wait3A_198 = tpu.memref_slice %arg10[%add3A_183, %dma_wait3A_197] : memref<131072x128xf32, #tpu.memory_space<hbm>> -> memref<128x128xf32, #tpu.memory_space<hbm>>
      %dma_wait3A_199 = arith.constant 0 : i32
      %dma_wait3A_200 = tpu.memref_slice %arg10[%add3A_183, %dma_wait3A_199] : memref<131072x128xf32, #tpu.memory_space<hbm>> -> memref<128x128xf32, #tpu.memory_space<hbm>>
      tpu.wait_dma2 semaphore(%arg27 : memref<!tpu.dma_semaphore, #tpu.memory_space<semaphore_mem>>) src(%arg23 : memref<128x128xf32, #tpu.memory_space<vmem>>) dst(%dma_wait3A_200 : memref<128x128xf32, #tpu.memory_space<hbm>>)
      %dma_wait3A_201 = arith.constant 0 : i32
      %dma_wait3A_202 = tpu.memref_slice %arg10[%add3A_192, %dma_wait3A_201] : memref<131072x128xf32, #tpu.memory_space<hbm>> -> memref<128x128xf32, #tpu.memory_space<hbm>>
      %dma_wait3A_203 = arith.constant 0 : i32
      %dma_wait3A_204 = tpu.memref_slice %arg10[%add3A_192, %dma_wait3A_203] : memref<131072x128xf32, #tpu.memory_space<hbm>> -> memref<128x128xf32, #tpu.memory_space<hbm>>
      tpu.wait_dma2 semaphore(%arg28 : memref<!tpu.dma_semaphore, #tpu.memory_space<semaphore_mem>>) src(%arg24 : memref<128x128xf32, #tpu.memory_space<vmem>>) dst(%dma_wait3A_204 : memref<128x128xf32, #tpu.memory_space<hbm>>)
    }
    %scan3A_69 = arith.constant 16 : i32
    %scan3A_70 = arith.constant 0 : i32
    %scan3A_71 = arith.constant 0 : i32
    %scan3A_72 = arith.constant 16 : i32
    %scan3A_73 = arith.addi %scan3A_71, %scan3A_72 : i32
    %scan3A_74 = arith.constant 1 : i32
    scf.for %scan3A_164 = %scan3A_71 to %scan3A_73 step %scan3A_74  : i32 {
      %mul3A_165 = arith.constant 2 : i32
      %mul3A_166 = arith.muli %scan3A_164, %mul3A_165 : i32
      %mul3A_167 = arith.constant 128 : i32
      %mul3A_168 = arith.muli %mul3A_166, %mul3A_167 : i32
      %add3A_169 = arith.constant 128 : i32
      %add3A_170 = arith.addi %mul3A_168, %add3A_169 : i32
      %dma_start3A_171 = tpu.memref_slice %arg19[%mul3A_168] : memref<4096xi32, #tpu.memory_space<vmem>> -> memref<128xi32, #tpu.memory_space<vmem>>
      %dma_start3A_172 = arith.constant 0 : i32
      %dma_start3A_173 = arith.constant 0 : i32
      %dma_start3A_174 = tpu.memref_slice %arg7[%dma_start3A_172, %dma_start3A_173] : memref<131072x128xf32, #tpu.memory_space<hbm>> -> memref<131072x128xf32, #tpu.memory_space<hbm>>
      tpu.enqueue_indirect_dma source(%dma_start3A_174 : memref<131072x128xf32, #tpu.memory_space<hbm>>) target(%arg23 : memref<128x128xf32, #tpu.memory_space<vmem>>) offsets(%dma_start3A_171 : memref<128xi32, #tpu.memory_space<vmem>>) semaphore(%arg25 : memref<!tpu.dma_semaphore, #tpu.memory_space<semaphore_mem>>)
      %dma_start3A_175 = tpu.memref_slice %arg19[%add3A_170] : memref<4096xi32, #tpu.memory_space<vmem>> -> memref<128xi32, #tpu.memory_space<vmem>>
      %dma_start3A_176 = arith.constant 0 : i32
      %dma_start3A_177 = arith.constant 0 : i32
      %dma_start3A_178 = tpu.memref_slice %arg7[%dma_start3A_176, %dma_start3A_177] : memref<131072x128xf32, #tpu.memory_space<hbm>> -> memref<131072x128xf32, #tpu.memory_space<hbm>>
      tpu.enqueue_indirect_dma source(%dma_start3A_178 : memref<131072x128xf32, #tpu.memory_space<hbm>>) target(%arg24 : memref<128x128xf32, #tpu.memory_space<vmem>>) offsets(%dma_start3A_175 : memref<128xi32, #tpu.memory_space<vmem>>) semaphore(%arg26 : memref<!tpu.dma_semaphore, #tpu.memory_space<semaphore_mem>>)
      %dma_wait3A_179 = tpu.memref_slice %arg19[%mul3A_168] : memref<4096xi32, #tpu.memory_space<vmem>> -> memref<128xi32, #tpu.memory_space<vmem>>
      %dma_wait3A_180 = arith.constant 0 : i32
      %dma_wait3A_181 = arith.constant 0 : i32
      %dma_wait3A_182 = tpu.memref_slice %arg7[%dma_wait3A_180, %dma_wait3A_181] : memref<131072x128xf32, #tpu.memory_space<hbm>> -> memref<131072x128xf32, #tpu.memory_space<hbm>>
      tpu.wait_indirect_dma semaphore(%arg25 : memref<!tpu.dma_semaphore, #tpu.memory_space<semaphore_mem>>) src(%dma_wait3A_182 : memref<131072x128xf32, #tpu.memory_space<hbm>>) dst(%arg23 : memref<128x128xf32, #tpu.memory_space<vmem>>)
      %add3A_183 = arith.addi %mul3A_2, %mul3A_168 : i32
      %dma_start3A_184 = arith.constant 0 : i32
      %dma_start3A_185 = tpu.memref_slice %arg11[%add3A_183, %dma_start3A_184] : memref<131072x128xf32, #tpu.memory_space<hbm>> -> memref<128x128xf32, #tpu.memory_space<hbm>>
      %dma_start3A_186 = arith.constant 0 : i32
      %dma_start3A_187 = tpu.memref_slice %arg11[%add3A_183, %dma_start3A_186] : memref<131072x128xf32, #tpu.memory_space<hbm>> -> memref<128x128xf32, #tpu.memory_space<hbm>>
      tpu.enqueue_dma source(%arg23 : memref<128x128xf32, #tpu.memory_space<vmem>>) target(%dma_start3A_187 : memref<128x128xf32, #tpu.memory_space<hbm>>) target_semaphore(%arg27 : memref<!tpu.dma_semaphore, #tpu.memory_space<semaphore_mem>>)
      %dma_wait3A_188 = tpu.memref_slice %arg19[%add3A_170] : memref<4096xi32, #tpu.memory_space<vmem>> -> memref<128xi32, #tpu.memory_space<vmem>>
      %dma_wait3A_189 = arith.constant 0 : i32
      %dma_wait3A_190 = arith.constant 0 : i32
      %dma_wait3A_191 = tpu.memref_slice %arg7[%dma_wait3A_189, %dma_wait3A_190] : memref<131072x128xf32, #tpu.memory_space<hbm>> -> memref<131072x128xf32, #tpu.memory_space<hbm>>
      tpu.wait_indirect_dma semaphore(%arg26 : memref<!tpu.dma_semaphore, #tpu.memory_space<semaphore_mem>>) src(%dma_wait3A_191 : memref<131072x128xf32, #tpu.memory_space<hbm>>) dst(%arg24 : memref<128x128xf32, #tpu.memory_space<vmem>>)
      %add3A_192 = arith.addi %mul3A_2, %add3A_170 : i32
      %dma_start3A_193 = arith.constant 0 : i32
      %dma_start3A_194 = tpu.memref_slice %arg11[%add3A_192, %dma_start3A_193] : memref<131072x128xf32, #tpu.memory_space<hbm>> -> memref<128x128xf32, #tpu.memory_space<hbm>>
      %dma_start3A_195 = arith.constant 0 : i32
      %dma_start3A_196 = tpu.memref_slice %arg11[%add3A_192, %dma_start3A_195] : memref<131072x128xf32, #tpu.memory_space<hbm>> -> memref<128x128xf32, #tpu.memory_space<hbm>>
      tpu.enqueue_dma source(%arg24 : memref<128x128xf32, #tpu.memory_space<vmem>>) target(%dma_start3A_196 : memref<128x128xf32, #tpu.memory_space<hbm>>) target_semaphore(%arg28 : memref<!tpu.dma_semaphore, #tpu.memory_space<semaphore_mem>>)
      %dma_wait3A_197 = arith.constant 0 : i32
      %dma_wait3A_198 = tpu.memref_slice %arg11[%add3A_183, %dma_wait3A_197] : memref<131072x128xf32, #tpu.memory_space<hbm>> -> memref<128x128xf32, #tpu.memory_space<hbm>>
      %dma_wait3A_199 = arith.constant 0 : i32
      %dma_wait3A_200 = tpu.memref_slice %arg11[%add3A_183, %dma_wait3A_199] : memref<131072x128xf32, #tpu.memory_space<hbm>> -> memref<128x128xf32, #tpu.memory_space<hbm>>
      tpu.wait_dma2 semaphore(%arg27 : memref<!tpu.dma_semaphore, #tpu.memory_space<semaphore_mem>>) src(%arg23 : memref<128x128xf32, #tpu.memory_space<vmem>>) dst(%dma_wait3A_200 : memref<128x128xf32, #tpu.memory_space<hbm>>)
      %dma_wait3A_201 = arith.constant 0 : i32
      %dma_wait3A_202 = tpu.memref_slice %arg11[%add3A_192, %dma_wait3A_201] : memref<131072x128xf32, #tpu.memory_space<hbm>> -> memref<128x128xf32, #tpu.memory_space<hbm>>
      %dma_wait3A_203 = arith.constant 0 : i32
      %dma_wait3A_204 = tpu.memref_slice %arg11[%add3A_192, %dma_wait3A_203] : memref<131072x128xf32, #tpu.memory_space<hbm>> -> memref<128x128xf32, #tpu.memory_space<hbm>>
      tpu.wait_dma2 semaphore(%arg28 : memref<!tpu.dma_semaphore, #tpu.memory_space<semaphore_mem>>) src(%arg24 : memref<128x128xf32, #tpu.memory_space<vmem>>) dst(%dma_wait3A_204 : memref<128x128xf32, #tpu.memory_space<hbm>>)
    }
    %scan3A_75 = arith.constant 16 : i32
    %mul3A_76 = arith.constant 256 : i32
    %mul3A_77 = arith.muli %add3A, %mul3A_76 : i32
    %scan3A_78 = arith.constant 0 : i32
    %scan3A_79 = arith.constant 0 : i32
    %mul3A_80 = arith.constant 2 : i32
    %mul3A_81 = arith.muli %scan3A_79, %mul3A_80 : i32
    %mul3A_82 = arith.constant 128 : i32
    %mul3A_83 = arith.muli %mul3A_81, %mul3A_82 : i32
    %add3A_84 = arith.constant 128 : i32
    %add3A_85 = arith.addi %mul3A_83, %add3A_84 : i32
    %dma_start3A = tpu.memref_slice %arg22[%mul3A_83] : memref<256xi32, #tpu.memory_space<vmem>> -> memref<128xi32, #tpu.memory_space<vmem>>
    %dma_start3A_86 = arith.constant 0 : i32
    %dma_start3A_87 = arith.constant 0 : i32
    %dma_start3A_88 = tpu.memref_slice %arg6[%dma_start3A_86, %dma_start3A_87] : memref<131072x128xf32, #tpu.memory_space<hbm>> -> memref<131072x128xf32, #tpu.memory_space<hbm>>
    tpu.enqueue_indirect_dma source(%dma_start3A_88 : memref<131072x128xf32, #tpu.memory_space<hbm>>) target(%arg23 : memref<128x128xf32, #tpu.memory_space<vmem>>) offsets(%dma_start3A : memref<128xi32, #tpu.memory_space<vmem>>) semaphore(%arg25 : memref<!tpu.dma_semaphore, #tpu.memory_space<semaphore_mem>>)
    %dma_start3A_89 = tpu.memref_slice %arg22[%add3A_85] : memref<256xi32, #tpu.memory_space<vmem>> -> memref<128xi32, #tpu.memory_space<vmem>>
    %dma_start3A_90 = arith.constant 0 : i32
    %dma_start3A_91 = arith.constant 0 : i32
    %dma_start3A_92 = tpu.memref_slice %arg6[%dma_start3A_90, %dma_start3A_91] : memref<131072x128xf32, #tpu.memory_space<hbm>> -> memref<131072x128xf32, #tpu.memory_space<hbm>>
    tpu.enqueue_indirect_dma source(%dma_start3A_92 : memref<131072x128xf32, #tpu.memory_space<hbm>>) target(%arg24 : memref<128x128xf32, #tpu.memory_space<vmem>>) offsets(%dma_start3A_89 : memref<128xi32, #tpu.memory_space<vmem>>) semaphore(%arg26 : memref<!tpu.dma_semaphore, #tpu.memory_space<semaphore_mem>>)
    %dma_wait3A = tpu.memref_slice %arg22[%mul3A_83] : memref<256xi32, #tpu.memory_space<vmem>> -> memref<128xi32, #tpu.memory_space<vmem>>
    %dma_wait3A_93 = arith.constant 0 : i32
    %dma_wait3A_94 = arith.constant 0 : i32
    %dma_wait3A_95 = tpu.memref_slice %arg6[%dma_wait3A_93, %dma_wait3A_94] : memref<131072x128xf32, #tpu.memory_space<hbm>> -> memref<131072x128xf32, #tpu.memory_space<hbm>>
    tpu.wait_indirect_dma semaphore(%arg25 : memref<!tpu.dma_semaphore, #tpu.memory_space<semaphore_mem>>) src(%dma_wait3A_95 : memref<131072x128xf32, #tpu.memory_space<hbm>>) dst(%arg23 : memref<128x128xf32, #tpu.memory_space<vmem>>)
    %add3A_96 = arith.addi %mul3A_77, %mul3A_83 : i32
    %dma_start3A_97 = arith.constant 0 : i32
    %dma_start3A_98 = tpu.memref_slice %arg12[%add3A_96, %dma_start3A_97] : memref<8192x128xf32, #tpu.memory_space<hbm>> -> memref<128x128xf32, #tpu.memory_space<hbm>>
    %dma_start3A_99 = arith.constant 0 : i32
    %dma_start3A_100 = tpu.memref_slice %arg12[%add3A_96, %dma_start3A_99] : memref<8192x128xf32, #tpu.memory_space<hbm>> -> memref<128x128xf32, #tpu.memory_space<hbm>>
    tpu.enqueue_dma source(%arg23 : memref<128x128xf32, #tpu.memory_space<vmem>>) target(%dma_start3A_100 : memref<128x128xf32, #tpu.memory_space<hbm>>) target_semaphore(%arg27 : memref<!tpu.dma_semaphore, #tpu.memory_space<semaphore_mem>>)
    %dma_wait3A_101 = tpu.memref_slice %arg22[%add3A_85] : memref<256xi32, #tpu.memory_space<vmem>> -> memref<128xi32, #tpu.memory_space<vmem>>
    %dma_wait3A_102 = arith.constant 0 : i32
    %dma_wait3A_103 = arith.constant 0 : i32
    %dma_wait3A_104 = tpu.memref_slice %arg6[%dma_wait3A_102, %dma_wait3A_103] : memref<131072x128xf32, #tpu.memory_space<hbm>> -> memref<131072x128xf32, #tpu.memory_space<hbm>>
    tpu.wait_indirect_dma semaphore(%arg26 : memref<!tpu.dma_semaphore, #tpu.memory_space<semaphore_mem>>) src(%dma_wait3A_104 : memref<131072x128xf32, #tpu.memory_space<hbm>>) dst(%arg24 : memref<128x128xf32, #tpu.memory_space<vmem>>)
    %add3A_105 = arith.addi %mul3A_77, %add3A_85 : i32
    %dma_start3A_106 = arith.constant 0 : i32
    %dma_start3A_107 = tpu.memref_slice %arg12[%add3A_105, %dma_start3A_106] : memref<8192x128xf32, #tpu.memory_space<hbm>> -> memref<128x128xf32, #tpu.memory_space<hbm>>
    %dma_start3A_108 = arith.constant 0 : i32
    %dma_start3A_109 = tpu.memref_slice %arg12[%add3A_105, %dma_start3A_108] : memref<8192x128xf32, #tpu.memory_space<hbm>> -> memref<128x128xf32, #tpu.memory_space<hbm>>
    tpu.enqueue_dma source(%arg24 : memref<128x128xf32, #tpu.memory_space<vmem>>) target(%dma_start3A_109 : memref<128x128xf32, #tpu.memory_space<hbm>>) target_semaphore(%arg28 : memref<!tpu.dma_semaphore, #tpu.memory_space<semaphore_mem>>)
    %dma_wait3A_110 = arith.constant 0 : i32
    %dma_wait3A_111 = tpu.memref_slice %arg12[%add3A_96, %dma_wait3A_110] : memref<8192x128xf32, #tpu.memory_space<hbm>> -> memref<128x128xf32, #tpu.memory_space<hbm>>
    %dma_wait3A_112 = arith.constant 0 : i32
    %dma_wait3A_113 = tpu.memref_slice %arg12[%add3A_96, %dma_wait3A_112] : memref<8192x128xf32, #tpu.memory_space<hbm>> -> memref<128x128xf32, #tpu.memory_space<hbm>>
    tpu.wait_dma2 semaphore(%arg27 : memref<!tpu.dma_semaphore, #tpu.memory_space<semaphore_mem>>) src(%arg23 : memref<128x128xf32, #tpu.memory_space<vmem>>) dst(%dma_wait3A_113 : memref<128x128xf32, #tpu.memory_space<hbm>>)
    %dma_wait3A_114 = arith.constant 0 : i32
    %dma_wait3A_115 = tpu.memref_slice %arg12[%add3A_105, %dma_wait3A_114] : memref<8192x128xf32, #tpu.memory_space<hbm>> -> memref<128x128xf32, #tpu.memory_space<hbm>>
    %dma_wait3A_116 = arith.constant 0 : i32
    %dma_wait3A_117 = tpu.memref_slice %arg12[%add3A_105, %dma_wait3A_116] : memref<8192x128xf32, #tpu.memory_space<hbm>> -> memref<128x128xf32, #tpu.memory_space<hbm>>
    tpu.wait_dma2 semaphore(%arg28 : memref<!tpu.dma_semaphore, #tpu.memory_space<semaphore_mem>>) src(%arg24 : memref<128x128xf32, #tpu.memory_space<vmem>>) dst(%dma_wait3A_117 : memref<128x128xf32, #tpu.memory_space<hbm>>)
    %scan3A_118 = arith.constant 1 : i32
    %mul3A_119 = arith.constant 256 : i32
    %mul3A_120 = arith.muli %add3A, %mul3A_119 : i32
    %scan3A_121 = arith.constant 0 : i32
    %scan3A_122 = arith.constant 0 : i32
    %mul3A_123 = arith.constant 2 : i32
    %mul3A_124 = arith.muli %scan3A_122, %mul3A_123 : i32
    %mul3A_125 = arith.constant 128 : i32
    %mul3A_126 = arith.muli %mul3A_124, %mul3A_125 : i32
    %add3A_127 = arith.constant 128 : i32
    %add3A_128 = arith.addi %mul3A_126, %add3A_127 : i32
    %dma_start3A_129 = tpu.memref_slice %arg22[%mul3A_126] : memref<256xi32, #tpu.memory_space<vmem>> -> memref<128xi32, #tpu.memory_space<vmem>>
    %dma_start3A_130 = arith.constant 0 : i32
    %dma_start3A_131 = arith.constant 0 : i32
    %dma_start3A_132 = tpu.memref_slice %arg7[%dma_start3A_130, %dma_start3A_131] : memref<131072x128xf32, #tpu.memory_space<hbm>> -> memref<131072x128xf32, #tpu.memory_space<hbm>>
    tpu.enqueue_indirect_dma source(%dma_start3A_132 : memref<131072x128xf32, #tpu.memory_space<hbm>>) target(%arg23 : memref<128x128xf32, #tpu.memory_space<vmem>>) offsets(%dma_start3A_129 : memref<128xi32, #tpu.memory_space<vmem>>) semaphore(%arg25 : memref<!tpu.dma_semaphore, #tpu.memory_space<semaphore_mem>>)
    %dma_start3A_133 = tpu.memref_slice %arg22[%add3A_128] : memref<256xi32, #tpu.memory_space<vmem>> -> memref<128xi32, #tpu.memory_space<vmem>>
    %dma_start3A_134 = arith.constant 0 : i32
    %dma_start3A_135 = arith.constant 0 : i32
    %dma_start3A_136 = tpu.memref_slice %arg7[%dma_start3A_134, %dma_start3A_135] : memref<131072x128xf32, #tpu.memory_space<hbm>> -> memref<131072x128xf32, #tpu.memory_space<hbm>>
    tpu.enqueue_indirect_dma source(%dma_start3A_136 : memref<131072x128xf32, #tpu.memory_space<hbm>>) target(%arg24 : memref<128x128xf32, #tpu.memory_space<vmem>>) offsets(%dma_start3A_133 : memref<128xi32, #tpu.memory_space<vmem>>) semaphore(%arg26 : memref<!tpu.dma_semaphore, #tpu.memory_space<semaphore_mem>>)
    %dma_wait3A_137 = tpu.memref_slice %arg22[%mul3A_126] : memref<256xi32, #tpu.memory_space<vmem>> -> memref<128xi32, #tpu.memory_space<vmem>>
    %dma_wait3A_138 = arith.constant 0 : i32
    %dma_wait3A_139 = arith.constant 0 : i32
    %dma_wait3A_140 = tpu.memref_slice %arg7[%dma_wait3A_138, %dma_wait3A_139] : memref<131072x128xf32, #tpu.memory_space<hbm>> -> memref<131072x128xf32, #tpu.memory_space<hbm>>
    tpu.wait_indirect_dma semaphore(%arg25 : memref<!tpu.dma_semaphore, #tpu.memory_space<semaphore_mem>>) src(%dma_wait3A_140 : memref<131072x128xf32, #tpu.memory_space<hbm>>) dst(%arg23 : memref<128x128xf32, #tpu.memory_space<vmem>>)
    %add3A_141 = arith.addi %mul3A_120, %mul3A_126 : i32
    %dma_start3A_142 = arith.constant 0 : i32
    %dma_start3A_143 = tpu.memref_slice %arg13[%add3A_141, %dma_start3A_142] : memref<8192x128xf32, #tpu.memory_space<hbm>> -> memref<128x128xf32, #tpu.memory_space<hbm>>
    %dma_start3A_144 = arith.constant 0 : i32
    %dma_start3A_145 = tpu.memref_slice %arg13[%add3A_141, %dma_start3A_144] : memref<8192x128xf32, #tpu.memory_space<hbm>> -> memref<128x128xf32, #tpu.memory_space<hbm>>
    tpu.enqueue_dma source(%arg23 : memref<128x128xf32, #tpu.memory_space<vmem>>) target(%dma_start3A_145 : memref<128x128xf32, #tpu.memory_space<hbm>>) target_semaphore(%arg27 : memref<!tpu.dma_semaphore, #tpu.memory_space<semaphore_mem>>)
    %dma_wait3A_146 = tpu.memref_slice %arg22[%add3A_128] : memref<256xi32, #tpu.memory_space<vmem>> -> memref<128xi32, #tpu.memory_space<vmem>>
    %dma_wait3A_147 = arith.constant 0 : i32
    %dma_wait3A_148 = arith.constant 0 : i32
    %dma_wait3A_149 = tpu.memref_slice %arg7[%dma_wait3A_147, %dma_wait3A_148] : memref<131072x128xf32, #tpu.memory_space<hbm>> -> memref<131072x128xf32, #tpu.memory_space<hbm>>
    tpu.wait_indirect_dma semaphore(%arg26 : memref<!tpu.dma_semaphore, #tpu.memory_space<semaphore_mem>>) src(%dma_wait3A_149 : memref<131072x128xf32, #tpu.memory_space<hbm>>) dst(%arg24 : memref<128x128xf32, #tpu.memory_space<vmem>>)
    %add3A_150 = arith.addi %mul3A_120, %add3A_128 : i32
    %dma_start3A_151 = arith.constant 0 : i32
    %dma_start3A_152 = tpu.memref_slice %arg13[%add3A_150, %dma_start3A_151] : memref<8192x128xf32, #tpu.memory_space<hbm>> -> memref<128x128xf32, #tpu.memory_space<hbm>>
    %dma_start3A_153 = arith.constant 0 : i32
    %dma_start3A_154 = tpu.memref_slice %arg13[%add3A_150, %dma_start3A_153] : memref<8192x128xf32, #tpu.memory_space<hbm>> -> memref<128x128xf32, #tpu.memory_space<hbm>>
    tpu.enqueue_dma source(%arg24 : memref<128x128xf32, #tpu.memory_space<vmem>>) target(%dma_start3A_154 : memref<128x128xf32, #tpu.memory_space<hbm>>) target_semaphore(%arg28 : memref<!tpu.dma_semaphore, #tpu.memory_space<semaphore_mem>>)
    %dma_wait3A_155 = arith.constant 0 : i32
    %dma_wait3A_156 = tpu.memref_slice %arg13[%add3A_141, %dma_wait3A_155] : memref<8192x128xf32, #tpu.memory_space<hbm>> -> memref<128x128xf32, #tpu.memory_space<hbm>>
    %dma_wait3A_157 = arith.constant 0 : i32
    %dma_wait3A_158 = tpu.memref_slice %arg13[%add3A_141, %dma_wait3A_157] : memref<8192x128xf32, #tpu.memory_space<hbm>> -> memref<128x128xf32, #tpu.memory_space<hbm>>
    tpu.wait_dma2 semaphore(%arg27 : memref<!tpu.dma_semaphore, #tpu.memory_space<semaphore_mem>>) src(%arg23 : memref<128x128xf32, #tpu.memory_space<vmem>>) dst(%dma_wait3A_158 : memref<128x128xf32, #tpu.memory_space<hbm>>)
    %dma_wait3A_159 = arith.constant 0 : i32
    %dma_wait3A_160 = tpu.memref_slice %arg13[%add3A_150, %dma_wait3A_159] : memref<8192x128xf32, #tpu.memory_space<hbm>> -> memref<128x128xf32, #tpu.memory_space<hbm>>
    %dma_wait3A_161 = arith.constant 0 : i32
    %dma_wait3A_162 = tpu.memref_slice %arg13[%add3A_150, %dma_wait3A_161] : memref<8192x128xf32, #tpu.memory_space<hbm>> -> memref<128x128xf32, #tpu.memory_space<hbm>>
    tpu.wait_dma2 semaphore(%arg28 : memref<!tpu.dma_semaphore, #tpu.memory_space<semaphore_mem>>) src(%arg24 : memref<128x128xf32, #tpu.memory_space<vmem>>) dst(%dma_wait3A_162 : memref<128x128xf32, #tpu.memory_space<hbm>>)
    %scan3A_163 = arith.constant 1 : i32
    return
  }
}

module attributes {stable_mosaic.version = 14 : i64} {
  func.func @_hash_body(%arg0: i32, %arg1: memref<1x4096x128xf32, #tpu.memory_space<vmem>>, %arg2: memref<1x4096x128xf32, #tpu.memory_space<vmem>>, %arg3: memref<1x128x7xf32, #tpu.memory_space<vmem>>, %arg4: memref<1x1x4096xi32, #tpu.memory_space<vmem>>, %arg5: memref<1x1x4096xi32, #tpu.memory_space<vmem>>) attributes {dimension_semantics = [#tpu.dimension_semantics<parallel>], iteration_bounds = array<i64: 32>, scalar_prefetch = 0 : i64, scratch_operands = 0 : i64, tpu.core_type = #tpu.core_type<tc>, window_params = [{transform_indices = @transform_0, window_bounds = array<i64: 1, 4096, 128>}, {transform_indices = @transform_1, window_bounds = array<i64: 1, 4096, 128>}, {pipeline_mode = #tpu.pipeline_mode<synchronous>, transform_indices = @transform_2, window_bounds = array<i64: 1, 128, 7>}, {transform_indices = @transform_3, window_bounds = array<i64: 1, 1, 4096>}, {transform_indices = @transform_4, window_bounds = array<i64: 1, 1, 4096>}]} {
    %get3A = arith.constant 0 : index
    %get3A_0 = arith.constant 0 : index
    %get3A_1 = arith.constant 0 : index
    %get3A_2 = vector.load %arg3[%get3A, %get3A_0, %get3A_1] : memref<1x128x7xf32, #tpu.memory_space<vmem>>, vector<1x128x7xf32>
    %get3A_3 = vector.shape_cast %get3A_2 : vector<1x128x7xf32> to vector<128x7xf32>
    %iota3A = tpu.iota {dimensions = array<i32: 0>} : vector<7x1xi32>
    %convert_element_type3A = arith.sitofp %iota3A : vector<7x1xi32> to vector<7x1xf32>
    %exp23A = math.exp2 %convert_element_type3A : vector<7x1xf32>
    %get3A_4 = arith.constant 0 : index
    %get3A_5 = arith.constant 0 : index
    %get3A_6 = arith.constant 0 : index
    %get3A_7 = vector.load %arg1[%get3A_4, %get3A_5, %get3A_6] : memref<1x4096x128xf32, #tpu.memory_space<vmem>>, vector<1x4096x128xf32>
    %get3A_8 = vector.shape_cast %get3A_7 : vector<1x4096x128xf32> to vector<4096x128xf32>
    %dot_general3A = arith.constant dense<0.000000e+00> : vector<7x4096xf32>
    %dot_general3A_9 = tpu.matmul %get3A_3, %get3A_8, %dot_general3A {dimension_numbers = #tpu.dot_dimension_numbers<[0], [1], [1], [0], [0, 1, 1, 0], [], []>, transpose_lhs_hint = false} : vector<128x7xf32>, vector<4096x128xf32>, vector<7x4096xf32> -> vector<7x4096xf32>
    %gt3A = arith.constant 0.000000e+00 : f32
    %gt3A_10 = vector.broadcast %gt3A : f32 to vector<7x4096xf32>
    %gt3A_11 = arith.cmpf ogt, %dot_general3A_9, %gt3A_10 : vector<7x4096xf32>
    %convert_element_type3A_12 = arith.extui %gt3A_11 : vector<7x4096xi1> to vector<7x4096xi32>
    %convert_element_type3A_13 = arith.sitofp %convert_element_type3A_12 : vector<7x4096xi32> to vector<7x4096xf32>
    %mul3A = vector.broadcast %exp23A : vector<7x1xf32> to vector<7x4096xf32>
    %mul3A_14 = arith.mulf %convert_element_type3A_13, %mul3A : vector<7x4096xf32>
    %reduce_sum3A = arith.constant dense<0.000000e+00> : vector<4096xf32>
    %reduce_sum3A_15 = vector.multi_reduction <add>, %mul3A_14, %reduce_sum3A [0] : vector<7x4096xf32> to vector<4096xf32>
    %convert_element_type3A_16 = arith.fptosi %reduce_sum3A_15 : vector<4096xf32> to vector<4096xi32>
    %swap3A = arith.constant 0 : index
    %swap3A_17 = arith.constant 0 : index
    %swap3A_18 = arith.constant 0 : index
    %swap3A_19 = vector.load %arg4[%swap3A, %swap3A_17, %swap3A_18] : memref<1x1x4096xi32, #tpu.memory_space<vmem>>, vector<1x1x4096xi32>
    %swap3A_20 = vector.shape_cast %swap3A_19 : vector<1x1x4096xi32> to vector<4096xi32>
    %swap3A_21 = vector.shape_cast %convert_element_type3A_16 : vector<4096xi32> to vector<1x1x4096xi32>
    tpu.vector_store %arg4[%swap3A, %swap3A_17, %swap3A_18], %swap3A_21 {strides = array<i32>} : memref<1x1x4096xi32, #tpu.memory_space<vmem>>, vector<1x1x4096xi32>,
    %get3A_22 = arith.constant 0 : index
    %get3A_23 = arith.constant 0 : index
    %get3A_24 = arith.constant 0 : index
    %get3A_25 = vector.load %arg2[%get3A_22, %get3A_23, %get3A_24] : memref<1x4096x128xf32, #tpu.memory_space<vmem>>, vector<1x4096x128xf32>
    %get3A_26 = vector.shape_cast %get3A_25 : vector<1x4096x128xf32> to vector<4096x128xf32>
    %dot_general3A_27 = arith.constant dense<0.000000e+00> : vector<7x4096xf32>
    %dot_general3A_28 = tpu.matmul %get3A_3, %get3A_26, %dot_general3A_27 {dimension_numbers = #tpu.dot_dimension_numbers<[0], [1], [1], [0], [0, 1, 1, 0], [], []>, transpose_lhs_hint = false} : vector<128x7xf32>, vector<4096x128xf32>, vector<7x4096xf32> -> vector<7x4096xf32>
    %gt3A_29 = arith.constant 0.000000e+00 : f32
    %gt3A_30 = vector.broadcast %gt3A_29 : f32 to vector<7x4096xf32>
    %gt3A_31 = arith.cmpf ogt, %dot_general3A_28, %gt3A_30 : vector<7x4096xf32>
    %convert_element_type3A_32 = arith.extui %gt3A_31 : vector<7x4096xi1> to vector<7x4096xi32>
    %convert_element_type3A_33 = arith.sitofp %convert_element_type3A_32 : vector<7x4096xi32> to vector<7x4096xf32>
    %mul3A_34 = vector.broadcast %exp23A : vector<7x1xf32> to vector<7x4096xf32>
    %mul3A_35 = arith.mulf %convert_element_type3A_33, %mul3A_34 : vector<7x4096xf32>
    %reduce_sum3A_36 = arith.constant dense<0.000000e+00> : vector<4096xf32>
    %reduce_sum3A_37 = vector.multi_reduction <add>, %mul3A_35, %reduce_sum3A_36 [0] : vector<7x4096xf32> to vector<4096xf32>
    %convert_element_type3A_38 = arith.fptosi %reduce_sum3A_37 : vector<4096xf32> to vector<4096xi32>
    %swap3A_39 = arith.constant 0 : index
    %swap3A_40 = arith.constant 0 : index
    %swap3A_41 = arith.constant 0 : index
    %swap3A_42 = vector.load %arg5[%swap3A_39, %swap3A_40, %swap3A_41] : memref<1x1x4096xi32, #tpu.memory_space<vmem>>, vector<1x1x4096xi32>
    %swap3A_43 = vector.shape_cast %swap3A_42 : vector<1x1x4096xi32> to vector<4096xi32>
    %swap3A_44 = vector.shape_cast %convert_element_type3A_38 : vector<4096xi32> to vector<1x1x4096xi32>
    tpu.vector_store %arg5[%swap3A_39, %swap3A_40, %swap3A_41], %swap3A_44 {strides = array<i32>} : memref<1x1x4096xi32, #tpu.memory_space<vmem>>, vector<1x1x4096xi32>,
    return
  }
  func.func @transform_0(%arg0: i32) -> (i32, i32, i32) {
    %c0_i32 = arith.constant 0 : i32
    %c0_i32_0 = arith.constant 0 : i32
    %c0_i32_1 = arith.constant 0 : i32
    return %arg0, %c0_i32, %c0_i32_0 : i32, i32, i32
  }
  func.func @transform_1(%arg0: i32) -> (i32, i32, i32) {
    %c0_i32 = arith.constant 0 : i32
    %c0_i32_0 = arith.constant 0 : i32
    %c0_i32_1 = arith.constant 0 : i32
    return %arg0, %c0_i32, %c0_i32_0 : i32, i32, i32
  }
  func.func @transform_2(%arg0: i32) -> (i32, i32, i32) {
    %c0_i32 = arith.constant 0 : i32
    %c0_i32_0 = arith.constant 0 : i32
    %c0_i32_1 = arith.constant 0 : i32
    %c0_i32_2 = arith.constant 0 : i32
    return %c0_i32, %c0_i32_0, %c0_i32_1 : i32, i32, i32
  }
  func.func @transform_3(%arg0: i32) -> (i32, i32, i32) {
    %c0_i32 = arith.constant 0 : i32
    %c0_i32_0 = arith.constant 0 : i32
    %c0_i32_1 = arith.constant 0 : i32
    return %arg0, %c0_i32, %c0_i32_0 : i32, i32, i32
  }
  func.func @transform_4(%arg0: i32) -> (i32, i32, i32) {
    %c0_i32 = arith.constant 0 : i32
    %c0_i32_0 = arith.constant 0 : i32
    %c0_i32_1 = arith.constant 0 : i32
    return %arg0, %c0_i32, %c0_i32_0 : i32, i32, i32
  }
}

module attributes {stable_mosaic.version = 14 : i64} {
  func.func @_attn_body(%arg0: i32, %arg1: i32, %arg2: memref<1x1x256xi32, #tpu.memory_space<vmem>>, %arg3: memref<1x16x256x128xf32, #tpu.memory_space<vmem>>, %arg4: memref<1x16x256x128xf32, #tpu.memory_space<vmem>>, %arg5: memref<1x16x256x128xf32, #tpu.memory_space<vmem>>, %arg6: memref<1x256x128xf32, #tpu.memory_space<vmem>>, %arg7: memref<1x256x128xf32, #tpu.memory_space<vmem>>, %arg8: memref<1x16x256x128xf32, #tpu.memory_space<vmem>>) attributes {dimension_semantics = [#tpu.dimension_semantics<parallel>, #tpu.dimension_semantics<parallel>], iteration_bounds = array<i64: 32, 1>, scalar_prefetch = 0 : i64, scratch_operands = 0 : i64, tpu.core_type = #tpu.core_type<tc>, window_params = [{transform_indices = @transform_0, window_bounds = array<i64: 1, 1, 256>}, {transform_indices = @transform_1, window_bounds = array<i64: 1, 16, 256, 128>}, {transform_indices = @transform_2, window_bounds = array<i64: 1, 16, 256, 128>}, {transform_indices = @transform_3, window_bounds = array<i64: 1, 16, 256, 128>}, {transform_indices = @transform_4, window_bounds = array<i64: 1, 256, 128>}, {transform_indices = @transform_5, window_bounds = array<i64: 1, 256, 128>}, {transform_indices = @transform_6, window_bounds = array<i64: 1, 16, 256, 128>}]} {
    %get3A = arith.constant 0 : index
    %get3A_0 = arith.constant 0 : index
    %get3A_1 = arith.constant 0 : index
    %get3A_2 = vector.load %arg6[%get3A, %get3A_0, %get3A_1] : memref<1x256x128xf32, #tpu.memory_space<vmem>>, vector<1x256x128xf32>
    %get3A_3 = vector.shape_cast %get3A_2 : vector<1x256x128xf32> to vector<256x128xf32>
    %get3A_4 = arith.constant 0 : index
    %get3A_5 = arith.constant 0 : index
    %get3A_6 = arith.constant 0 : index
    %get3A_7 = vector.load %arg7[%get3A_4, %get3A_5, %get3A_6] : memref<1x256x128xf32, #tpu.memory_space<vmem>>, vector<1x256x128xf32>
    %get3A_8 = vector.shape_cast %get3A_7 : vector<1x256x128xf32> to vector<256x128xf32>
    %get3A_9 = arith.constant 0 : index
    %get3A_10 = arith.constant 0 : index
    %get3A_11 = arith.constant 0 : index
    %get3A_12 = vector.load %arg2[%get3A_9, %get3A_10, %get3A_11] : memref<1x1x256xi32, #tpu.memory_space<vmem>>, vector<1x1x256xi32>
    %get3A_13 = vector.shape_cast %get3A_12 : vector<1x1x256xi32> to vector<256xi32>
    %get3A_14 = arith.constant 0 : index
    %get3A_15 = arith.constant 0 : index
    %get3A_16 = arith.constant 0 : index
    %get3A_17 = arith.constant 0 : index
    %get3A_18 = vector.load %arg3[%get3A_14, %get3A_15, %get3A_16, %get3A_17] : memref<1x16x256x128xf32, #tpu.memory_space<vmem>>, vector<1x1x256x128xf32>
    %get3A_19 = vector.shape_cast %get3A_18 : vector<1x1x256x128xf32> to vector<256x128xf32>
    %mul3A = arith.constant 0.0883883461 : f32
    %mul3A_20 = vector.broadcast %mul3A : f32 to vector<256x128xf32>
    %mul3A_21 = arith.mulf %get3A_19, %mul3A_20 : vector<256x128xf32>
    %get3A_22 = arith.constant 0 : index
    %get3A_23 = arith.constant 0 : index
    %get3A_24 = arith.constant 0 : index
    %get3A_25 = arith.constant 0 : index
    %get3A_26 = vector.load %arg4[%get3A_22, %get3A_23, %get3A_24, %get3A_25] : memref<1x16x256x128xf32, #tpu.memory_space<vmem>>, vector<1x1x256x128xf32>
    %get3A_27 = vector.shape_cast %get3A_26 : vector<1x1x256x128xf32> to vector<256x128xf32>
    %dot_general3A = arith.constant dense<0.000000e+00> : vector<256x256xf32>
    %dot_general3A_28 = tpu.matmul %mul3A_21, %get3A_27, %dot_general3A {dimension_numbers = #tpu.dot_dimension_numbers<[1], [1], [0], [0], [0, 0, 1, 0], [], []>, transpose_lhs_hint = false} : vector<256x128xf32>, vector<256x128xf32>, vector<256x256xf32> -> vector<256x256xf32>
    %dot_general3A_29 = arith.constant dense<0.000000e+00> : vector<256x256xf32>
    %dot_general3A_30 = tpu.matmul %mul3A_21, %get3A_3, %dot_general3A_29 {dimension_numbers = #tpu.dot_dimension_numbers<[1], [1], [0], [0], [0, 0, 1, 0], [], []>, transpose_lhs_hint = false} : vector<256x128xf32>, vector<256x128xf32>, vector<256x256xf32> -> vector<256x256xf32>
    %mul3A_31 = arith.constant 16 : i32
    %mul3A_32 = arith.muli %mul3A_31, %arg1 : i32
    %add3A = arith.constant 0 : i32
    %add3A_33 = arith.addi %mul3A_32, %add3A : i32
    %eq3A = vector.broadcast %add3A_33 : i32 to vector<256xi32>
    %eq3A_34 = arith.cmpi eq, %get3A_13, %eq3A : vector<256xi32>
    %jit3A = arith.constant -3.40282347E+38 : f32
    %jit3A_35 = arith.constant 2.77258873 : f32
    %broadcast_in_dim3A = vector.broadcast %jit3A : f32 to vector<256xf32>
    %broadcast_in_dim3A_36 = vector.broadcast %jit3A_35 : f32 to vector<256xf32>
    %select_n3A = arith.select %eq3A_34, %broadcast_in_dim3A, %broadcast_in_dim3A_36 : vector<256xi1>, vector<256xf32>
    %broadcast_in_dim3A_37 = vector.shape_cast %select_n3A : vector<256xf32> to vector<1x256xf32>
    %add3A_38 = vector.broadcast %broadcast_in_dim3A_37 : vector<1x256xf32> to vector<256x256xf32>
    %add3A_39 = arith.addf %dot_general3A_30, %add3A_38 : vector<256x256xf32>
    %reduce_max3A = arith.constant dense<0xFF800000> : vector<256xf32>
    %reduce_max3A_40 = vector.multi_reduction <maximumf>, %dot_general3A_28, %reduce_max3A [1] : vector<256x256xf32> to vector<256xf32>
    %reduce_max3A_41 = arith.constant dense<0xFF800000> : vector<256xf32>
    %reduce_max3A_42 = vector.multi_reduction <maximumf>, %add3A_39, %reduce_max3A_41 [1] : vector<256x256xf32> to vector<256xf32>
    %max3A = arith.maximumf %reduce_max3A_40, %reduce_max3A_42 : vector<256xf32>
    %broadcast_in_dim3A_43 = vector.shape_cast %max3A : vector<256xf32> to vector<256x1xf32>
    %sub3A = vector.broadcast %broadcast_in_dim3A_43 : vector<256x1xf32> to vector<256x256xf32>
    %sub3A_44 = arith.subf %dot_general3A_28, %sub3A : vector<256x256xf32>
    %exp3A = math.exp %sub3A_44 : vector<256x256xf32>
    %broadcast_in_dim3A_45 = vector.shape_cast %max3A : vector<256xf32> to vector<256x1xf32>
    %sub3A_46 = vector.broadcast %broadcast_in_dim3A_45 : vector<256x1xf32> to vector<256x256xf32>
    %sub3A_47 = arith.subf %add3A_39, %sub3A_46 : vector<256x256xf32>
    %exp3A_48 = math.exp %sub3A_47 : vector<256x256xf32>
    %reduce_sum3A = arith.constant dense<0.000000e+00> : vector<256xf32>
    %reduce_sum3A_49 = vector.multi_reduction <add>, %exp3A, %reduce_sum3A [1] : vector<256x256xf32> to vector<256xf32>
    %reduce_sum3A_50 = arith.constant dense<0.000000e+00> : vector<256xf32>
    %reduce_sum3A_51 = vector.multi_reduction <add>, %exp3A_48, %reduce_sum3A_50 [1] : vector<256x256xf32> to vector<256xf32>
    %add3A_52 = arith.addf %reduce_sum3A_49, %reduce_sum3A_51 : vector<256xf32>
    %get3A_53 = arith.constant 0 : index
    %get3A_54 = arith.constant 0 : index
    %get3A_55 = arith.constant 0 : index
    %get3A_56 = arith.constant 0 : index
    %get3A_57 = vector.load %arg5[%get3A_53, %get3A_54, %get3A_55, %get3A_56] : memref<1x16x256x128xf32, #tpu.memory_space<vmem>>, vector<1x1x256x128xf32>
    %get3A_58 = vector.shape_cast %get3A_57 : vector<1x1x256x128xf32> to vector<256x128xf32>
    %dot_general3A_59 = arith.constant dense<0.000000e+00> : vector<256x128xf32>
    %dot_general3A_60 = tpu.matmul %exp3A, %get3A_58, %dot_general3A_59 {dimension_numbers = #tpu.dot_dimension_numbers<[1], [0], [0], [1], [0, 0, 1, 1], [], []>, transpose_lhs_hint = false} : vector<256x256xf32>, vector<256x128xf32>, vector<256x128xf32> -> vector<256x128xf32>
    %dot_general3A_61 = arith.constant dense<0.000000e+00> : vector<256x128xf32>
    %dot_general3A_62 = tpu.matmul %exp3A_48, %get3A_8, %dot_general3A_61 {dimension_numbers = #tpu.dot_dimension_numbers<[1], [0], [0], [1], [0, 0, 1, 1], [], []>, transpose_lhs_hint = false} : vector<256x256xf32>, vector<256x128xf32>, vector<256x128xf32> -> vector<256x128xf32>
    %add3A_63 = arith.addf %dot_general3A_60, %dot_general3A_62 : vector<256x128xf32>
    %div3A = arith.constant 1.000000e+00 : f32
    %div3A_64 = vector.broadcast %div3A : f32 to vector<256xf32>
    %div3A_65 = arith.divf %div3A_64, %add3A_52 : vector<256xf32>
    %broadcast_in_dim3A_66 = vector.shape_cast %div3A_65 : vector<256xf32> to vector<256x1xf32>
    %mul3A_67 = vector.broadcast %broadcast_in_dim3A_66 : vector<256x1xf32> to vector<256x128xf32>
    %mul3A_68 = arith.mulf %add3A_63, %mul3A_67 : vector<256x128xf32>
    %swap3A = arith.constant 0 : index
    %swap3A_69 = arith.constant 0 : index
    %swap3A_70 = arith.constant 0 : index
    %swap3A_71 = arith.constant 0 : index
    %swap3A_72 = vector.load %arg8[%swap3A, %swap3A_69, %swap3A_70, %swap3A_71] : memref<1x16x256x128xf32, #tpu.memory_space<vmem>>, vector<1x1x256x128xf32>
    %swap3A_73 = vector.shape_cast %swap3A_72 : vector<1x1x256x128xf32> to vector<256x128xf32>
    %swap3A_74 = vector.shape_cast %mul3A_68 : vector<256x128xf32> to vector<1x1x256x128xf32>
    tpu.vector_store %arg8[%swap3A, %swap3A_69, %swap3A_70, %swap3A_71], %swap3A_74 {strides = array<i32>} : memref<1x16x256x128xf32, #tpu.memory_space<vmem>>, vector<1x1x256x128xf32>,
    %get3A_75 = arith.constant 0 : index
    %get3A_76 = arith.constant 1 : index
    %get3A_77 = arith.constant 0 : index
    %get3A_78 = arith.constant 0 : index
    %get3A_79 = vector.load %arg3[%get3A_75, %get3A_76, %get3A_77, %get3A_78] : memref<1x16x256x128xf32, #tpu.memory_space<vmem>>, vector<1x1x256x128xf32>
    %get3A_80 = vector.shape_cast %get3A_79 : vector<1x1x256x128xf32> to vector<256x128xf32>
    %mul3A_81 = arith.constant 0.0883883461 : f32
    %mul3A_82 = vector.broadcast %mul3A_81 : f32 to vector<256x128xf32>
    %mul3A_83 = arith.mulf %get3A_80, %mul3A_82 : vector<256x128xf32>
    %get3A_84 = arith.constant 0 : index
    %get3A_85 = arith.constant 1 : index
    %get3A_86 = arith.constant 0 : index
    %get3A_87 = arith.constant 0 : index
    %get3A_88 = vector.load %arg4[%get3A_84, %get3A_85, %get3A_86, %get3A_87] : memref<1x16x256x128xf32, #tpu.memory_space<vmem>>, vector<1x1x256x128xf32>
    %get3A_89 = vector.shape_cast %get3A_88 : vector<1x1x256x128xf32> to vector<256x128xf32>
    %dot_general3A_90 = arith.constant dense<0.000000e+00> : vector<256x256xf32>
    %dot_general3A_91 = tpu.matmul %mul3A_83, %get3A_89, %dot_general3A_90 {dimension_numbers = #tpu.dot_dimension_numbers<[1], [1], [0], [0], [0, 0, 1, 0], [], []>, transpose_lhs_hint = false} : vector<256x128xf32>, vector<256x128xf32>, vector<256x256xf32> -> vector<256x256xf32>
    %dot_general3A_92 = arith.constant dense<0.000000e+00> : vector<256x256xf32>
    %dot_general3A_93 = tpu.matmul %mul3A_83, %get3A_3, %dot_general3A_92 {dimension_numbers = #tpu.dot_dimension_numbers<[1], [1], [0], [0], [0, 0, 1, 0], [], []>, transpose_lhs_hint = false} : vector<256x128xf32>, vector<256x128xf32>, vector<256x256xf32> -> vector<256x256xf32>
    %mul3A_94 = arith.constant 16 : i32
    %mul3A_95 = arith.muli %mul3A_94, %arg1 : i32
    %add3A_96 = arith.constant 1 : i32
    %add3A_97 = arith.addi %mul3A_95, %add3A_96 : i32
    %eq3A_98 = vector.broadcast %add3A_97 : i32 to vector<256xi32>
    %eq3A_99 = arith.cmpi eq, %get3A_13, %eq3A_98 : vector<256xi32>
    %jit3A_100 = arith.constant -3.40282347E+38 : f32
    %jit3A_101 = arith.constant 2.77258873 : f32
    %broadcast_in_dim3A_102 = vector.broadcast %jit3A_100 : f32 to vector<256xf32>
    %broadcast_in_dim3A_103 = vector.broadcast %jit3A_101 : f32 to vector<256xf32>
    %select_n3A_104 = arith.select %eq3A_99, %broadcast_in_dim3A_102, %broadcast_in_dim3A_103 : vector<256xi1>, vector<256xf32>
    %broadcast_in_dim3A_105 = vector.shape_cast %select_n3A_104 : vector<256xf32> to vector<1x256xf32>
    %add3A_106 = vector.broadcast %broadcast_in_dim3A_105 : vector<1x256xf32> to vector<256x256xf32>
    %add3A_107 = arith.addf %dot_general3A_93, %add3A_106 : vector<256x256xf32>
    %reduce_max3A_108 = arith.constant dense<0xFF800000> : vector<256xf32>
    %reduce_max3A_109 = vector.multi_reduction <maximumf>, %dot_general3A_91, %reduce_max3A_108 [1] : vector<256x256xf32> to vector<256xf32>
    %reduce_max3A_110 = arith.constant dense<0xFF800000> : vector<256xf32>
    %reduce_max3A_111 = vector.multi_reduction <maximumf>, %add3A_107, %reduce_max3A_110 [1] : vector<256x256xf32> to vector<256xf32>
    %max3A_112 = arith.maximumf %reduce_max3A_109, %reduce_max3A_111 : vector<256xf32>
    %broadcast_in_dim3A_113 = vector.shape_cast %max3A_112 : vector<256xf32> to vector<256x1xf32>
    %sub3A_114 = vector.broadcast %broadcast_in_dim3A_113 : vector<256x1xf32> to vector<256x256xf32>
    %sub3A_115 = arith.subf %dot_general3A_91, %sub3A_114 : vector<256x256xf32>
    %exp3A_116 = math.exp %sub3A_115 : vector<256x256xf32>
    %broadcast_in_dim3A_117 = vector.shape_cast %max3A_112 : vector<256xf32> to vector<256x1xf32>
    %sub3A_118 = vector.broadcast %broadcast_in_dim3A_117 : vector<256x1xf32> to vector<256x256xf32>
    %sub3A_119 = arith.subf %add3A_107, %sub3A_118 : vector<256x256xf32>
    %exp3A_120 = math.exp %sub3A_119 : vector<256x256xf32>
    %reduce_sum3A_121 = arith.constant dense<0.000000e+00> : vector<256xf32>
    %reduce_sum3A_122 = vector.multi_reduction <add>, %exp3A_116, %reduce_sum3A_121 [1] : vector<256x256xf32> to vector<256xf32>
    %reduce_sum3A_123 = arith.constant dense<0.000000e+00> : vector<256xf32>
    %reduce_sum3A_124 = vector.multi_reduction <add>, %exp3A_120, %reduce_sum3A_123 [1] : vector<256x256xf32> to vector<256xf32>
    %add3A_125 = arith.addf %reduce_sum3A_122, %reduce_sum3A_124 : vector<256xf32>
    %get3A_126 = arith.constant 0 : index
    %get3A_127 = arith.constant 1 : index
    %get3A_128 = arith.constant 0 : index
    %get3A_129 = arith.constant 0 : index
    %get3A_130 = vector.load %arg5[%get3A_126, %get3A_127, %get3A_128, %get3A_129] : memref<1x16x256x128xf32, #tpu.memory_space<vmem>>, vector<1x1x256x128xf32>
    %get3A_131 = vector.shape_cast %get3A_130 : vector<1x1x256x128xf32> to vector<256x128xf32>
    %dot_general3A_132 = arith.constant dense<0.000000e+00> : vector<256x128xf32>
    %dot_general3A_133 = tpu.matmul %exp3A_116, %get3A_131, %dot_general3A_132 {dimension_numbers = #tpu.dot_dimension_numbers<[1], [0], [0], [1], [0, 0, 1, 1], [], []>, transpose_lhs_hint = false} : vector<256x256xf32>, vector<256x128xf32>, vector<256x128xf32> -> vector<256x128xf32>
    %dot_general3A_134 = arith.constant dense<0.000000e+00> : vector<256x128xf32>
    %dot_general3A_135 = tpu.matmul %exp3A_120, %get3A_8, %dot_general3A_134 {dimension_numbers = #tpu.dot_dimension_numbers<[1], [0], [0], [1], [0, 0, 1, 1], [], []>, transpose_lhs_hint = false} : vector<256x256xf32>, vector<256x128xf32>, vector<256x128xf32> -> vector<256x128xf32>
    %add3A_136 = arith.addf %dot_general3A_133, %dot_general3A_135 : vector<256x128xf32>
    %div3A_137 = arith.constant 1.000000e+00 : f32
    %div3A_138 = vector.broadcast %div3A_137 : f32 to vector<256xf32>
    %div3A_139 = arith.divf %div3A_138, %add3A_125 : vector<256xf32>
    %broadcast_in_dim3A_140 = vector.shape_cast %div3A_139 : vector<256xf32> to vector<256x1xf32>
    %mul3A_141 = vector.broadcast %broadcast_in_dim3A_140 : vector<256x1xf32> to vector<256x128xf32>
    %mul3A_142 = arith.mulf %add3A_136, %mul3A_141 : vector<256x128xf32>
    %swap3A_143 = arith.constant 0 : index
    %swap3A_144 = arith.constant 1 : index
    %swap3A_145 = arith.constant 0 : index
    %swap3A_146 = arith.constant 0 : index
    %swap3A_147 = vector.load %arg8[%swap3A_143, %swap3A_144, %swap3A_145, %swap3A_146] : memref<1x16x256x128xf32, #tpu.memory_space<vmem>>, vector<1x1x256x128xf32>
    %swap3A_148 = vector.shape_cast %swap3A_147 : vector<1x1x256x128xf32> to vector<256x128xf32>
    %swap3A_149 = vector.shape_cast %mul3A_142 : vector<256x128xf32> to vector<1x1x256x128xf32>
    tpu.vector_store %arg8[%swap3A_143, %swap3A_144, %swap3A_145, %swap3A_146], %swap3A_149 {strides = array<i32>} : memref<1x16x256x128xf32, #tpu.memory_space<vmem>>, vector<1x1x256x128xf32>,
    %get3A_150 = arith.constant 0 : index
    %get3A_151 = arith.constant 2 : index
    %get3A_152 = arith.constant 0 : index
    %get3A_153 = arith.constant 0 : index
    %get3A_154 = vector.load %arg3[%get3A_150, %get3A_151, %get3A_152, %get3A_153] : memref<1x16x256x128xf32, #tpu.memory_space<vmem>>, vector<1x1x256x128xf32>
    %get3A_155 = vector.shape_cast %get3A_154 : vector<1x1x256x128xf32> to vector<256x128xf32>
    %mul3A_156 = arith.constant 0.0883883461 : f32
    %mul3A_157 = vector.broadcast %mul3A_156 : f32 to vector<256x128xf32>
    %mul3A_158 = arith.mulf %get3A_155, %mul3A_157 : vector<256x128xf32>
    %get3A_159 = arith.constant 0 : index
    %get3A_160 = arith.constant 2 : index
    %get3A_161 = arith.constant 0 : index
    %get3A_162 = arith.constant 0 : index
    %get3A_163 = vector.load %arg4[%get3A_159, %get3A_160, %get3A_161, %get3A_162] : memref<1x16x256x128xf32, #tpu.memory_space<vmem>>, vector<1x1x256x128xf32>
    %get3A_164 = vector.shape_cast %get3A_163 : vector<1x1x256x128xf32> to vector<256x128xf32>
    %dot_general3A_165 = arith.constant dense<0.000000e+00> : vector<256x256xf32>
    %dot_general3A_166 = tpu.matmul %mul3A_158, %get3A_164, %dot_general3A_165 {dimension_numbers = #tpu.dot_dimension_numbers<[1], [1], [0], [0], [0, 0, 1, 0], [], []>, transpose_lhs_hint = false} : vector<256x128xf32>, vector<256x128xf32>, vector<256x256xf32> -> vector<256x256xf32>
    %dot_general3A_167 = arith.constant dense<0.000000e+00> : vector<256x256xf32>
    %dot_general3A_168 = tpu.matmul %mul3A_158, %get3A_3, %dot_general3A_167 {dimension_numbers = #tpu.dot_dimension_numbers<[1], [1], [0], [0], [0, 0, 1, 0], [], []>, transpose_lhs_hint = false} : vector<256x128xf32>, vector<256x128xf32>, vector<256x256xf32> -> vector<256x256xf32>
    %mul3A_169 = arith.constant 16 : i32
    %mul3A_170 = arith.muli %mul3A_169, %arg1 : i32
    %add3A_171 = arith.constant 2 : i32
    %add3A_172 = arith.addi %mul3A_170, %add3A_171 : i32
    %eq3A_173 = vector.broadcast %add3A_172 : i32 to vector<256xi32>
    %eq3A_174 = arith.cmpi eq, %get3A_13, %eq3A_173 : vector<256xi32>
    %jit3A_175 = arith.constant -3.40282347E+38 : f32
    %jit3A_176 = arith.constant 2.77258873 : f32
    %broadcast_in_dim3A_177 = vector.broadcast %jit3A_175 : f32 to vector<256xf32>
    %broadcast_in_dim3A_178 = vector.broadcast %jit3A_176 : f32 to vector<256xf32>
    %select_n3A_179 = arith.select %eq3A_174, %broadcast_in_dim3A_177, %broadcast_in_dim3A_178 : vector<256xi1>, vector<256xf32>
    %broadcast_in_dim3A_180 = vector.shape_cast %select_n3A_179 : vector<256xf32> to vector<1x256xf32>
    %add3A_181 = vector.broadcast %broadcast_in_dim3A_180 : vector<1x256xf32> to vector<256x256xf32>
    %add3A_182 = arith.addf %dot_general3A_168, %add3A_181 : vector<256x256xf32>
    %reduce_max3A_183 = arith.constant dense<0xFF800000> : vector<256xf32>
    %reduce_max3A_184 = vector.multi_reduction <maximumf>, %dot_general3A_166, %reduce_max3A_183 [1] : vector<256x256xf32> to vector<256xf32>
    %reduce_max3A_185 = arith.constant dense<0xFF800000> : vector<256xf32>
    %reduce_max3A_186 = vector.multi_reduction <maximumf>, %add3A_182, %reduce_max3A_185 [1] : vector<256x256xf32> to vector<256xf32>
    %max3A_187 = arith.maximumf %reduce_max3A_184, %reduce_max3A_186 : vector<256xf32>
    %broadcast_in_dim3A_188 = vector.shape_cast %max3A_187 : vector<256xf32> to vector<256x1xf32>
    %sub3A_189 = vector.broadcast %broadcast_in_dim3A_188 : vector<256x1xf32> to vector<256x256xf32>
    %sub3A_190 = arith.subf %dot_general3A_166, %sub3A_189 : vector<256x256xf32>
    %exp3A_191 = math.exp %sub3A_190 : vector<256x256xf32>
    %broadcast_in_dim3A_192 = vector.shape_cast %max3A_187 : vector<256xf32> to vector<256x1xf32>
    %sub3A_193 = vector.broadcast %broadcast_in_dim3A_192 : vector<256x1xf32> to vector<256x256xf32>
    %sub3A_194 = arith.subf %add3A_182, %sub3A_193 : vector<256x256xf32>
    %exp3A_195 = math.exp %sub3A_194 : vector<256x256xf32>
    %reduce_sum3A_196 = arith.constant dense<0.000000e+00> : vector<256xf32>
    %reduce_sum3A_197 = vector.multi_reduction <add>, %exp3A_191, %reduce_sum3A_196 [1] : vector<256x256xf32> to vector<256xf32>
    %reduce_sum3A_198 = arith.constant dense<0.000000e+00> : vector<256xf32>
    %reduce_sum3A_199 = vector.multi_reduction <add>, %exp3A_195, %reduce_sum3A_198 [1] : vector<256x256xf32> to vector<256xf32>
    %add3A_200 = arith.addf %reduce_sum3A_197, %reduce_sum3A_199 : vector<256xf32>
    %get3A_201 = arith.constant 0 : index
    %get3A_202 = arith.constant 2 : index
    %get3A_203 = arith.constant 0 : index
    %get3A_204 = arith.constant 0 : index
    %get3A_205 = vector.load %arg5[%get3A_201, %get3A_202, %get3A_203, %get3A_204] : memref<1x16x256x128xf32, #tpu.memory_space<vmem>>, vector<1x1x256x128xf32>
    %get3A_206 = vector.shape_cast %get3A_205 : vector<1x1x256x128xf32> to vector<256x128xf32>
    %dot_general3A_207 = arith.constant dense<0.000000e+00> : vector<256x128xf32>
    %dot_general3A_208 = tpu.matmul %exp3A_191, %get3A_206, %dot_general3A_207 {dimension_numbers = #tpu.dot_dimension_numbers<[1], [0], [0], [1], [0, 0, 1, 1], [], []>, transpose_lhs_hint = false} : vector<256x256xf32>, vector<256x128xf32>, vector<256x128xf32> -> vector<256x128xf32>
    %dot_general3A_209 = arith.constant dense<0.000000e+00> : vector<256x128xf32>
    %dot_general3A_210 = tpu.matmul %exp3A_195, %get3A_8, %dot_general3A_209 {dimension_numbers = #tpu.dot_dimension_numbers<[1], [0], [0], [1], [0, 0, 1, 1], [], []>, transpose_lhs_hint = false} : vector<256x256xf32>, vector<256x128xf32>, vector<256x128xf32> -> vector<256x128xf32>
    %add3A_211 = arith.addf %dot_general3A_208, %dot_general3A_210 : vector<256x128xf32>
    %div3A_212 = arith.constant 1.000000e+00 : f32
    %div3A_213 = vector.broadcast %div3A_212 : f32 to vector<256xf32>
    %div3A_214 = arith.divf %div3A_213, %add3A_200 : vector<256xf32>
    %broadcast_in_dim3A_215 = vector.shape_cast %div3A_214 : vector<256xf32> to vector<256x1xf32>
    %mul3A_216 = vector.broadcast %broadcast_in_dim3A_215 : vector<256x1xf32> to vector<256x128xf32>
    %mul3A_217 = arith.mulf %add3A_211, %mul3A_216 : vector<256x128xf32>
    %swap3A_218 = arith.constant 0 : index
    %swap3A_219 = arith.constant 2 : index
    %swap3A_220 = arith.constant 0 : index
    %swap3A_221 = arith.constant 0 : index
    %swap3A_222 = vector.load %arg8[%swap3A_218, %swap3A_219, %swap3A_220, %swap3A_221] : memref<1x16x256x128xf32, #tpu.memory_space<vmem>>, vector<1x1x256x128xf32>
    %swap3A_223 = vector.shape_cast %swap3A_222 : vector<1x1x256x128xf32> to vector<256x128xf32>
    %swap3A_224 = vector.shape_cast %mul3A_217 : vector<256x128xf32> to vector<1x1x256x128xf32>
    tpu.vector_store %arg8[%swap3A_218, %swap3A_219, %swap3A_220, %swap3A_221], %swap3A_224 {strides = array<i32>} : memref<1x16x256x128xf32, #tpu.memory_space<vmem>>, vector<1x1x256x128xf32>,
    %get3A_225 = arith.constant 0 : index
    %get3A_226 = arith.constant 3 : index
    %get3A_227 = arith.constant 0 : index
    %get3A_228 = arith.constant 0 : index
    %get3A_229 = vector.load %arg3[%get3A_225, %get3A_226, %get3A_227, %get3A_228] : memref<1x16x256x128xf32, #tpu.memory_space<vmem>>, vector<1x1x256x128xf32>
    %get3A_230 = vector.shape_cast %get3A_229 : vector<1x1x256x128xf32> to vector<256x128xf32>
    %mul3A_231 = arith.constant 0.0883883461 : f32
    %mul3A_232 = vector.broadcast %mul3A_231 : f32 to vector<256x128xf32>
    %mul3A_233 = arith.mulf %get3A_230, %mul3A_232 : vector<256x128xf32>
    %get3A_234 = arith.constant 0 : index
    %get3A_235 = arith.constant 3 : index
    %get3A_236 = arith.constant 0 : index
    %get3A_237 = arith.constant 0 : index
    %get3A_238 = vector.load %arg4[%get3A_234, %get3A_235, %get3A_236, %get3A_237] : memref<1x16x256x128xf32, #tpu.memory_space<vmem>>, vector<1x1x256x128xf32>
    %get3A_239 = vector.shape_cast %get3A_238 : vector<1x1x256x128xf32> to vector<256x128xf32>
    %dot_general3A_240 = arith.constant dense<0.000000e+00> : vector<256x256xf32>
    %dot_general3A_241 = tpu.matmul %mul3A_233, %get3A_239, %dot_general3A_240 {dimension_numbers = #tpu.dot_dimension_numbers<[1], [1], [0], [0], [0, 0, 1, 0], [], []>, transpose_lhs_hint = false} : vector<256x128xf32>, vector<256x128xf32>, vector<256x256xf32> -> vector<256x256xf32>
    %dot_general3A_242 = arith.constant dense<0.000000e+00> : vector<256x256xf32>
    %dot_general3A_243 = tpu.matmul %mul3A_233, %get3A_3, %dot_general3A_242 {dimension_numbers = #tpu.dot_dimension_numbers<[1], [1], [0], [0], [0, 0, 1, 0], [], []>, transpose_lhs_hint = false} : vector<256x128xf32>, vector<256x128xf32>, vector<256x256xf32> -> vector<256x256xf32>
    %mul3A_244 = arith.constant 16 : i32
    %mul3A_245 = arith.muli %mul3A_244, %arg1 : i32
    %add3A_246 = arith.constant 3 : i32
    %add3A_247 = arith.addi %mul3A_245, %add3A_246 : i32
    %eq3A_248 = vector.broadcast %add3A_247 : i32 to vector<256xi32>
    %eq3A_249 = arith.cmpi eq, %get3A_13, %eq3A_248 : vector<256xi32>
    %jit3A_250 = arith.constant -3.40282347E+38 : f32
    %jit3A_251 = arith.constant 2.77258873 : f32
    %broadcast_in_dim3A_252 = vector.broadcast %jit3A_250 : f32 to vector<256xf32>
    %broadcast_in_dim3A_253 = vector.broadcast %jit3A_251 : f32 to vector<256xf32>
    %select_n3A_254 = arith.select %eq3A_249, %broadcast_in_dim3A_252, %broadcast_in_dim3A_253 : vector<256xi1>, vector<256xf32>
    %broadcast_in_dim3A_255 = vector.shape_cast %select_n3A_254 : vector<256xf32> to vector<1x256xf32>
    %add3A_256 = vector.broadcast %broadcast_in_dim3A_255 : vector<1x256xf32> to vector<256x256xf32>
    %add3A_257 = arith.addf %dot_general3A_243, %add3A_256 : vector<256x256xf32>
    %reduce_max3A_258 = arith.constant dense<0xFF800000> : vector<256xf32>
    %reduce_max3A_259 = vector.multi_reduction <maximumf>, %dot_general3A_241, %reduce_max3A_258 [1] : vector<256x256xf32> to vector<256xf32>
    %reduce_max3A_260 = arith.constant dense<0xFF800000> : vector<256xf32>
    %reduce_max3A_261 = vector.multi_reduction <maximumf>, %add3A_257, %reduce_max3A_260 [1] : vector<256x256xf32> to vector<256xf32>
    %max3A_262 = arith.maximumf %reduce_max3A_259, %reduce_max3A_261 : vector<256xf32>
    %broadcast_in_dim3A_263 = vector.shape_cast %max3A_262 : vector<256xf32> to vector<256x1xf32>
    %sub3A_264 = vector.broadcast %broadcast_in_dim3A_263 : vector<256x1xf32> to vector<256x256xf32>
    %sub3A_265 = arith.subf %dot_general3A_241, %sub3A_264 : vector<256x256xf32>
    %exp3A_266 = math.exp %sub3A_265 : vector<256x256xf32>
    %broadcast_in_dim3A_267 = vector.shape_cast %max3A_262 : vector<256xf32> to vector<256x1xf32>
    %sub3A_268 = vector.broadcast %broadcast_in_dim3A_267 : vector<256x1xf32> to vector<256x256xf32>
    %sub3A_269 = arith.subf %add3A_257, %sub3A_268 : vector<256x256xf32>
    %exp3A_270 = math.exp %sub3A_269 : vector<256x256xf32>
    %reduce_sum3A_271 = arith.constant dense<0.000000e+00> : vector<256xf32>
    %reduce_sum3A_272 = vector.multi_reduction <add>, %exp3A_266, %reduce_sum3A_271 [1] : vector<256x256xf32> to vector<256xf32>
    %reduce_sum3A_273 = arith.constant dense<0.000000e+00> : vector<256xf32>
    %reduce_sum3A_274 = vector.multi_reduction <add>, %exp3A_270, %reduce_sum3A_273 [1] : vector<256x256xf32> to vector<256xf32>
    %add3A_275 = arith.addf %reduce_sum3A_272, %reduce_sum3A_274 : vector<256xf32>
    %get3A_276 = arith.constant 0 : index
    %get3A_277 = arith.constant 3 : index
    %get3A_278 = arith.constant 0 : index
    %get3A_279 = arith.constant 0 : index
    %get3A_280 = vector.load %arg5[%get3A_276, %get3A_277, %get3A_278, %get3A_279] : memref<1x16x256x128xf32, #tpu.memory_space<vmem>>, vector<1x1x256x128xf32>
    %get3A_281 = vector.shape_cast %get3A_280 : vector<1x1x256x128xf32> to vector<256x128xf32>
    %dot_general3A_282 = arith.constant dense<0.000000e+00> : vector<256x128xf32>
    %dot_general3A_283 = tpu.matmul %exp3A_266, %get3A_281, %dot_general3A_282 {dimension_numbers = #tpu.dot_dimension_numbers<[1], [0], [0], [1], [0, 0, 1, 1], [], []>, transpose_lhs_hint = false} : vector<256x256xf32>, vector<256x128xf32>, vector<256x128xf32> -> vector<256x128xf32>
    %dot_general3A_284 = arith.constant dense<0.000000e+00> : vector<256x128xf32>
    %dot_general3A_285 = tpu.matmul %exp3A_270, %get3A_8, %dot_general3A_284 {dimension_numbers = #tpu.dot_dimension_numbers<[1], [0], [0], [1], [0, 0, 1, 1], [], []>, transpose_lhs_hint = false} : vector<256x256xf32>, vector<256x128xf32>, vector<256x128xf32> -> vector<256x128xf32>
    %add3A_286 = arith.addf %dot_general3A_283, %dot_general3A_285 : vector<256x128xf32>
    %div3A_287 = arith.constant 1.000000e+00 : f32
    %div3A_288 = vector.broadcast %div3A_287 : f32 to vector<256xf32>
    %div3A_289 = arith.divf %div3A_288, %add3A_275 : vector<256xf32>
    %broadcast_in_dim3A_290 = vector.shape_cast %div3A_289 : vector<256xf32> to vector<256x1xf32>
    %mul3A_291 = vector.broadcast %broadcast_in_dim3A_290 : vector<256x1xf32> to vector<256x128xf32>
    %mul3A_292 = arith.mulf %add3A_286, %mul3A_291 : vector<256x128xf32>
    %swap3A_293 = arith.constant 0 : index
    %swap3A_294 = arith.constant 3 : index
    %swap3A_295 = arith.constant 0 : index
    %swap3A_296 = arith.constant 0 : index
    %swap3A_297 = vector.load %arg8[%swap3A_293, %swap3A_294, %swap3A_295, %swap3A_296] : memref<1x16x256x128xf32, #tpu.memory_space<vmem>>, vector<1x1x256x128xf32>
    %swap3A_298 = vector.shape_cast %swap3A_297 : vector<1x1x256x128xf32> to vector<256x128xf32>
    %swap3A_299 = vector.shape_cast %mul3A_292 : vector<256x128xf32> to vector<1x1x256x128xf32>
    tpu.vector_store %arg8[%swap3A_293, %swap3A_294, %swap3A_295, %swap3A_296], %swap3A_299 {strides = array<i32>} : memref<1x16x256x128xf32, #tpu.memory_space<vmem>>, vector<1x1x256x128xf32>,
    %get3A_300 = arith.constant 0 : index
    %get3A_301 = arith.constant 4 : index
    %get3A_302 = arith.constant 0 : index
    %get3A_303 = arith.constant 0 : index
    %get3A_304 = vector.load %arg3[%get3A_300, %get3A_301, %get3A_302, %get3A_303] : memref<1x16x256x128xf32, #tpu.memory_space<vmem>>, vector<1x1x256x128xf32>
    %get3A_305 = vector.shape_cast %get3A_304 : vector<1x1x256x128xf32> to vector<256x128xf32>
    %mul3A_306 = arith.constant 0.0883883461 : f32
    %mul3A_307 = vector.broadcast %mul3A_306 : f32 to vector<256x128xf32>
    %mul3A_308 = arith.mulf %get3A_305, %mul3A_307 : vector<256x128xf32>
    %get3A_309 = arith.constant 0 : index
    %get3A_310 = arith.constant 4 : index
    %get3A_311 = arith.constant 0 : index
    %get3A_312 = arith.constant 0 : index
    %get3A_313 = vector.load %arg4[%get3A_309, %get3A_310, %get3A_311, %get3A_312] : memref<1x16x256x128xf32, #tpu.memory_space<vmem>>, vector<1x1x256x128xf32>
    %get3A_314 = vector.shape_cast %get3A_313 : vector<1x1x256x128xf32> to vector<256x128xf32>
    %dot_general3A_315 = arith.constant dense<0.000000e+00> : vector<256x256xf32>
    %dot_general3A_316 = tpu.matmul %mul3A_308, %get3A_314, %dot_general3A_315 {dimension_numbers = #tpu.dot_dimension_numbers<[1], [1], [0], [0], [0, 0, 1, 0], [], []>, transpose_lhs_hint = false} : vector<256x128xf32>, vector<256x128xf32>, vector<256x256xf32> -> vector<256x256xf32>
    %dot_general3A_317 = arith.constant dense<0.000000e+00> : vector<256x256xf32>
    %dot_general3A_318 = tpu.matmul %mul3A_308, %get3A_3, %dot_general3A_317 {dimension_numbers = #tpu.dot_dimension_numbers<[1], [1], [0], [0], [0, 0, 1, 0], [], []>, transpose_lhs_hint = false} : vector<256x128xf32>, vector<256x128xf32>, vector<256x256xf32> -> vector<256x256xf32>
    %mul3A_319 = arith.constant 16 : i32
    %mul3A_320 = arith.muli %mul3A_319, %arg1 : i32
    %add3A_321 = arith.constant 4 : i32
    %add3A_322 = arith.addi %mul3A_320, %add3A_321 : i32
    %eq3A_323 = vector.broadcast %add3A_322 : i32 to vector<256xi32>
    %eq3A_324 = arith.cmpi eq, %get3A_13, %eq3A_323 : vector<256xi32>
    %jit3A_325 = arith.constant -3.40282347E+38 : f32
    %jit3A_326 = arith.constant 2.77258873 : f32
    %broadcast_in_dim3A_327 = vector.broadcast %jit3A_325 : f32 to vector<256xf32>
    %broadcast_in_dim3A_328 = vector.broadcast %jit3A_326 : f32 to vector<256xf32>
    %select_n3A_329 = arith.select %eq3A_324, %broadcast_in_dim3A_327, %broadcast_in_dim3A_328 : vector<256xi1>, vector<256xf32>
    %broadcast_in_dim3A_330 = vector.shape_cast %select_n3A_329 : vector<256xf32> to vector<1x256xf32>
    %add3A_331 = vector.broadcast %broadcast_in_dim3A_330 : vector<1x256xf32> to vector<256x256xf32>
    %add3A_332 = arith.addf %dot_general3A_318, %add3A_331 : vector<256x256xf32>
    %reduce_max3A_333 = arith.constant dense<0xFF800000> : vector<256xf32>
    %reduce_max3A_334 = vector.multi_reduction <maximumf>, %dot_general3A_316, %reduce_max3A_333 [1] : vector<256x256xf32> to vector<256xf32>
    %reduce_max3A_335 = arith.constant dense<0xFF800000> : vector<256xf32>
    %reduce_max3A_336 = vector.multi_reduction <maximumf>, %add3A_332, %reduce_max3A_335 [1] : vector<256x256xf32> to vector<256xf32>
    %max3A_337 = arith.maximumf %reduce_max3A_334, %reduce_max3A_336 : vector<256xf32>
    %broadcast_in_dim3A_338 = vector.shape_cast %max3A_337 : vector<256xf32> to vector<256x1xf32>
    %sub3A_339 = vector.broadcast %broadcast_in_dim3A_338 : vector<256x1xf32> to vector<256x256xf32>
    %sub3A_340 = arith.subf %dot_general3A_316, %sub3A_339 : vector<256x256xf32>
    %exp3A_341 = math.exp %sub3A_340 : vector<256x256xf32>
    %broadcast_in_dim3A_342 = vector.shape_cast %max3A_337 : vector<256xf32> to vector<256x1xf32>
    %sub3A_343 = vector.broadcast %broadcast_in_dim3A_342 : vector<256x1xf32> to vector<256x256xf32>
    %sub3A_344 = arith.subf %add3A_332, %sub3A_343 : vector<256x256xf32>
    %exp3A_345 = math.exp %sub3A_344 : vector<256x256xf32>
    %reduce_sum3A_346 = arith.constant dense<0.000000e+00> : vector<256xf32>
    %reduce_sum3A_347 = vector.multi_reduction <add>, %exp3A_341, %reduce_sum3A_346 [1] : vector<256x256xf32> to vector<256xf32>
    %reduce_sum3A_348 = arith.constant dense<0.000000e+00> : vector<256xf32>
    %reduce_sum3A_349 = vector.multi_reduction <add>, %exp3A_345, %reduce_sum3A_348 [1] : vector<256x256xf32> to vector<256xf32>
    %add3A_350 = arith.addf %reduce_sum3A_347, %reduce_sum3A_349 : vector<256xf32>
    %get3A_351 = arith.constant 0 : index
    %get3A_352 = arith.constant 4 : index
    %get3A_353 = arith.constant 0 : index
    %get3A_354 = arith.constant 0 : index
    %get3A_355 = vector.load %arg5[%get3A_351, %get3A_352, %get3A_353, %get3A_354] : memref<1x16x256x128xf32, #tpu.memory_space<vmem>>, vector<1x1x256x128xf32>
    %get3A_356 = vector.shape_cast %get3A_355 : vector<1x1x256x128xf32> to vector<256x128xf32>
    %dot_general3A_357 = arith.constant dense<0.000000e+00> : vector<256x128xf32>
    %dot_general3A_358 = tpu.matmul %exp3A_341, %get3A_356, %dot_general3A_357 {dimension_numbers = #tpu.dot_dimension_numbers<[1], [0], [0], [1], [0, 0, 1, 1], [], []>, transpose_lhs_hint = false} : vector<256x256xf32>, vector<256x128xf32>, vector<256x128xf32> -> vector<256x128xf32>
    %dot_general3A_359 = arith.constant dense<0.000000e+00> : vector<256x128xf32>
    %dot_general3A_360 = tpu.matmul %exp3A_345, %get3A_8, %dot_general3A_359 {dimension_numbers = #tpu.dot_dimension_numbers<[1], [0], [0], [1], [0, 0, 1, 1], [], []>, transpose_lhs_hint = false} : vector<256x256xf32>, vector<256x128xf32>, vector<256x128xf32> -> vector<256x128xf32>
    %add3A_361 = arith.addf %dot_general3A_358, %dot_general3A_360 : vector<256x128xf32>
    %div3A_362 = arith.constant 1.000000e+00 : f32
    %div3A_363 = vector.broadcast %div3A_362 : f32 to vector<256xf32>
    %div3A_364 = arith.divf %div3A_363, %add3A_350 : vector<256xf32>
    %broadcast_in_dim3A_365 = vector.shape_cast %div3A_364 : vector<256xf32> to vector<256x1xf32>
    %mul3A_366 = vector.broadcast %broadcast_in_dim3A_365 : vector<256x1xf32> to vector<256x128xf32>
    %mul3A_367 = arith.mulf %add3A_361, %mul3A_366 : vector<256x128xf32>
    %swap3A_368 = arith.constant 0 : index
    %swap3A_369 = arith.constant 4 : index
    %swap3A_370 = arith.constant 0 : index
    %swap3A_371 = arith.constant 0 : index
    %swap3A_372 = vector.load %arg8[%swap3A_368, %swap3A_369, %swap3A_370, %swap3A_371] : memref<1x16x256x128xf32, #tpu.memory_space<vmem>>, vector<1x1x256x128xf32>
    %swap3A_373 = vector.shape_cast %swap3A_372 : vector<1x1x256x128xf32> to vector<256x128xf32>
    %swap3A_374 = vector.shape_cast %mul3A_367 : vector<256x128xf32> to vector<1x1x256x128xf32>
    tpu.vector_store %arg8[%swap3A_368, %swap3A_369, %swap3A_370, %swap3A_371], %swap3A_374 {strides = array<i32>} : memref<1x16x256x128xf32, #tpu.memory_space<vmem>>, vector<1x1x256x128xf32>,
    %get3A_375 = arith.constant 0 : index
    %get3A_376 = arith.constant 5 : index
    %get3A_377 = arith.constant 0 : index
    %get3A_378 = arith.constant 0 : index
    %get3A_379 = vector.load %arg3[%get3A_375, %get3A_376, %get3A_377, %get3A_378] : memref<1x16x256x128xf32, #tpu.memory_space<vmem>>, vector<1x1x256x128xf32>
    %get3A_380 = vector.shape_cast %get3A_379 : vector<1x1x256x128xf32> to vector<256x128xf32>
    %mul3A_381 = arith.constant 0.0883883461 : f32
    %mul3A_382 = vector.broadcast %mul3A_381 : f32 to vector<256x128xf32>
    %mul3A_383 = arith.mulf %get3A_380, %mul3A_382 : vector<256x128xf32>
    %get3A_384 = arith.constant 0 : index
    %get3A_385 = arith.constant 5 : index
    %get3A_386 = arith.constant 0 : index
    %get3A_387 = arith.constant 0 : index
    %get3A_388 = vector.load %arg4[%get3A_384, %get3A_385, %get3A_386, %get3A_387] : memref<1x16x256x128xf32, #tpu.memory_space<vmem>>, vector<1x1x256x128xf32>
    %get3A_389 = vector.shape_cast %get3A_388 : vector<1x1x256x128xf32> to vector<256x128xf32>
    %dot_general3A_390 = arith.constant dense<0.000000e+00> : vector<256x256xf32>
    %dot_general3A_391 = tpu.matmul %mul3A_383, %get3A_389, %dot_general3A_390 {dimension_numbers = #tpu.dot_dimension_numbers<[1], [1], [0], [0], [0, 0, 1, 0], [], []>, transpose_lhs_hint = false} : vector<256x128xf32>, vector<256x128xf32>, vector<256x256xf32> -> vector<256x256xf32>
    %dot_general3A_392 = arith.constant dense<0.000000e+00> : vector<256x256xf32>
    %dot_general3A_393 = tpu.matmul %mul3A_383, %get3A_3, %dot_general3A_392 {dimension_numbers = #tpu.dot_dimension_numbers<[1], [1], [0], [0], [0, 0, 1, 0], [], []>, transpose_lhs_hint = false} : vector<256x128xf32>, vector<256x128xf32>, vector<256x256xf32> -> vector<256x256xf32>
    %mul3A_394 = arith.constant 16 : i32
    %mul3A_395 = arith.muli %mul3A_394, %arg1 : i32
    %add3A_396 = arith.constant 5 : i32
    %add3A_397 = arith.addi %mul3A_395, %add3A_396 : i32
    %eq3A_398 = vector.broadcast %add3A_397 : i32 to vector<256xi32>
    %eq3A_399 = arith.cmpi eq, %get3A_13, %eq3A_398 : vector<256xi32>
    %jit3A_400 = arith.constant -3.40282347E+38 : f32
    %jit3A_401 = arith.constant 2.77258873 : f32
    %broadcast_in_dim3A_402 = vector.broadcast %jit3A_400 : f32 to vector<256xf32>
    %broadcast_in_dim3A_403 = vector.broadcast %jit3A_401 : f32 to vector<256xf32>
    %select_n3A_404 = arith.select %eq3A_399, %broadcast_in_dim3A_402, %broadcast_in_dim3A_403 : vector<256xi1>, vector<256xf32>
    %broadcast_in_dim3A_405 = vector.shape_cast %select_n3A_404 : vector<256xf32> to vector<1x256xf32>
    %add3A_406 = vector.broadcast %broadcast_in_dim3A_405 : vector<1x256xf32> to vector<256x256xf32>
    %add3A_407 = arith.addf %dot_general3A_393, %add3A_406 : vector<256x256xf32>
    %reduce_max3A_408 = arith.constant dense<0xFF800000> : vector<256xf32>
    %reduce_max3A_409 = vector.multi_reduction <maximumf>, %dot_general3A_391, %reduce_max3A_408 [1] : vector<256x256xf32> to vector<256xf32>
    %reduce_max3A_410 = arith.constant dense<0xFF800000> : vector<256xf32>
    %reduce_max3A_411 = vector.multi_reduction <maximumf>, %add3A_407, %reduce_max3A_410 [1] : vector<256x256xf32> to vector<256xf32>
    %max3A_412 = arith.maximumf %reduce_max3A_409, %reduce_max3A_411 : vector<256xf32>
    %broadcast_in_dim3A_413 = vector.shape_cast %max3A_412 : vector<256xf32> to vector<256x1xf32>
    %sub3A_414 = vector.broadcast %broadcast_in_dim3A_413 : vector<256x1xf32> to vector<256x256xf32>
    %sub3A_415 = arith.subf %dot_general3A_391, %sub3A_414 : vector<256x256xf32>
    %exp3A_416 = math.exp %sub3A_415 : vector<256x256xf32>
    %broadcast_in_dim3A_417 = vector.shape_cast %max3A_412 : vector<256xf32> to vector<256x1xf32>
    %sub3A_418 = vector.broadcast %broadcast_in_dim3A_417 : vector<256x1xf32> to vector<256x256xf32>
    %sub3A_419 = arith.subf %add3A_407, %sub3A_418 : vector<256x256xf32>
    %exp3A_420 = math.exp %sub3A_419 : vector<256x256xf32>
    %reduce_sum3A_421 = arith.constant dense<0.000000e+00> : vector<256xf32>
    %reduce_sum3A_422 = vector.multi_reduction <add>, %exp3A_416, %reduce_sum3A_421 [1] : vector<256x256xf32> to vector<256xf32>
    %reduce_sum3A_423 = arith.constant dense<0.000000e+00> : vector<256xf32>
    %reduce_sum3A_424 = vector.multi_reduction <add>, %exp3A_420, %reduce_sum3A_423 [1] : vector<256x256xf32> to vector<256xf32>
    %add3A_425 = arith.addf %reduce_sum3A_422, %reduce_sum3A_424 : vector<256xf32>
    %get3A_426 = arith.constant 0 : index
    %get3A_427 = arith.constant 5 : index
    %get3A_428 = arith.constant 0 : index
    %get3A_429 = arith.constant 0 : index
    %get3A_430 = vector.load %arg5[%get3A_426, %get3A_427, %get3A_428, %get3A_429] : memref<1x16x256x128xf32, #tpu.memory_space<vmem>>, vector<1x1x256x128xf32>
    %get3A_431 = vector.shape_cast %get3A_430 : vector<1x1x256x128xf32> to vector<256x128xf32>
    %dot_general3A_432 = arith.constant dense<0.000000e+00> : vector<256x128xf32>
    %dot_general3A_433 = tpu.matmul %exp3A_416, %get3A_431, %dot_general3A_432 {dimension_numbers = #tpu.dot_dimension_numbers<[1], [0], [0], [1], [0, 0, 1, 1], [], []>, transpose_lhs_hint = false} : vector<256x256xf32>, vector<256x128xf32>, vector<256x128xf32> -> vector<256x128xf32>
    %dot_general3A_434 = arith.constant dense<0.000000e+00> : vector<256x128xf32>
    %dot_general3A_435 = tpu.matmul %exp3A_420, %get3A_8, %dot_general3A_434 {dimension_numbers = #tpu.dot_dimension_numbers<[1], [0], [0], [1], [0, 0, 1, 1], [], []>, transpose_lhs_hint = false} : vector<256x256xf32>, vector<256x128xf32>, vector<256x128xf32> -> vector<256x128xf32>
    %add3A_436 = arith.addf %dot_general3A_433, %dot_general3A_435 : vector<256x128xf32>
    %div3A_437 = arith.constant 1.000000e+00 : f32
    %div3A_438 = vector.broadcast %div3A_437 : f32 to vector<256xf32>
    %div3A_439 = arith.divf %div3A_438, %add3A_425 : vector<256xf32>
    %broadcast_in_dim3A_440 = vector.shape_cast %div3A_439 : vector<256xf32> to vector<256x1xf32>
    %mul3A_441 = vector.broadcast %broadcast_in_dim3A_440 : vector<256x1xf32> to vector<256x128xf32>
    %mul3A_442 = arith.mulf %add3A_436, %mul3A_441 : vector<256x128xf32>
    %swap3A_443 = arith.constant 0 : index
    %swap3A_444 = arith.constant 5 : index
    %swap3A_445 = arith.constant 0 : index
    %swap3A_446 = arith.constant 0 : index
    %swap3A_447 = vector.load %arg8[%swap3A_443, %swap3A_444, %swap3A_445, %swap3A_446] : memref<1x16x256x128xf32, #tpu.memory_space<vmem>>, vector<1x1x256x128xf32>
    %swap3A_448 = vector.shape_cast %swap3A_447 : vector<1x1x256x128xf32> to vector<256x128xf32>
    %swap3A_449 = vector.shape_cast %mul3A_442 : vector<256x128xf32> to vector<1x1x256x128xf32>
    tpu.vector_store %arg8[%swap3A_443, %swap3A_444, %swap3A_445, %swap3A_446], %swap3A_449 {strides = array<i32>} : memref<1x16x256x128xf32, #tpu.memory_space<vmem>>, vector<1x1x256x128xf32>,
    %get3A_450 = arith.constant 0 : index
    %get3A_451 = arith.constant 6 : index
    %get3A_452 = arith.constant 0 : index
    %get3A_453 = arith.constant 0 : index
    %get3A_454 = vector.load %arg3[%get3A_450, %get3A_451, %get3A_452, %get3A_453] : memref<1x16x256x128xf32, #tpu.memory_space<vmem>>, vector<1x1x256x128xf32>
    %get3A_455 = vector.shape_cast %get3A_454 : vector<1x1x256x128xf32> to vector<256x128xf32>
    %mul3A_456 = arith.constant 0.0883883461 : f32
    %mul3A_457 = vector.broadcast %mul3A_456 : f32 to vector<256x128xf32>
    %mul3A_458 = arith.mulf %get3A_455, %mul3A_457 : vector<256x128xf32>
    %get3A_459 = arith.constant 0 : index
    %get3A_460 = arith.constant 6 : index
    %get3A_461 = arith.constant 0 : index
    %get3A_462 = arith.constant 0 : index
    %get3A_463 = vector.load %arg4[%get3A_459, %get3A_460, %get3A_461, %get3A_462] : memref<1x16x256x128xf32, #tpu.memory_space<vmem>>, vector<1x1x256x128xf32>
    %get3A_464 = vector.shape_cast %get3A_463 : vector<1x1x256x128xf32> to vector<256x128xf32>
    %dot_general3A_465 = arith.constant dense<0.000000e+00> : vector<256x256xf32>
    %dot_general3A_466 = tpu.matmul %mul3A_458, %get3A_464, %dot_general3A_465 {dimension_numbers = #tpu.dot_dimension_numbers<[1], [1], [0], [0], [0, 0, 1, 0], [], []>, transpose_lhs_hint = false} : vector<256x128xf32>, vector<256x128xf32>, vector<256x256xf32> -> vector<256x256xf32>
    %dot_general3A_467 = arith.constant dense<0.000000e+00> : vector<256x256xf32>
    %dot_general3A_468 = tpu.matmul %mul3A_458, %get3A_3, %dot_general3A_467 {dimension_numbers = #tpu.dot_dimension_numbers<[1], [1], [0], [0], [0, 0, 1, 0], [], []>, transpose_lhs_hint = false} : vector<256x128xf32>, vector<256x128xf32>, vector<256x256xf32> -> vector<256x256xf32>
    %mul3A_469 = arith.constant 16 : i32
    %mul3A_470 = arith.muli %mul3A_469, %arg1 : i32
    %add3A_471 = arith.constant 6 : i32
    %add3A_472 = arith.addi %mul3A_470, %add3A_471 : i32
    %eq3A_473 = vector.broadcast %add3A_472 : i32 to vector<256xi32>
    %eq3A_474 = arith.cmpi eq, %get3A_13, %eq3A_473 : vector<256xi32>
    %jit3A_475 = arith.constant -3.40282347E+38 : f32
    %jit3A_476 = arith.constant 2.77258873 : f32
    %broadcast_in_dim3A_477 = vector.broadcast %jit3A_475 : f32 to vector<256xf32>
    %broadcast_in_dim3A_478 = vector.broadcast %jit3A_476 : f32 to vector<256xf32>
    %select_n3A_479 = arith.select %eq3A_474, %broadcast_in_dim3A_477, %broadcast_in_dim3A_478 : vector<256xi1>, vector<256xf32>
    %broadcast_in_dim3A_480 = vector.shape_cast %select_n3A_479 : vector<256xf32> to vector<1x256xf32>
    %add3A_481 = vector.broadcast %broadcast_in_dim3A_480 : vector<1x256xf32> to vector<256x256xf32>
    %add3A_482 = arith.addf %dot_general3A_468, %add3A_481 : vector<256x256xf32>
    %reduce_max3A_483 = arith.constant dense<0xFF800000> : vector<256xf32>
    %reduce_max3A_484 = vector.multi_reduction <maximumf>, %dot_general3A_466, %reduce_max3A_483 [1] : vector<256x256xf32> to vector<256xf32>
    %reduce_max3A_485 = arith.constant dense<0xFF800000> : vector<256xf32>
    %reduce_max3A_486 = vector.multi_reduction <maximumf>, %add3A_482, %reduce_max3A_485 [1] : vector<256x256xf32> to vector<256xf32>
    %max3A_487 = arith.maximumf %reduce_max3A_484, %reduce_max3A_486 : vector<256xf32>
    %broadcast_in_dim3A_488 = vector.shape_cast %max3A_487 : vector<256xf32> to vector<256x1xf32>
    %sub3A_489 = vector.broadcast %broadcast_in_dim3A_488 : vector<256x1xf32> to vector<256x256xf32>
    %sub3A_490 = arith.subf %dot_general3A_466, %sub3A_489 : vector<256x256xf32>
    %exp3A_491 = math.exp %sub3A_490 : vector<256x256xf32>
    %broadcast_in_dim3A_492 = vector.shape_cast %max3A_487 : vector<256xf32> to vector<256x1xf32>
    %sub3A_493 = vector.broadcast %broadcast_in_dim3A_492 : vector<256x1xf32> to vector<256x256xf32>
    %sub3A_494 = arith.subf %add3A_482, %sub3A_493 : vector<256x256xf32>
    %exp3A_495 = math.exp %sub3A_494 : vector<256x256xf32>
    %reduce_sum3A_496 = arith.constant dense<0.000000e+00> : vector<256xf32>
    %reduce_sum3A_497 = vector.multi_reduction <add>, %exp3A_491, %reduce_sum3A_496 [1] : vector<256x256xf32> to vector<256xf32>
    %reduce_sum3A_498 = arith.constant dense<0.000000e+00> : vector<256xf32>
    %reduce_sum3A_499 = vector.multi_reduction <add>, %exp3A_495, %reduce_sum3A_498 [1] : vector<256x256xf32> to vector<256xf32>
    %add3A_500 = arith.addf %reduce_sum3A_497, %reduce_sum3A_499 : vector<256xf32>
    %get3A_501 = arith.constant 0 : index
    %get3A_502 = arith.constant 6 : index
    %get3A_503 = arith.constant 0 : index
    %get3A_504 = arith.constant 0 : index
    %get3A_505 = vector.load %arg5[%get3A_501, %get3A_502, %get3A_503, %get3A_504] : memref<1x16x256x128xf32, #tpu.memory_space<vmem>>, vector<1x1x256x128xf32>
    %get3A_506 = vector.shape_cast %get3A_505 : vector<1x1x256x128xf32> to vector<256x128xf32>
    %dot_general3A_507 = arith.constant dense<0.000000e+00> : vector<256x128xf32>
    %dot_general3A_508 = tpu.matmul %exp3A_491, %get3A_506, %dot_general3A_507 {dimension_numbers = #tpu.dot_dimension_numbers<[1], [0], [0], [1], [0, 0, 1, 1], [], []>, transpose_lhs_hint = false} : vector<256x256xf32>, vector<256x128xf32>, vector<256x128xf32> -> vector<256x128xf32>
    %dot_general3A_509 = arith.constant dense<0.000000e+00> : vector<256x128xf32>
    %dot_general3A_510 = tpu.matmul %exp3A_495, %get3A_8, %dot_general3A_509 {dimension_numbers = #tpu.dot_dimension_numbers<[1], [0], [0], [1], [0, 0, 1, 1], [], []>, transpose_lhs_hint = false} : vector<256x256xf32>, vector<256x128xf32>, vector<256x128xf32> -> vector<256x128xf32>
    %add3A_511 = arith.addf %dot_general3A_508, %dot_general3A_510 : vector<256x128xf32>
    %div3A_512 = arith.constant 1.000000e+00 : f32
    %div3A_513 = vector.broadcast %div3A_512 : f32 to vector<256xf32>
    %div3A_514 = arith.divf %div3A_513, %add3A_500 : vector<256xf32>
    %broadcast_in_dim3A_515 = vector.shape_cast %div3A_514 : vector<256xf32> to vector<256x1xf32>
    %mul3A_516 = vector.broadcast %broadcast_in_dim3A_515 : vector<256x1xf32> to vector<256x128xf32>
    %mul3A_517 = arith.mulf %add3A_511, %mul3A_516 : vector<256x128xf32>
    %swap3A_518 = arith.constant 0 : index
    %swap3A_519 = arith.constant 6 : index
    %swap3A_520 = arith.constant 0 : index
    %swap3A_521 = arith.constant 0 : index
    %swap3A_522 = vector.load %arg8[%swap3A_518, %swap3A_519, %swap3A_520, %swap3A_521] : memref<1x16x256x128xf32, #tpu.memory_space<vmem>>, vector<1x1x256x128xf32>
    %swap3A_523 = vector.shape_cast %swap3A_522 : vector<1x1x256x128xf32> to vector<256x128xf32>
    %swap3A_524 = vector.shape_cast %mul3A_517 : vector<256x128xf32> to vector<1x1x256x128xf32>
    tpu.vector_store %arg8[%swap3A_518, %swap3A_519, %swap3A_520, %swap3A_521], %swap3A_524 {strides = array<i32>} : memref<1x16x256x128xf32, #tpu.memory_space<vmem>>, vector<1x1x256x128xf32>,
    %get3A_525 = arith.constant 0 : index
    %get3A_526 = arith.constant 7 : index
    %get3A_527 = arith.constant 0 : index
    %get3A_528 = arith.constant 0 : index
    %get3A_529 = vector.load %arg3[%get3A_525, %get3A_526, %get3A_527, %get3A_528] : memref<1x16x256x128xf32, #tpu.memory_space<vmem>>, vector<1x1x256x128xf32>
    %get3A_530 = vector.shape_cast %get3A_529 : vector<1x1x256x128xf32> to vector<256x128xf32>
    %mul3A_531 = arith.constant 0.0883883461 : f32
    %mul3A_532 = vector.broadcast %mul3A_531 : f32 to vector<256x128xf32>
    %mul3A_533 = arith.mulf %get3A_530, %mul3A_532 : vector<256x128xf32>
    %get3A_534 = arith.constant 0 : index
    %get3A_535 = arith.constant 7 : index
    %get3A_536 = arith.constant 0 : index
    %get3A_537 = arith.constant 0 : index
    %get3A_538 = vector.load %arg4[%get3A_534, %get3A_535, %get3A_536, %get3A_537] : memref<1x16x256x128xf32, #tpu.memory_space<vmem>>, vector<1x1x256x128xf32>
    %get3A_539 = vector.shape_cast %get3A_538 : vector<1x1x256x128xf32> to vector<256x128xf32>
    %dot_general3A_540 = arith.constant dense<0.000000e+00> : vector<256x256xf32>
    %dot_general3A_541 = tpu.matmul %mul3A_533, %get3A_539, %dot_general3A_540 {dimension_numbers = #tpu.dot_dimension_numbers<[1], [1], [0], [0], [0, 0, 1, 0], [], []>, transpose_lhs_hint = false} : vector<256x128xf32>, vector<256x128xf32>, vector<256x256xf32> -> vector<256x256xf32>
    %dot_general3A_542 = arith.constant dense<0.000000e+00> : vector<256x256xf32>
    %dot_general3A_543 = tpu.matmul %mul3A_533, %get3A_3, %dot_general3A_542 {dimension_numbers = #tpu.dot_dimension_numbers<[1], [1], [0], [0], [0, 0, 1, 0], [], []>, transpose_lhs_hint = false} : vector<256x128xf32>, vector<256x128xf32>, vector<256x256xf32> -> vector<256x256xf32>
    %mul3A_544 = arith.constant 16 : i32
    %mul3A_545 = arith.muli %mul3A_544, %arg1 : i32
    %add3A_546 = arith.constant 7 : i32
    %add3A_547 = arith.addi %mul3A_545, %add3A_546 : i32
    %eq3A_548 = vector.broadcast %add3A_547 : i32 to vector<256xi32>
    %eq3A_549 = arith.cmpi eq, %get3A_13, %eq3A_548 : vector<256xi32>
    %jit3A_550 = arith.constant -3.40282347E+38 : f32
    %jit3A_551 = arith.constant 2.77258873 : f32
    %broadcast_in_dim3A_552 = vector.broadcast %jit3A_550 : f32 to vector<256xf32>
    %broadcast_in_dim3A_553 = vector.broadcast %jit3A_551 : f32 to vector<256xf32>
    %select_n3A_554 = arith.select %eq3A_549, %broadcast_in_dim3A_552, %broadcast_in_dim3A_553 : vector<256xi1>, vector<256xf32>
    %broadcast_in_dim3A_555 = vector.shape_cast %select_n3A_554 : vector<256xf32> to vector<1x256xf32>
    %add3A_556 = vector.broadcast %broadcast_in_dim3A_555 : vector<1x256xf32> to vector<256x256xf32>
    %add3A_557 = arith.addf %dot_general3A_543, %add3A_556 : vector<256x256xf32>
    %reduce_max3A_558 = arith.constant dense<0xFF800000> : vector<256xf32>
    %reduce_max3A_559 = vector.multi_reduction <maximumf>, %dot_general3A_541, %reduce_max3A_558 [1] : vector<256x256xf32> to vector<256xf32>
    %reduce_max3A_560 = arith.constant dense<0xFF800000> : vector<256xf32>
    %reduce_max3A_561 = vector.multi_reduction <maximumf>, %add3A_557, %reduce_max3A_560 [1] : vector<256x256xf32> to vector<256xf32>
    %max3A_562 = arith.maximumf %reduce_max3A_559, %reduce_max3A_561 : vector<256xf32>
    %broadcast_in_dim3A_563 = vector.shape_cast %max3A_562 : vector<256xf32> to vector<256x1xf32>
    %sub3A_564 = vector.broadcast %broadcast_in_dim3A_563 : vector<256x1xf32> to vector<256x256xf32>
    %sub3A_565 = arith.subf %dot_general3A_541, %sub3A_564 : vector<256x256xf32>
    %exp3A_566 = math.exp %sub3A_565 : vector<256x256xf32>
    %broadcast_in_dim3A_567 = vector.shape_cast %max3A_562 : vector<256xf32> to vector<256x1xf32>
    %sub3A_568 = vector.broadcast %broadcast_in_dim3A_567 : vector<256x1xf32> to vector<256x256xf32>
    %sub3A_569 = arith.subf %add3A_557, %sub3A_568 : vector<256x256xf32>
    %exp3A_570 = math.exp %sub3A_569 : vector<256x256xf32>
    %reduce_sum3A_571 = arith.constant dense<0.000000e+00> : vector<256xf32>
    %reduce_sum3A_572 = vector.multi_reduction <add>, %exp3A_566, %reduce_sum3A_571 [1] : vector<256x256xf32> to vector<256xf32>
    %reduce_sum3A_573 = arith.constant dense<0.000000e+00> : vector<256xf32>
    %reduce_sum3A_574 = vector.multi_reduction <add>, %exp3A_570, %reduce_sum3A_573 [1] : vector<256x256xf32> to vector<256xf32>
    %add3A_575 = arith.addf %reduce_sum3A_572, %reduce_sum3A_574 : vector<256xf32>
    %get3A_576 = arith.constant 0 : index
    %get3A_577 = arith.constant 7 : index
    %get3A_578 = arith.constant 0 : index
    %get3A_579 = arith.constant 0 : index
    %get3A_580 = vector.load %arg5[%get3A_576, %get3A_577, %get3A_578, %get3A_579] : memref<1x16x256x128xf32, #tpu.memory_space<vmem>>, vector<1x1x256x128xf32>
    %get3A_581 = vector.shape_cast %get3A_580 : vector<1x1x256x128xf32> to vector<256x128xf32>
    %dot_general3A_582 = arith.constant dense<0.000000e+00> : vector<256x128xf32>
    %dot_general3A_583 = tpu.matmul %exp3A_566, %get3A_581, %dot_general3A_582 {dimension_numbers = #tpu.dot_dimension_numbers<[1], [0], [0], [1], [0, 0, 1, 1], [], []>, transpose_lhs_hint = false} : vector<256x256xf32>, vector<256x128xf32>, vector<256x128xf32> -> vector<256x128xf32>
    %dot_general3A_584 = arith.constant dense<0.000000e+00> : vector<256x128xf32>
    %dot_general3A_585 = tpu.matmul %exp3A_570, %get3A_8, %dot_general3A_584 {dimension_numbers = #tpu.dot_dimension_numbers<[1], [0], [0], [1], [0, 0, 1, 1], [], []>, transpose_lhs_hint = false} : vector<256x256xf32>, vector<256x128xf32>, vector<256x128xf32> -> vector<256x128xf32>
    %add3A_586 = arith.addf %dot_general3A_583, %dot_general3A_585 : vector<256x128xf32>
    %div3A_587 = arith.constant 1.000000e+00 : f32
    %div3A_588 = vector.broadcast %div3A_587 : f32 to vector<256xf32>
    %div3A_589 = arith.divf %div3A_588, %add3A_575 : vector<256xf32>
    %broadcast_in_dim3A_590 = vector.shape_cast %div3A_589 : vector<256xf32> to vector<256x1xf32>
    %mul3A_591 = vector.broadcast %broadcast_in_dim3A_590 : vector<256x1xf32> to vector<256x128xf32>
    %mul3A_592 = arith.mulf %add3A_586, %mul3A_591 : vector<256x128xf32>
    %swap3A_593 = arith.constant 0 : index
    %swap3A_594 = arith.constant 7 : index
    %swap3A_595 = arith.constant 0 : index
    %swap3A_596 = arith.constant 0 : index
    %swap3A_597 = vector.load %arg8[%swap3A_593, %swap3A_594, %swap3A_595, %swap3A_596] : memref<1x16x256x128xf32, #tpu.memory_space<vmem>>, vector<1x1x256x128xf32>
    %swap3A_598 = vector.shape_cast %swap3A_597 : vector<1x1x256x128xf32> to vector<256x128xf32>
    %swap3A_599 = vector.shape_cast %mul3A_592 : vector<256x128xf32> to vector<1x1x256x128xf32>
    tpu.vector_store %arg8[%swap3A_593, %swap3A_594, %swap3A_595, %swap3A_596], %swap3A_599 {strides = array<i32>} : memref<1x16x256x128xf32, #tpu.memory_space<vmem>>, vector<1x1x256x128xf32>,
    %get3A_600 = arith.constant 0 : index
    %get3A_601 = arith.constant 8 : index
    %get3A_602 = arith.constant 0 : index
    %get3A_603 = arith.constant 0 : index
    %get3A_604 = vector.load %arg3[%get3A_600, %get3A_601, %get3A_602, %get3A_603] : memref<1x16x256x128xf32, #tpu.memory_space<vmem>>, vector<1x1x256x128xf32>
    %get3A_605 = vector.shape_cast %get3A_604 : vector<1x1x256x128xf32> to vector<256x128xf32>
    %mul3A_606 = arith.constant 0.0883883461 : f32
    %mul3A_607 = vector.broadcast %mul3A_606 : f32 to vector<256x128xf32>
    %mul3A_608 = arith.mulf %get3A_605, %mul3A_607 : vector<256x128xf32>
    %get3A_609 = arith.constant 0 : index
    %get3A_610 = arith.constant 8 : index
    %get3A_611 = arith.constant 0 : index
    %get3A_612 = arith.constant 0 : index
    %get3A_613 = vector.load %arg4[%get3A_609, %get3A_610, %get3A_611, %get3A_612] : memref<1x16x256x128xf32, #tpu.memory_space<vmem>>, vector<1x1x256x128xf32>
    %get3A_614 = vector.shape_cast %get3A_613 : vector<1x1x256x128xf32> to vector<256x128xf32>
    %dot_general3A_615 = arith.constant dense<0.000000e+00> : vector<256x256xf32>
    %dot_general3A_616 = tpu.matmul %mul3A_608, %get3A_614, %dot_general3A_615 {dimension_numbers = #tpu.dot_dimension_numbers<[1], [1], [0], [0], [0, 0, 1, 0], [], []>, transpose_lhs_hint = false} : vector<256x128xf32>, vector<256x128xf32>, vector<256x256xf32> -> vector<256x256xf32>
    %dot_general3A_617 = arith.constant dense<0.000000e+00> : vector<256x256xf32>
    %dot_general3A_618 = tpu.matmul %mul3A_608, %get3A_3, %dot_general3A_617 {dimension_numbers = #tpu.dot_dimension_numbers<[1], [1], [0], [0], [0, 0, 1, 0], [], []>, transpose_lhs_hint = false} : vector<256x128xf32>, vector<256x128xf32>, vector<256x256xf32> -> vector<256x256xf32>
    %mul3A_619 = arith.constant 16 : i32
    %mul3A_620 = arith.muli %mul3A_619, %arg1 : i32
    %add3A_621 = arith.constant 8 : i32
    %add3A_622 = arith.addi %mul3A_620, %add3A_621 : i32
    %eq3A_623 = vector.broadcast %add3A_622 : i32 to vector<256xi32>
    %eq3A_624 = arith.cmpi eq, %get3A_13, %eq3A_623 : vector<256xi32>
    %jit3A_625 = arith.constant -3.40282347E+38 : f32
    %jit3A_626 = arith.constant 2.77258873 : f32
    %broadcast_in_dim3A_627 = vector.broadcast %jit3A_625 : f32 to vector<256xf32>
    %broadcast_in_dim3A_628 = vector.broadcast %jit3A_626 : f32 to vector<256xf32>
    %select_n3A_629 = arith.select %eq3A_624, %broadcast_in_dim3A_627, %broadcast_in_dim3A_628 : vector<256xi1>, vector<256xf32>
    %broadcast_in_dim3A_630 = vector.shape_cast %select_n3A_629 : vector<256xf32> to vector<1x256xf32>
    %add3A_631 = vector.broadcast %broadcast_in_dim3A_630 : vector<1x256xf32> to vector<256x256xf32>
    %add3A_632 = arith.addf %dot_general3A_618, %add3A_631 : vector<256x256xf32>
    %reduce_max3A_633 = arith.constant dense<0xFF800000> : vector<256xf32>
    %reduce_max3A_634 = vector.multi_reduction <maximumf>, %dot_general3A_616, %reduce_max3A_633 [1] : vector<256x256xf32> to vector<256xf32>
    %reduce_max3A_635 = arith.constant dense<0xFF800000> : vector<256xf32>
    %reduce_max3A_636 = vector.multi_reduction <maximumf>, %add3A_632, %reduce_max3A_635 [1] : vector<256x256xf32> to vector<256xf32>
    %max3A_637 = arith.maximumf %reduce_max3A_634, %reduce_max3A_636 : vector<256xf32>
    %broadcast_in_dim3A_638 = vector.shape_cast %max3A_637 : vector<256xf32> to vector<256x1xf32>
    %sub3A_639 = vector.broadcast %broadcast_in_dim3A_638 : vector<256x1xf32> to vector<256x256xf32>
    %sub3A_640 = arith.subf %dot_general3A_616, %sub3A_639 : vector<256x256xf32>
    %exp3A_641 = math.exp %sub3A_640 : vector<256x256xf32>
    %broadcast_in_dim3A_642 = vector.shape_cast %max3A_637 : vector<256xf32> to vector<256x1xf32>
    %sub3A_643 = vector.broadcast %broadcast_in_dim3A_642 : vector<256x1xf32> to vector<256x256xf32>
    %sub3A_644 = arith.subf %add3A_632, %sub3A_643 : vector<256x256xf32>
    %exp3A_645 = math.exp %sub3A_644 : vector<256x256xf32>
    %reduce_sum3A_646 = arith.constant dense<0.000000e+00> : vector<256xf32>
    %reduce_sum3A_647 = vector.multi_reduction <add>, %exp3A_641, %reduce_sum3A_646 [1] : vector<256x256xf32> to vector<256xf32>
    %reduce_sum3A_648 = arith.constant dense<0.000000e+00> : vector<256xf32>
    %reduce_sum3A_649 = vector.multi_reduction <add>, %exp3A_645, %reduce_sum3A_648 [1] : vector<256x256xf32> to vector<256xf32>
    %add3A_650 = arith.addf %reduce_sum3A_647, %reduce_sum3A_649 : vector<256xf32>
    %get3A_651 = arith.constant 0 : index
    %get3A_652 = arith.constant 8 : index
    %get3A_653 = arith.constant 0 : index
    %get3A_654 = arith.constant 0 : index
    %get3A_655 = vector.load %arg5[%get3A_651, %get3A_652, %get3A_653, %get3A_654] : memref<1x16x256x128xf32, #tpu.memory_space<vmem>>, vector<1x1x256x128xf32>
    %get3A_656 = vector.shape_cast %get3A_655 : vector<1x1x256x128xf32> to vector<256x128xf32>
    %dot_general3A_657 = arith.constant dense<0.000000e+00> : vector<256x128xf32>
    %dot_general3A_658 = tpu.matmul %exp3A_641, %get3A_656, %dot_general3A_657 {dimension_numbers = #tpu.dot_dimension_numbers<[1], [0], [0], [1], [0, 0, 1, 1], [], []>, transpose_lhs_hint = false} : vector<256x256xf32>, vector<256x128xf32>, vector<256x128xf32> -> vector<256x128xf32>
    %dot_general3A_659 = arith.constant dense<0.000000e+00> : vector<256x128xf32>
    %dot_general3A_660 = tpu.matmul %exp3A_645, %get3A_8, %dot_general3A_659 {dimension_numbers = #tpu.dot_dimension_numbers<[1], [0], [0], [1], [0, 0, 1, 1], [], []>, transpose_lhs_hint = false} : vector<256x256xf32>, vector<256x128xf32>, vector<256x128xf32> -> vector<256x128xf32>
    %add3A_661 = arith.addf %dot_general3A_658, %dot_general3A_660 : vector<256x128xf32>
    %div3A_662 = arith.constant 1.000000e+00 : f32
    %div3A_663 = vector.broadcast %div3A_662 : f32 to vector<256xf32>
    %div3A_664 = arith.divf %div3A_663, %add3A_650 : vector<256xf32>
    %broadcast_in_dim3A_665 = vector.shape_cast %div3A_664 : vector<256xf32> to vector<256x1xf32>
    %mul3A_666 = vector.broadcast %broadcast_in_dim3A_665 : vector<256x1xf32> to vector<256x128xf32>
    %mul3A_667 = arith.mulf %add3A_661, %mul3A_666 : vector<256x128xf32>
    %swap3A_668 = arith.constant 0 : index
    %swap3A_669 = arith.constant 8 : index
    %swap3A_670 = arith.constant 0 : index
    %swap3A_671 = arith.constant 0 : index
    %swap3A_672 = vector.load %arg8[%swap3A_668, %swap3A_669, %swap3A_670, %swap3A_671] : memref<1x16x256x128xf32, #tpu.memory_space<vmem>>, vector<1x1x256x128xf32>
    %swap3A_673 = vector.shape_cast %swap3A_672 : vector<1x1x256x128xf32> to vector<256x128xf32>
    %swap3A_674 = vector.shape_cast %mul3A_667 : vector<256x128xf32> to vector<1x1x256x128xf32>
    tpu.vector_store %arg8[%swap3A_668, %swap3A_669, %swap3A_670, %swap3A_671], %swap3A_674 {strides = array<i32>} : memref<1x16x256x128xf32, #tpu.memory_space<vmem>>, vector<1x1x256x128xf32>,
    %get3A_675 = arith.constant 0 : index
    %get3A_676 = arith.constant 9 : index
    %get3A_677 = arith.constant 0 : index
    %get3A_678 = arith.constant 0 : index
    %get3A_679 = vector.load %arg3[%get3A_675, %get3A_676, %get3A_677, %get3A_678] : memref<1x16x256x128xf32, #tpu.memory_space<vmem>>, vector<1x1x256x128xf32>
    %get3A_680 = vector.shape_cast %get3A_679 : vector<1x1x256x128xf32> to vector<256x128xf32>
    %mul3A_681 = arith.constant 0.0883883461 : f32
    %mul3A_682 = vector.broadcast %mul3A_681 : f32 to vector<256x128xf32>
    %mul3A_683 = arith.mulf %get3A_680, %mul3A_682 : vector<256x128xf32>
    %get3A_684 = arith.constant 0 : index
    %get3A_685 = arith.constant 9 : index
    %get3A_686 = arith.constant 0 : index
    %get3A_687 = arith.constant 0 : index
    %get3A_688 = vector.load %arg4[%get3A_684, %get3A_685, %get3A_686, %get3A_687] : memref<1x16x256x128xf32, #tpu.memory_space<vmem>>, vector<1x1x256x128xf32>
    %get3A_689 = vector.shape_cast %get3A_688 : vector<1x1x256x128xf32> to vector<256x128xf32>
    %dot_general3A_690 = arith.constant dense<0.000000e+00> : vector<256x256xf32>
    %dot_general3A_691 = tpu.matmul %mul3A_683, %get3A_689, %dot_general3A_690 {dimension_numbers = #tpu.dot_dimension_numbers<[1], [1], [0], [0], [0, 0, 1, 0], [], []>, transpose_lhs_hint = false} : vector<256x128xf32>, vector<256x128xf32>, vector<256x256xf32> -> vector<256x256xf32>
    %dot_general3A_692 = arith.constant dense<0.000000e+00> : vector<256x256xf32>
    %dot_general3A_693 = tpu.matmul %mul3A_683, %get3A_3, %dot_general3A_692 {dimension_numbers = #tpu.dot_dimension_numbers<[1], [1], [0], [0], [0, 0, 1, 0], [], []>, transpose_lhs_hint = false} : vector<256x128xf32>, vector<256x128xf32>, vector<256x256xf32> -> vector<256x256xf32>
    %mul3A_694 = arith.constant 16 : i32
    %mul3A_695 = arith.muli %mul3A_694, %arg1 : i32
    %add3A_696 = arith.constant 9 : i32
    %add3A_697 = arith.addi %mul3A_695, %add3A_696 : i32
    %eq3A_698 = vector.broadcast %add3A_697 : i32 to vector<256xi32>
    %eq3A_699 = arith.cmpi eq, %get3A_13, %eq3A_698 : vector<256xi32>
    %jit3A_700 = arith.constant -3.40282347E+38 : f32
    %jit3A_701 = arith.constant 2.77258873 : f32
    %broadcast_in_dim3A_702 = vector.broadcast %jit3A_700 : f32 to vector<256xf32>
    %broadcast_in_dim3A_703 = vector.broadcast %jit3A_701 : f32 to vector<256xf32>
    %select_n3A_704 = arith.select %eq3A_699, %broadcast_in_dim3A_702, %broadcast_in_dim3A_703 : vector<256xi1>, vector<256xf32>
    %broadcast_in_dim3A_705 = vector.shape_cast %select_n3A_704 : vector<256xf32> to vector<1x256xf32>
    %add3A_706 = vector.broadcast %broadcast_in_dim3A_705 : vector<1x256xf32> to vector<256x256xf32>
    %add3A_707 = arith.addf %dot_general3A_693, %add3A_706 : vector<256x256xf32>
    %reduce_max3A_708 = arith.constant dense<0xFF800000> : vector<256xf32>
    %reduce_max3A_709 = vector.multi_reduction <maximumf>, %dot_general3A_691, %reduce_max3A_708 [1] : vector<256x256xf32> to vector<256xf32>
    %reduce_max3A_710 = arith.constant dense<0xFF800000> : vector<256xf32>
    %reduce_max3A_711 = vector.multi_reduction <maximumf>, %add3A_707, %reduce_max3A_710 [1] : vector<256x256xf32> to vector<256xf32>
    %max3A_712 = arith.maximumf %reduce_max3A_709, %reduce_max3A_711 : vector<256xf32>
    %broadcast_in_dim3A_713 = vector.shape_cast %max3A_712 : vector<256xf32> to vector<256x1xf32>
    %sub3A_714 = vector.broadcast %broadcast_in_dim3A_713 : vector<256x1xf32> to vector<256x256xf32>
    %sub3A_715 = arith.subf %dot_general3A_691, %sub3A_714 : vector<256x256xf32>
    %exp3A_716 = math.exp %sub3A_715 : vector<256x256xf32>
    %broadcast_in_dim3A_717 = vector.shape_cast %max3A_712 : vector<256xf32> to vector<256x1xf32>
    %sub3A_718 = vector.broadcast %broadcast_in_dim3A_717 : vector<256x1xf32> to vector<256x256xf32>
    %sub3A_719 = arith.subf %add3A_707, %sub3A_718 : vector<256x256xf32>
    %exp3A_720 = math.exp %sub3A_719 : vector<256x256xf32>
    %reduce_sum3A_721 = arith.constant dense<0.000000e+00> : vector<256xf32>
    %reduce_sum3A_722 = vector.multi_reduction <add>, %exp3A_716, %reduce_sum3A_721 [1] : vector<256x256xf32> to vector<256xf32>
    %reduce_sum3A_723 = arith.constant dense<0.000000e+00> : vector<256xf32>
    %reduce_sum3A_724 = vector.multi_reduction <add>, %exp3A_720, %reduce_sum3A_723 [1] : vector<256x256xf32> to vector<256xf32>
    %add3A_725 = arith.addf %reduce_sum3A_722, %reduce_sum3A_724 : vector<256xf32>
    %get3A_726 = arith.constant 0 : index
    %get3A_727 = arith.constant 9 : index
    %get3A_728 = arith.constant 0 : index
    %get3A_729 = arith.constant 0 : index
    %get3A_730 = vector.load %arg5[%get3A_726, %get3A_727, %get3A_728, %get3A_729] : memref<1x16x256x128xf32, #tpu.memory_space<vmem>>, vector<1x1x256x128xf32>
    %get3A_731 = vector.shape_cast %get3A_730 : vector<1x1x256x128xf32> to vector<256x128xf32>
    %dot_general3A_732 = arith.constant dense<0.000000e+00> : vector<256x128xf32>
    %dot_general3A_733 = tpu.matmul %exp3A_716, %get3A_731, %dot_general3A_732 {dimension_numbers = #tpu.dot_dimension_numbers<[1], [0], [0], [1], [0, 0, 1, 1], [], []>, transpose_lhs_hint = false} : vector<256x256xf32>, vector<256x128xf32>, vector<256x128xf32> -> vector<256x128xf32>
    %dot_general3A_734 = arith.constant dense<0.000000e+00> : vector<256x128xf32>
    %dot_general3A_735 = tpu.matmul %exp3A_720, %get3A_8, %dot_general3A_734 {dimension_numbers = #tpu.dot_dimension_numbers<[1], [0], [0], [1], [0, 0, 1, 1], [], []>, transpose_lhs_hint = false} : vector<256x256xf32>, vector<256x128xf32>, vector<256x128xf32> -> vector<256x128xf32>
    %add3A_736 = arith.addf %dot_general3A_733, %dot_general3A_735 : vector<256x128xf32>
    %div3A_737 = arith.constant 1.000000e+00 : f32
    %div3A_738 = vector.broadcast %div3A_737 : f32 to vector<256xf32>
    %div3A_739 = arith.divf %div3A_738, %add3A_725 : vector<256xf32>
    %broadcast_in_dim3A_740 = vector.shape_cast %div3A_739 : vector<256xf32> to vector<256x1xf32>
    %mul3A_741 = vector.broadcast %broadcast_in_dim3A_740 : vector<256x1xf32> to vector<256x128xf32>
    %mul3A_742 = arith.mulf %add3A_736, %mul3A_741 : vector<256x128xf32>
    %swap3A_743 = arith.constant 0 : index
    %swap3A_744 = arith.constant 9 : index
    %swap3A_745 = arith.constant 0 : index
    %swap3A_746 = arith.constant 0 : index
    %swap3A_747 = vector.load %arg8[%swap3A_743, %swap3A_744, %swap3A_745, %swap3A_746] : memref<1x16x256x128xf32, #tpu.memory_space<vmem>>, vector<1x1x256x128xf32>
    %swap3A_748 = vector.shape_cast %swap3A_747 : vector<1x1x256x128xf32> to vector<256x128xf32>
    %swap3A_749 = vector.shape_cast %mul3A_742 : vector<256x128xf32> to vector<1x1x256x128xf32>
    tpu.vector_store %arg8[%swap3A_743, %swap3A_744, %swap3A_745, %swap3A_746], %swap3A_749 {strides = array<i32>} : memref<1x16x256x128xf32, #tpu.memory_space<vmem>>, vector<1x1x256x128xf32>,
    %get3A_750 = arith.constant 0 : index
    %get3A_751 = arith.constant 10 : index
    %get3A_752 = arith.constant 0 : index
    %get3A_753 = arith.constant 0 : index
    %get3A_754 = vector.load %arg3[%get3A_750, %get3A_751, %get3A_752, %get3A_753] : memref<1x16x256x128xf32, #tpu.memory_space<vmem>>, vector<1x1x256x128xf32>
    %get3A_755 = vector.shape_cast %get3A_754 : vector<1x1x256x128xf32> to vector<256x128xf32>
    %mul3A_756 = arith.constant 0.0883883461 : f32
    %mul3A_757 = vector.broadcast %mul3A_756 : f32 to vector<256x128xf32>
    %mul3A_758 = arith.mulf %get3A_755, %mul3A_757 : vector<256x128xf32>
    %get3A_759 = arith.constant 0 : index
    %get3A_760 = arith.constant 10 : index
    %get3A_761 = arith.constant 0 : index
    %get3A_762 = arith.constant 0 : index
    %get3A_763 = vector.load %arg4[%get3A_759, %get3A_760, %get3A_761, %get3A_762] : memref<1x16x256x128xf32, #tpu.memory_space<vmem>>, vector<1x1x256x128xf32>
    %get3A_764 = vector.shape_cast %get3A_763 : vector<1x1x256x128xf32> to vector<256x128xf32>
    %dot_general3A_765 = arith.constant dense<0.000000e+00> : vector<256x256xf32>
    %dot_general3A_766 = tpu.matmul %mul3A_758, %get3A_764, %dot_general3A_765 {dimension_numbers = #tpu.dot_dimension_numbers<[1], [1], [0], [0], [0, 0, 1, 0], [], []>, transpose_lhs_hint = false} : vector<256x128xf32>, vector<256x128xf32>, vector<256x256xf32> -> vector<256x256xf32>
    %dot_general3A_767 = arith.constant dense<0.000000e+00> : vector<256x256xf32>
    %dot_general3A_768 = tpu.matmul %mul3A_758, %get3A_3, %dot_general3A_767 {dimension_numbers = #tpu.dot_dimension_numbers<[1], [1], [0], [0], [0, 0, 1, 0], [], []>, transpose_lhs_hint = false} : vector<256x128xf32>, vector<256x128xf32>, vector<256x256xf32> -> vector<256x256xf32>
    %mul3A_769 = arith.constant 16 : i32
    %mul3A_770 = arith.muli %mul3A_769, %arg1 : i32
    %add3A_771 = arith.constant 10 : i32
    %add3A_772 = arith.addi %mul3A_770, %add3A_771 : i32
    %eq3A_773 = vector.broadcast %add3A_772 : i32 to vector<256xi32>
    %eq3A_774 = arith.cmpi eq, %get3A_13, %eq3A_773 : vector<256xi32>
    %jit3A_775 = arith.constant -3.40282347E+38 : f32
    %jit3A_776 = arith.constant 2.77258873 : f32
    %broadcast_in_dim3A_777 = vector.broadcast %jit3A_775 : f32 to vector<256xf32>
    %broadcast_in_dim3A_778 = vector.broadcast %jit3A_776 : f32 to vector<256xf32>
    %select_n3A_779 = arith.select %eq3A_774, %broadcast_in_dim3A_777, %broadcast_in_dim3A_778 : vector<256xi1>, vector<256xf32>
    %broadcast_in_dim3A_780 = vector.shape_cast %select_n3A_779 : vector<256xf32> to vector<1x256xf32>
    %add3A_781 = vector.broadcast %broadcast_in_dim3A_780 : vector<1x256xf32> to vector<256x256xf32>
    %add3A_782 = arith.addf %dot_general3A_768, %add3A_781 : vector<256x256xf32>
    %reduce_max3A_783 = arith.constant dense<0xFF800000> : vector<256xf32>
    %reduce_max3A_784 = vector.multi_reduction <maximumf>, %dot_general3A_766, %reduce_max3A_783 [1] : vector<256x256xf32> to vector<256xf32>
    %reduce_max3A_785 = arith.constant dense<0xFF800000> : vector<256xf32>
    %reduce_max3A_786 = vector.multi_reduction <maximumf>, %add3A_782, %reduce_max3A_785 [1] : vector<256x256xf32> to vector<256xf32>
    %max3A_787 = arith.maximumf %reduce_max3A_784, %reduce_max3A_786 : vector<256xf32>
    %broadcast_in_dim3A_788 = vector.shape_cast %max3A_787 : vector<256xf32> to vector<256x1xf32>
    %sub3A_789 = vector.broadcast %broadcast_in_dim3A_788 : vector<256x1xf32> to vector<256x256xf32>
    %sub3A_790 = arith.subf %dot_general3A_766, %sub3A_789 : vector<256x256xf32>
    %exp3A_791 = math.exp %sub3A_790 : vector<256x256xf32>
    %broadcast_in_dim3A_792 = vector.shape_cast %max3A_787 : vector<256xf32> to vector<256x1xf32>
    %sub3A_793 = vector.broadcast %broadcast_in_dim3A_792 : vector<256x1xf32> to vector<256x256xf32>
    %sub3A_794 = arith.subf %add3A_782, %sub3A_793 : vector<256x256xf32>
    %exp3A_795 = math.exp %sub3A_794 : vector<256x256xf32>
    %reduce_sum3A_796 = arith.constant dense<0.000000e+00> : vector<256xf32>
    %reduce_sum3A_797 = vector.multi_reduction <add>, %exp3A_791, %reduce_sum3A_796 [1] : vector<256x256xf32> to vector<256xf32>
    %reduce_sum3A_798 = arith.constant dense<0.000000e+00> : vector<256xf32>
    %reduce_sum3A_799 = vector.multi_reduction <add>, %exp3A_795, %reduce_sum3A_798 [1] : vector<256x256xf32> to vector<256xf32>
    %add3A_800 = arith.addf %reduce_sum3A_797, %reduce_sum3A_799 : vector<256xf32>
    %get3A_801 = arith.constant 0 : index
    %get3A_802 = arith.constant 10 : index
    %get3A_803 = arith.constant 0 : index
    %get3A_804 = arith.constant 0 : index
    %get3A_805 = vector.load %arg5[%get3A_801, %get3A_802, %get3A_803, %get3A_804] : memref<1x16x256x128xf32, #tpu.memory_space<vmem>>, vector<1x1x256x128xf32>
    %get3A_806 = vector.shape_cast %get3A_805 : vector<1x1x256x128xf32> to vector<256x128xf32>
    %dot_general3A_807 = arith.constant dense<0.000000e+00> : vector<256x128xf32>
    %dot_general3A_808 = tpu.matmul %exp3A_791, %get3A_806, %dot_general3A_807 {dimension_numbers = #tpu.dot_dimension_numbers<[1], [0], [0], [1], [0, 0, 1, 1], [], []>, transpose_lhs_hint = false} : vector<256x256xf32>, vector<256x128xf32>, vector<256x128xf32> -> vector<256x128xf32>
    %dot_general3A_809 = arith.constant dense<0.000000e+00> : vector<256x128xf32>
    %dot_general3A_810 = tpu.matmul %exp3A_795, %get3A_8, %dot_general3A_809 {dimension_numbers = #tpu.dot_dimension_numbers<[1], [0], [0], [1], [0, 0, 1, 1], [], []>, transpose_lhs_hint = false} : vector<256x256xf32>, vector<256x128xf32>, vector<256x128xf32> -> vector<256x128xf32>
    %add3A_811 = arith.addf %dot_general3A_808, %dot_general3A_810 : vector<256x128xf32>
    %div3A_812 = arith.constant 1.000000e+00 : f32
    %div3A_813 = vector.broadcast %div3A_812 : f32 to vector<256xf32>
    %div3A_814 = arith.divf %div3A_813, %add3A_800 : vector<256xf32>
    %broadcast_in_dim3A_815 = vector.shape_cast %div3A_814 : vector<256xf32> to vector<256x1xf32>
    %mul3A_816 = vector.broadcast %broadcast_in_dim3A_815 : vector<256x1xf32> to vector<256x128xf32>
    %mul3A_817 = arith.mulf %add3A_811, %mul3A_816 : vector<256x128xf32>
    %swap3A_818 = arith.constant 0 : index
    %swap3A_819 = arith.constant 10 : index
    %swap3A_820 = arith.constant 0 : index
    %swap3A_821 = arith.constant 0 : index
    %swap3A_822 = vector.load %arg8[%swap3A_818, %swap3A_819, %swap3A_820, %swap3A_821] : memref<1x16x256x128xf32, #tpu.memory_space<vmem>>, vector<1x1x256x128xf32>
    %swap3A_823 = vector.shape_cast %swap3A_822 : vector<1x1x256x128xf32> to vector<256x128xf32>
    %swap3A_824 = vector.shape_cast %mul3A_817 : vector<256x128xf32> to vector<1x1x256x128xf32>
    tpu.vector_store %arg8[%swap3A_818, %swap3A_819, %swap3A_820, %swap3A_821], %swap3A_824 {strides = array<i32>} : memref<1x16x256x128xf32, #tpu.memory_space<vmem>>, vector<1x1x256x128xf32>,
    %get3A_825 = arith.constant 0 : index
    %get3A_826 = arith.constant 11 : index
    %get3A_827 = arith.constant 0 : index
    %get3A_828 = arith.constant 0 : index
    %get3A_829 = vector.load %arg3[%get3A_825, %get3A_826, %get3A_827, %get3A_828] : memref<1x16x256x128xf32, #tpu.memory_space<vmem>>, vector<1x1x256x128xf32>
    %get3A_830 = vector.shape_cast %get3A_829 : vector<1x1x256x128xf32> to vector<256x128xf32>
    %mul3A_831 = arith.constant 0.0883883461 : f32
    %mul3A_832 = vector.broadcast %mul3A_831 : f32 to vector<256x128xf32>
    %mul3A_833 = arith.mulf %get3A_830, %mul3A_832 : vector<256x128xf32>
    %get3A_834 = arith.constant 0 : index
    %get3A_835 = arith.constant 11 : index
    %get3A_836 = arith.constant 0 : index
    %get3A_837 = arith.constant 0 : index
    %get3A_838 = vector.load %arg4[%get3A_834, %get3A_835, %get3A_836, %get3A_837] : memref<1x16x256x128xf32, #tpu.memory_space<vmem>>, vector<1x1x256x128xf32>
    %get3A_839 = vector.shape_cast %get3A_838 : vector<1x1x256x128xf32> to vector<256x128xf32>
    %dot_general3A_840 = arith.constant dense<0.000000e+00> : vector<256x256xf32>
    %dot_general3A_841 = tpu.matmul %mul3A_833, %get3A_839, %dot_general3A_840 {dimension_numbers = #tpu.dot_dimension_numbers<[1], [1], [0], [0], [0, 0, 1, 0], [], []>, transpose_lhs_hint = false} : vector<256x128xf32>, vector<256x128xf32>, vector<256x256xf32> -> vector<256x256xf32>
    %dot_general3A_842 = arith.constant dense<0.000000e+00> : vector<256x256xf32>
    %dot_general3A_843 = tpu.matmul %mul3A_833, %get3A_3, %dot_general3A_842 {dimension_numbers = #tpu.dot_dimension_numbers<[1], [1], [0], [0], [0, 0, 1, 0], [], []>, transpose_lhs_hint = false} : vector<256x128xf32>, vector<256x128xf32>, vector<256x256xf32> -> vector<256x256xf32>
    %mul3A_844 = arith.constant 16 : i32
    %mul3A_845 = arith.muli %mul3A_844, %arg1 : i32
    %add3A_846 = arith.constant 11 : i32
    %add3A_847 = arith.addi %mul3A_845, %add3A_846 : i32
    %eq3A_848 = vector.broadcast %add3A_847 : i32 to vector<256xi32>
    %eq3A_849 = arith.cmpi eq, %get3A_13, %eq3A_848 : vector<256xi32>
    %jit3A_850 = arith.constant -3.40282347E+38 : f32
    %jit3A_851 = arith.constant 2.77258873 : f32
    %broadcast_in_dim3A_852 = vector.broadcast %jit3A_850 : f32 to vector<256xf32>
    %broadcast_in_dim3A_853 = vector.broadcast %jit3A_851 : f32 to vector<256xf32>
    %select_n3A_854 = arith.select %eq3A_849, %broadcast_in_dim3A_852, %broadcast_in_dim3A_853 : vector<256xi1>, vector<256xf32>
    %broadcast_in_dim3A_855 = vector.shape_cast %select_n3A_854 : vector<256xf32> to vector<1x256xf32>
    %add3A_856 = vector.broadcast %broadcast_in_dim3A_855 : vector<1x256xf32> to vector<256x256xf32>
    %add3A_857 = arith.addf %dot_general3A_843, %add3A_856 : vector<256x256xf32>
    %reduce_max3A_858 = arith.constant dense<0xFF800000> : vector<256xf32>
    %reduce_max3A_859 = vector.multi_reduction <maximumf>, %dot_general3A_841, %reduce_max3A_858 [1] : vector<256x256xf32> to vector<256xf32>
    %reduce_max3A_860 = arith.constant dense<0xFF800000> : vector<256xf32>
    %reduce_max3A_861 = vector.multi_reduction <maximumf>, %add3A_857, %reduce_max3A_860 [1] : vector<256x256xf32> to vector<256xf32>
    %max3A_862 = arith.maximumf %reduce_max3A_859, %reduce_max3A_861 : vector<256xf32>
    %broadcast_in_dim3A_863 = vector.shape_cast %max3A_862 : vector<256xf32> to vector<256x1xf32>
    %sub3A_864 = vector.broadcast %broadcast_in_dim3A_863 : vector<256x1xf32> to vector<256x256xf32>
    %sub3A_865 = arith.subf %dot_general3A_841, %sub3A_864 : vector<256x256xf32>
    %exp3A_866 = math.exp %sub3A_865 : vector<256x256xf32>
    %broadcast_in_dim3A_867 = vector.shape_cast %max3A_862 : vector<256xf32> to vector<256x1xf32>
    %sub3A_868 = vector.broadcast %broadcast_in_dim3A_867 : vector<256x1xf32> to vector<256x256xf32>
    %sub3A_869 = arith.subf %add3A_857, %sub3A_868 : vector<256x256xf32>
    %exp3A_870 = math.exp %sub3A_869 : vector<256x256xf32>
    %reduce_sum3A_871 = arith.constant dense<0.000000e+00> : vector<256xf32>
    %reduce_sum3A_872 = vector.multi_reduction <add>, %exp3A_866, %reduce_sum3A_871 [1] : vector<256x256xf32> to vector<256xf32>
    %reduce_sum3A_873 = arith.constant dense<0.000000e+00> : vector<256xf32>
    %reduce_sum3A_874 = vector.multi_reduction <add>, %exp3A_870, %reduce_sum3A_873 [1] : vector<256x256xf32> to vector<256xf32>
    %add3A_875 = arith.addf %reduce_sum3A_872, %reduce_sum3A_874 : vector<256xf32>
    %get3A_876 = arith.constant 0 : index
    %get3A_877 = arith.constant 11 : index
    %get3A_878 = arith.constant 0 : index
    %get3A_879 = arith.constant 0 : index
    %get3A_880 = vector.load %arg5[%get3A_876, %get3A_877, %get3A_878, %get3A_879] : memref<1x16x256x128xf32, #tpu.memory_space<vmem>>, vector<1x1x256x128xf32>
    %get3A_881 = vector.shape_cast %get3A_880 : vector<1x1x256x128xf32> to vector<256x128xf32>
    %dot_general3A_882 = arith.constant dense<0.000000e+00> : vector<256x128xf32>
    %dot_general3A_883 = tpu.matmul %exp3A_866, %get3A_881, %dot_general3A_882 {dimension_numbers = #tpu.dot_dimension_numbers<[1], [0], [0], [1], [0, 0, 1, 1], [], []>, transpose_lhs_hint = false} : vector<256x256xf32>, vector<256x128xf32>, vector<256x128xf32> -> vector<256x128xf32>
    %dot_general3A_884 = arith.constant dense<0.000000e+00> : vector<256x128xf32>
    %dot_general3A_885 = tpu.matmul %exp3A_870, %get3A_8, %dot_general3A_884 {dimension_numbers = #tpu.dot_dimension_numbers<[1], [0], [0], [1], [0, 0, 1, 1], [], []>, transpose_lhs_hint = false} : vector<256x256xf32>, vector<256x128xf32>, vector<256x128xf32> -> vector<256x128xf32>
    %add3A_886 = arith.addf %dot_general3A_883, %dot_general3A_885 : vector<256x128xf32>
    %div3A_887 = arith.constant 1.000000e+00 : f32
    %div3A_888 = vector.broadcast %div3A_887 : f32 to vector<256xf32>
    %div3A_889 = arith.divf %div3A_888, %add3A_875 : vector<256xf32>
    %broadcast_in_dim3A_890 = vector.shape_cast %div3A_889 : vector<256xf32> to vector<256x1xf32>
    %mul3A_891 = vector.broadcast %broadcast_in_dim3A_890 : vector<256x1xf32> to vector<256x128xf32>
    %mul3A_892 = arith.mulf %add3A_886, %mul3A_891 : vector<256x128xf32>
    %swap3A_893 = arith.constant 0 : index
    %swap3A_894 = arith.constant 11 : index
    %swap3A_895 = arith.constant 0 : index
    %swap3A_896 = arith.constant 0 : index
    %swap3A_897 = vector.load %arg8[%swap3A_893, %swap3A_894, %swap3A_895, %swap3A_896] : memref<1x16x256x128xf32, #tpu.memory_space<vmem>>, vector<1x1x256x128xf32>
    %swap3A_898 = vector.shape_cast %swap3A_897 : vector<1x1x256x128xf32> to vector<256x128xf32>
    %swap3A_899 = vector.shape_cast %mul3A_892 : vector<256x128xf32> to vector<1x1x256x128xf32>
    tpu.vector_store %arg8[%swap3A_893, %swap3A_894, %swap3A_895, %swap3A_896], %swap3A_899 {strides = array<i32>} : memref<1x16x256x128xf32, #tpu.memory_space<vmem>>, vector<1x1x256x128xf32>,
    %get3A_900 = arith.constant 0 : index
    %get3A_901 = arith.constant 12 : index
    %get3A_902 = arith.constant 0 : index
    %get3A_903 = arith.constant 0 : index
    %get3A_904 = vector.load %arg3[%get3A_900, %get3A_901, %get3A_902, %get3A_903] : memref<1x16x256x128xf32, #tpu.memory_space<vmem>>, vector<1x1x256x128xf32>
    %get3A_905 = vector.shape_cast %get3A_904 : vector<1x1x256x128xf32> to vector<256x128xf32>
    %mul3A_906 = arith.constant 0.0883883461 : f32
    %mul3A_907 = vector.broadcast %mul3A_906 : f32 to vector<256x128xf32>
    %mul3A_908 = arith.mulf %get3A_905, %mul3A_907 : vector<256x128xf32>
    %get3A_909 = arith.constant 0 : index
    %get3A_910 = arith.constant 12 : index
    %get3A_911 = arith.constant 0 : index
    %get3A_912 = arith.constant 0 : index
    %get3A_913 = vector.load %arg4[%get3A_909, %get3A_910, %get3A_911, %get3A_912] : memref<1x16x256x128xf32, #tpu.memory_space<vmem>>, vector<1x1x256x128xf32>
    %get3A_914 = vector.shape_cast %get3A_913 : vector<1x1x256x128xf32> to vector<256x128xf32>
    %dot_general3A_915 = arith.constant dense<0.000000e+00> : vector<256x256xf32>
    %dot_general3A_916 = tpu.matmul %mul3A_908, %get3A_914, %dot_general3A_915 {dimension_numbers = #tpu.dot_dimension_numbers<[1], [1], [0], [0], [0, 0, 1, 0], [], []>, transpose_lhs_hint = false} : vector<256x128xf32>, vector<256x128xf32>, vector<256x256xf32> -> vector<256x256xf32>
    %dot_general3A_917 = arith.constant dense<0.000000e+00> : vector<256x256xf32>
    %dot_general3A_918 = tpu.matmul %mul3A_908, %get3A_3, %dot_general3A_917 {dimension_numbers = #tpu.dot_dimension_numbers<[1], [1], [0], [0], [0, 0, 1, 0], [], []>, transpose_lhs_hint = false} : vector<256x128xf32>, vector<256x128xf32>, vector<256x256xf32> -> vector<256x256xf32>
    %mul3A_919 = arith.constant 16 : i32
    %mul3A_920 = arith.muli %mul3A_919, %arg1 : i32
    %add3A_921 = arith.constant 12 : i32
    %add3A_922 = arith.addi %mul3A_920, %add3A_921 : i32
    %eq3A_923 = vector.broadcast %add3A_922 : i32 to vector<256xi32>
    %eq3A_924 = arith.cmpi eq, %get3A_13, %eq3A_923 : vector<256xi32>
    %jit3A_925 = arith.constant -3.40282347E+38 : f32
    %jit3A_926 = arith.constant 2.77258873 : f32
    %broadcast_in_dim3A_927 = vector.broadcast %jit3A_925 : f32 to vector<256xf32>
    %broadcast_in_dim3A_928 = vector.broadcast %jit3A_926 : f32 to vector<256xf32>
    %select_n3A_929 = arith.select %eq3A_924, %broadcast_in_dim3A_927, %broadcast_in_dim3A_928 : vector<256xi1>, vector<256xf32>
    %broadcast_in_dim3A_930 = vector.shape_cast %select_n3A_929 : vector<256xf32> to vector<1x256xf32>
    %add3A_931 = vector.broadcast %broadcast_in_dim3A_930 : vector<1x256xf32> to vector<256x256xf32>
    %add3A_932 = arith.addf %dot_general3A_918, %add3A_931 : vector<256x256xf32>
    %reduce_max3A_933 = arith.constant dense<0xFF800000> : vector<256xf32>
    %reduce_max3A_934 = vector.multi_reduction <maximumf>, %dot_general3A_916, %reduce_max3A_933 [1] : vector<256x256xf32> to vector<256xf32>
    %reduce_max3A_935 = arith.constant dense<0xFF800000> : vector<256xf32>
    %reduce_max3A_936 = vector.multi_reduction <maximumf>, %add3A_932, %reduce_max3A_935 [1] : vector<256x256xf32> to vector<256xf32>
    %max3A_937 = arith.maximumf %reduce_max3A_934, %reduce_max3A_936 : vector<256xf32>
    %broadcast_in_dim3A_938 = vector.shape_cast %max3A_937 : vector<256xf32> to vector<256x1xf32>
    %sub3A_939 = vector.broadcast %broadcast_in_dim3A_938 : vector<256x1xf32> to vector<256x256xf32>
    %sub3A_940 = arith.subf %dot_general3A_916, %sub3A_939 : vector<256x256xf32>
    %exp3A_941 = math.exp %sub3A_940 : vector<256x256xf32>
    %broadcast_in_dim3A_942 = vector.shape_cast %max3A_937 : vector<256xf32> to vector<256x1xf32>
    %sub3A_943 = vector.broadcast %broadcast_in_dim3A_942 : vector<256x1xf32> to vector<256x256xf32>
    %sub3A_944 = arith.subf %add3A_932, %sub3A_943 : vector<256x256xf32>
    %exp3A_945 = math.exp %sub3A_944 : vector<256x256xf32>
    %reduce_sum3A_946 = arith.constant dense<0.000000e+00> : vector<256xf32>
    %reduce_sum3A_947 = vector.multi_reduction <add>, %exp3A_941, %reduce_sum3A_946 [1] : vector<256x256xf32> to vector<256xf32>
    %reduce_sum3A_948 = arith.constant dense<0.000000e+00> : vector<256xf32>
    %reduce_sum3A_949 = vector.multi_reduction <add>, %exp3A_945, %reduce_sum3A_948 [1] : vector<256x256xf32> to vector<256xf32>
    %add3A_950 = arith.addf %reduce_sum3A_947, %reduce_sum3A_949 : vector<256xf32>
    %get3A_951 = arith.constant 0 : index
    %get3A_952 = arith.constant 12 : index
    %get3A_953 = arith.constant 0 : index
    %get3A_954 = arith.constant 0 : index
    %get3A_955 = vector.load %arg5[%get3A_951, %get3A_952, %get3A_953, %get3A_954] : memref<1x16x256x128xf32, #tpu.memory_space<vmem>>, vector<1x1x256x128xf32>
    %get3A_956 = vector.shape_cast %get3A_955 : vector<1x1x256x128xf32> to vector<256x128xf32>
    %dot_general3A_957 = arith.constant dense<0.000000e+00> : vector<256x128xf32>
    %dot_general3A_958 = tpu.matmul %exp3A_941, %get3A_956, %dot_general3A_957 {dimension_numbers = #tpu.dot_dimension_numbers<[1], [0], [0], [1], [0, 0, 1, 1], [], []>, transpose_lhs_hint = false} : vector<256x256xf32>, vector<256x128xf32>, vector<256x128xf32> -> vector<256x128xf32>
    %dot_general3A_959 = arith.constant dense<0.000000e+00> : vector<256x128xf32>
    %dot_general3A_960 = tpu.matmul %exp3A_945, %get3A_8, %dot_general3A_959 {dimension_numbers = #tpu.dot_dimension_numbers<[1], [0], [0], [1], [0, 0, 1, 1], [], []>, transpose_lhs_hint = false} : vector<256x256xf32>, vector<256x128xf32>, vector<256x128xf32> -> vector<256x128xf32>
    %add3A_961 = arith.addf %dot_general3A_958, %dot_general3A_960 : vector<256x128xf32>
    %div3A_962 = arith.constant 1.000000e+00 : f32
    %div3A_963 = vector.broadcast %div3A_962 : f32 to vector<256xf32>
    %div3A_964 = arith.divf %div3A_963, %add3A_950 : vector<256xf32>
    %broadcast_in_dim3A_965 = vector.shape_cast %div3A_964 : vector<256xf32> to vector<256x1xf32>
    %mul3A_966 = vector.broadcast %broadcast_in_dim3A_965 : vector<256x1xf32> to vector<256x128xf32>
    %mul3A_967 = arith.mulf %add3A_961, %mul3A_966 : vector<256x128xf32>
    %swap3A_968 = arith.constant 0 : index
    %swap3A_969 = arith.constant 12 : index
    %swap3A_970 = arith.constant 0 : index
    %swap3A_971 = arith.constant 0 : index
    %swap3A_972 = vector.load %arg8[%swap3A_968, %swap3A_969, %swap3A_970, %swap3A_971] : memref<1x16x256x128xf32, #tpu.memory_space<vmem>>, vector<1x1x256x128xf32>
    %swap3A_973 = vector.shape_cast %swap3A_972 : vector<1x1x256x128xf32> to vector<256x128xf32>
    %swap3A_974 = vector.shape_cast %mul3A_967 : vector<256x128xf32> to vector<1x1x256x128xf32>
    tpu.vector_store %arg8[%swap3A_968, %swap3A_969, %swap3A_970, %swap3A_971], %swap3A_974 {strides = array<i32>} : memref<1x16x256x128xf32, #tpu.memory_space<vmem>>, vector<1x1x256x128xf32>,
    %get3A_975 = arith.constant 0 : index
    %get3A_976 = arith.constant 13 : index
    %get3A_977 = arith.constant 0 : index
    %get3A_978 = arith.constant 0 : index
    %get3A_979 = vector.load %arg3[%get3A_975, %get3A_976, %get3A_977, %get3A_978] : memref<1x16x256x128xf32, #tpu.memory_space<vmem>>, vector<1x1x256x128xf32>
    %get3A_980 = vector.shape_cast %get3A_979 : vector<1x1x256x128xf32> to vector<256x128xf32>
    %mul3A_981 = arith.constant 0.0883883461 : f32
    %mul3A_982 = vector.broadcast %mul3A_981 : f32 to vector<256x128xf32>
    %mul3A_983 = arith.mulf %get3A_980, %mul3A_982 : vector<256x128xf32>
    %get3A_984 = arith.constant 0 : index
    %get3A_985 = arith.constant 13 : index
    %get3A_986 = arith.constant 0 : index
    %get3A_987 = arith.constant 0 : index
    %get3A_988 = vector.load %arg4[%get3A_984, %get3A_985, %get3A_986, %get3A_987] : memref<1x16x256x128xf32, #tpu.memory_space<vmem>>, vector<1x1x256x128xf32>
    %get3A_989 = vector.shape_cast %get3A_988 : vector<1x1x256x128xf32> to vector<256x128xf32>
    %dot_general3A_990 = arith.constant dense<0.000000e+00> : vector<256x256xf32>
    %dot_general3A_991 = tpu.matmul %mul3A_983, %get3A_989, %dot_general3A_990 {dimension_numbers = #tpu.dot_dimension_numbers<[1], [1], [0], [0], [0, 0, 1, 0], [], []>, transpose_lhs_hint = false} : vector<256x128xf32>, vector<256x128xf32>, vector<256x256xf32> -> vector<256x256xf32>
    %dot_general3A_992 = arith.constant dense<0.000000e+00> : vector<256x256xf32>
    %dot_general3A_993 = tpu.matmul %mul3A_983, %get3A_3, %dot_general3A_992 {dimension_numbers = #tpu.dot_dimension_numbers<[1], [1], [0], [0], [0, 0, 1, 0], [], []>, transpose_lhs_hint = false} : vector<256x128xf32>, vector<256x128xf32>, vector<256x256xf32> -> vector<256x256xf32>
    %mul3A_994 = arith.constant 16 : i32
    %mul3A_995 = arith.muli %mul3A_994, %arg1 : i32
    %add3A_996 = arith.constant 13 : i32
    %add3A_997 = arith.addi %mul3A_995, %add3A_996 : i32
    %eq3A_998 = vector.broadcast %add3A_997 : i32 to vector<256xi32>
    %eq3A_999 = arith.cmpi eq, %get3A_13, %eq3A_998 : vector<256xi32>
    %jit3A_1000 = arith.constant -3.40282347E+38 : f32
    %jit3A_1001 = arith.constant 2.77258873 : f32
    %broadcast_in_dim3A_1002 = vector.broadcast %jit3A_1000 : f32 to vector<256xf32>
    %broadcast_in_dim3A_1003 = vector.broadcast %jit3A_1001 : f32 to vector<256xf32>
    %select_n3A_1004 = arith.select %eq3A_999, %broadcast_in_dim3A_1002, %broadcast_in_dim3A_1003 : vector<256xi1>, vector<256xf32>
    %broadcast_in_dim3A_1005 = vector.shape_cast %select_n3A_1004 : vector<256xf32> to vector<1x256xf32>
    %add3A_1006 = vector.broadcast %broadcast_in_dim3A_1005 : vector<1x256xf32> to vector<256x256xf32>
    %add3A_1007 = arith.addf %dot_general3A_993, %add3A_1006 : vector<256x256xf32>
    %reduce_max3A_1008 = arith.constant dense<0xFF800000> : vector<256xf32>
    %reduce_max3A_1009 = vector.multi_reduction <maximumf>, %dot_general3A_991, %reduce_max3A_1008 [1] : vector<256x256xf32> to vector<256xf32>
    %reduce_max3A_1010 = arith.constant dense<0xFF800000> : vector<256xf32>
    %reduce_max3A_1011 = vector.multi_reduction <maximumf>, %add3A_1007, %reduce_max3A_1010 [1] : vector<256x256xf32> to vector<256xf32>
    %max3A_1012 = arith.maximumf %reduce_max3A_1009, %reduce_max3A_1011 : vector<256xf32>
    %broadcast_in_dim3A_1013 = vector.shape_cast %max3A_1012 : vector<256xf32> to vector<256x1xf32>
    %sub3A_1014 = vector.broadcast %broadcast_in_dim3A_1013 : vector<256x1xf32> to vector<256x256xf32>
    %sub3A_1015 = arith.subf %dot_general3A_991, %sub3A_1014 : vector<256x256xf32>
    %exp3A_1016 = math.exp %sub3A_1015 : vector<256x256xf32>
    %broadcast_in_dim3A_1017 = vector.shape_cast %max3A_1012 : vector<256xf32> to vector<256x1xf32>
    %sub3A_1018 = vector.broadcast %broadcast_in_dim3A_1017 : vector<256x1xf32> to vector<256x256xf32>
    %sub3A_1019 = arith.subf %add3A_1007, %sub3A_1018 : vector<256x256xf32>
    %exp3A_1020 = math.exp %sub3A_1019 : vector<256x256xf32>
    %reduce_sum3A_1021 = arith.constant dense<0.000000e+00> : vector<256xf32>
    %reduce_sum3A_1022 = vector.multi_reduction <add>, %exp3A_1016, %reduce_sum3A_1021 [1] : vector<256x256xf32> to vector<256xf32>
    %reduce_sum3A_1023 = arith.constant dense<0.000000e+00> : vector<256xf32>
    %reduce_sum3A_1024 = vector.multi_reduction <add>, %exp3A_1020, %reduce_sum3A_1023 [1] : vector<256x256xf32> to vector<256xf32>
    %add3A_1025 = arith.addf %reduce_sum3A_1022, %reduce_sum3A_1024 : vector<256xf32>
    %get3A_1026 = arith.constant 0 : index
    %get3A_1027 = arith.constant 13 : index
    %get3A_1028 = arith.constant 0 : index
    %get3A_1029 = arith.constant 0 : index
    %get3A_1030 = vector.load %arg5[%get3A_1026, %get3A_1027, %get3A_1028, %get3A_1029] : memref<1x16x256x128xf32, #tpu.memory_space<vmem>>, vector<1x1x256x128xf32>
    %get3A_1031 = vector.shape_cast %get3A_1030 : vector<1x1x256x128xf32> to vector<256x128xf32>
    %dot_general3A_1032 = arith.constant dense<0.000000e+00> : vector<256x128xf32>
    %dot_general3A_1033 = tpu.matmul %exp3A_1016, %get3A_1031, %dot_general3A_1032 {dimension_numbers = #tpu.dot_dimension_numbers<[1], [0], [0], [1], [0, 0, 1, 1], [], []>, transpose_lhs_hint = false} : vector<256x256xf32>, vector<256x128xf32>, vector<256x128xf32> -> vector<256x128xf32>
    %dot_general3A_1034 = arith.constant dense<0.000000e+00> : vector<256x128xf32>
    %dot_general3A_1035 = tpu.matmul %exp3A_1020, %get3A_8, %dot_general3A_1034 {dimension_numbers = #tpu.dot_dimension_numbers<[1], [0], [0], [1], [0, 0, 1, 1], [], []>, transpose_lhs_hint = false} : vector<256x256xf32>, vector<256x128xf32>, vector<256x128xf32> -> vector<256x128xf32>
    %add3A_1036 = arith.addf %dot_general3A_1033, %dot_general3A_1035 : vector<256x128xf32>
    %div3A_1037 = arith.constant 1.000000e+00 : f32
    %div3A_1038 = vector.broadcast %div3A_1037 : f32 to vector<256xf32>
    %div3A_1039 = arith.divf %div3A_1038, %add3A_1025 : vector<256xf32>
    %broadcast_in_dim3A_1040 = vector.shape_cast %div3A_1039 : vector<256xf32> to vector<256x1xf32>
    %mul3A_1041 = vector.broadcast %broadcast_in_dim3A_1040 : vector<256x1xf32> to vector<256x128xf32>
    %mul3A_1042 = arith.mulf %add3A_1036, %mul3A_1041 : vector<256x128xf32>
    %swap3A_1043 = arith.constant 0 : index
    %swap3A_1044 = arith.constant 13 : index
    %swap3A_1045 = arith.constant 0 : index
    %swap3A_1046 = arith.constant 0 : index
    %swap3A_1047 = vector.load %arg8[%swap3A_1043, %swap3A_1044, %swap3A_1045, %swap3A_1046] : memref<1x16x256x128xf32, #tpu.memory_space<vmem>>, vector<1x1x256x128xf32>
    %swap3A_1048 = vector.shape_cast %swap3A_1047 : vector<1x1x256x128xf32> to vector<256x128xf32>
    %swap3A_1049 = vector.shape_cast %mul3A_1042 : vector<256x128xf32> to vector<1x1x256x128xf32>
    tpu.vector_store %arg8[%swap3A_1043, %swap3A_1044, %swap3A_1045, %swap3A_1046], %swap3A_1049 {strides = array<i32>} : memref<1x16x256x128xf32, #tpu.memory_space<vmem>>, vector<1x1x256x128xf32>,
    %get3A_1050 = arith.constant 0 : index
    %get3A_1051 = arith.constant 14 : index
    %get3A_1052 = arith.constant 0 : index
    %get3A_1053 = arith.constant 0 : index
    %get3A_1054 = vector.load %arg3[%get3A_1050, %get3A_1051, %get3A_1052, %get3A_1053] : memref<1x16x256x128xf32, #tpu.memory_space<vmem>>, vector<1x1x256x128xf32>
    %get3A_1055 = vector.shape_cast %get3A_1054 : vector<1x1x256x128xf32> to vector<256x128xf32>
    %mul3A_1056 = arith.constant 0.0883883461 : f32
    %mul3A_1057 = vector.broadcast %mul3A_1056 : f32 to vector<256x128xf32>
    %mul3A_1058 = arith.mulf %get3A_1055, %mul3A_1057 : vector<256x128xf32>
    %get3A_1059 = arith.constant 0 : index
    %get3A_1060 = arith.constant 14 : index
    %get3A_1061 = arith.constant 0 : index
    %get3A_1062 = arith.constant 0 : index
    %get3A_1063 = vector.load %arg4[%get3A_1059, %get3A_1060, %get3A_1061, %get3A_1062] : memref<1x16x256x128xf32, #tpu.memory_space<vmem>>, vector<1x1x256x128xf32>
    %get3A_1064 = vector.shape_cast %get3A_1063 : vector<1x1x256x128xf32> to vector<256x128xf32>
    %dot_general3A_1065 = arith.constant dense<0.000000e+00> : vector<256x256xf32>
    %dot_general3A_1066 = tpu.matmul %mul3A_1058, %get3A_1064, %dot_general3A_1065 {dimension_numbers = #tpu.dot_dimension_numbers<[1], [1], [0], [0], [0, 0, 1, 0], [], []>, transpose_lhs_hint = false} : vector<256x128xf32>, vector<256x128xf32>, vector<256x256xf32> -> vector<256x256xf32>
    %dot_general3A_1067 = arith.constant dense<0.000000e+00> : vector<256x256xf32>
    %dot_general3A_1068 = tpu.matmul %mul3A_1058, %get3A_3, %dot_general3A_1067 {dimension_numbers = #tpu.dot_dimension_numbers<[1], [1], [0], [0], [0, 0, 1, 0], [], []>, transpose_lhs_hint = false} : vector<256x128xf32>, vector<256x128xf32>, vector<256x256xf32> -> vector<256x256xf32>
    %mul3A_1069 = arith.constant 16 : i32
    %mul3A_1070 = arith.muli %mul3A_1069, %arg1 : i32
    %add3A_1071 = arith.constant 14 : i32
    %add3A_1072 = arith.addi %mul3A_1070, %add3A_1071 : i32
    %eq3A_1073 = vector.broadcast %add3A_1072 : i32 to vector<256xi32>
    %eq3A_1074 = arith.cmpi eq, %get3A_13, %eq3A_1073 : vector<256xi32>
    %jit3A_1075 = arith.constant -3.40282347E+38 : f32
    %jit3A_1076 = arith.constant 2.77258873 : f32
    %broadcast_in_dim3A_1077 = vector.broadcast %jit3A_1075 : f32 to vector<256xf32>
    %broadcast_in_dim3A_1078 = vector.broadcast %jit3A_1076 : f32 to vector<256xf32>
    %select_n3A_1079 = arith.select %eq3A_1074, %broadcast_in_dim3A_1077, %broadcast_in_dim3A_1078 : vector<256xi1>, vector<256xf32>
    %broadcast_in_dim3A_1080 = vector.shape_cast %select_n3A_1079 : vector<256xf32> to vector<1x256xf32>
    %add3A_1081 = vector.broadcast %broadcast_in_dim3A_1080 : vector<1x256xf32> to vector<256x256xf32>
    %add3A_1082 = arith.addf %dot_general3A_1068, %add3A_1081 : vector<256x256xf32>
    %reduce_max3A_1083 = arith.constant dense<0xFF800000> : vector<256xf32>
    %reduce_max3A_1084 = vector.multi_reduction <maximumf>, %dot_general3A_1066, %reduce_max3A_1083 [1] : vector<256x256xf32> to vector<256xf32>
    %reduce_max3A_1085 = arith.constant dense<0xFF800000> : vector<256xf32>
    %reduce_max3A_1086 = vector.multi_reduction <maximumf>, %add3A_1082, %reduce_max3A_1085 [1] : vector<256x256xf32> to vector<256xf32>
    %max3A_1087 = arith.maximumf %reduce_max3A_1084, %reduce_max3A_1086 : vector<256xf32>
    %broadcast_in_dim3A_1088 = vector.shape_cast %max3A_1087 : vector<256xf32> to vector<256x1xf32>
    %sub3A_1089 = vector.broadcast %broadcast_in_dim3A_1088 : vector<256x1xf32> to vector<256x256xf32>
    %sub3A_1090 = arith.subf %dot_general3A_1066, %sub3A_1089 : vector<256x256xf32>
    %exp3A_1091 = math.exp %sub3A_1090 : vector<256x256xf32>
    %broadcast_in_dim3A_1092 = vector.shape_cast %max3A_1087 : vector<256xf32> to vector<256x1xf32>
    %sub3A_1093 = vector.broadcast %broadcast_in_dim3A_1092 : vector<256x1xf32> to vector<256x256xf32>
    %sub3A_1094 = arith.subf %add3A_1082, %sub3A_1093 : vector<256x256xf32>
    %exp3A_1095 = math.exp %sub3A_1094 : vector<256x256xf32>
    %reduce_sum3A_1096 = arith.constant dense<0.000000e+00> : vector<256xf32>
    %reduce_sum3A_1097 = vector.multi_reduction <add>, %exp3A_1091, %reduce_sum3A_1096 [1] : vector<256x256xf32> to vector<256xf32>
    %reduce_sum3A_1098 = arith.constant dense<0.000000e+00> : vector<256xf32>
    %reduce_sum3A_1099 = vector.multi_reduction <add>, %exp3A_1095, %reduce_sum3A_1098 [1] : vector<256x256xf32> to vector<256xf32>
    %add3A_1100 = arith.addf %reduce_sum3A_1097, %reduce_sum3A_1099 : vector<256xf32>
    %get3A_1101 = arith.constant 0 : index
    %get3A_1102 = arith.constant 14 : index
    %get3A_1103 = arith.constant 0 : index
    %get3A_1104 = arith.constant 0 : index
    %get3A_1105 = vector.load %arg5[%get3A_1101, %get3A_1102, %get3A_1103, %get3A_1104] : memref<1x16x256x128xf32, #tpu.memory_space<vmem>>, vector<1x1x256x128xf32>
    %get3A_1106 = vector.shape_cast %get3A_1105 : vector<1x1x256x128xf32> to vector<256x128xf32>
    %dot_general3A_1107 = arith.constant dense<0.000000e+00> : vector<256x128xf32>
    %dot_general3A_1108 = tpu.matmul %exp3A_1091, %get3A_1106, %dot_general3A_1107 {dimension_numbers = #tpu.dot_dimension_numbers<[1], [0], [0], [1], [0, 0, 1, 1], [], []>, transpose_lhs_hint = false} : vector<256x256xf32>, vector<256x128xf32>, vector<256x128xf32> -> vector<256x128xf32>
    %dot_general3A_1109 = arith.constant dense<0.000000e+00> : vector<256x128xf32>
    %dot_general3A_1110 = tpu.matmul %exp3A_1095, %get3A_8, %dot_general3A_1109 {dimension_numbers = #tpu.dot_dimension_numbers<[1], [0], [0], [1], [0, 0, 1, 1], [], []>, transpose_lhs_hint = false} : vector<256x256xf32>, vector<256x128xf32>, vector<256x128xf32> -> vector<256x128xf32>
    %add3A_1111 = arith.addf %dot_general3A_1108, %dot_general3A_1110 : vector<256x128xf32>
    %div3A_1112 = arith.constant 1.000000e+00 : f32
    %div3A_1113 = vector.broadcast %div3A_1112 : f32 to vector<256xf32>
    %div3A_1114 = arith.divf %div3A_1113, %add3A_1100 : vector<256xf32>
    %broadcast_in_dim3A_1115 = vector.shape_cast %div3A_1114 : vector<256xf32> to vector<256x1xf32>
    %mul3A_1116 = vector.broadcast %broadcast_in_dim3A_1115 : vector<256x1xf32> to vector<256x128xf32>
    %mul3A_1117 = arith.mulf %add3A_1111, %mul3A_1116 : vector<256x128xf32>
    %swap3A_1118 = arith.constant 0 : index
    %swap3A_1119 = arith.constant 14 : index
    %swap3A_1120 = arith.constant 0 : index
    %swap3A_1121 = arith.constant 0 : index
    %swap3A_1122 = vector.load %arg8[%swap3A_1118, %swap3A_1119, %swap3A_1120, %swap3A_1121] : memref<1x16x256x128xf32, #tpu.memory_space<vmem>>, vector<1x1x256x128xf32>
    %swap3A_1123 = vector.shape_cast %swap3A_1122 : vector<1x1x256x128xf32> to vector<256x128xf32>
    %swap3A_1124 = vector.shape_cast %mul3A_1117 : vector<256x128xf32> to vector<1x1x256x128xf32>
    tpu.vector_store %arg8[%swap3A_1118, %swap3A_1119, %swap3A_1120, %swap3A_1121], %swap3A_1124 {strides = array<i32>} : memref<1x16x256x128xf32, #tpu.memory_space<vmem>>, vector<1x1x256x128xf32>,
    %get3A_1125 = arith.constant 0 : index
    %get3A_1126 = arith.constant 15 : index
    %get3A_1127 = arith.constant 0 : index
    %get3A_1128 = arith.constant 0 : index
    %get3A_1129 = vector.load %arg3[%get3A_1125, %get3A_1126, %get3A_1127, %get3A_1128] : memref<1x16x256x128xf32, #tpu.memory_space<vmem>>, vector<1x1x256x128xf32>
    %get3A_1130 = vector.shape_cast %get3A_1129 : vector<1x1x256x128xf32> to vector<256x128xf32>
    %mul3A_1131 = arith.constant 0.0883883461 : f32
    %mul3A_1132 = vector.broadcast %mul3A_1131 : f32 to vector<256x128xf32>
    %mul3A_1133 = arith.mulf %get3A_1130, %mul3A_1132 : vector<256x128xf32>
    %get3A_1134 = arith.constant 0 : index
    %get3A_1135 = arith.constant 15 : index
    %get3A_1136 = arith.constant 0 : index
    %get3A_1137 = arith.constant 0 : index
    %get3A_1138 = vector.load %arg4[%get3A_1134, %get3A_1135, %get3A_1136, %get3A_1137] : memref<1x16x256x128xf32, #tpu.memory_space<vmem>>, vector<1x1x256x128xf32>
    %get3A_1139 = vector.shape_cast %get3A_1138 : vector<1x1x256x128xf32> to vector<256x128xf32>
    %dot_general3A_1140 = arith.constant dense<0.000000e+00> : vector<256x256xf32>
    %dot_general3A_1141 = tpu.matmul %mul3A_1133, %get3A_1139, %dot_general3A_1140 {dimension_numbers = #tpu.dot_dimension_numbers<[1], [1], [0], [0], [0, 0, 1, 0], [], []>, transpose_lhs_hint = false} : vector<256x128xf32>, vector<256x128xf32>, vector<256x256xf32> -> vector<256x256xf32>
    %dot_general3A_1142 = arith.constant dense<0.000000e+00> : vector<256x256xf32>
    %dot_general3A_1143 = tpu.matmul %mul3A_1133, %get3A_3, %dot_general3A_1142 {dimension_numbers = #tpu.dot_dimension_numbers<[1], [1], [0], [0], [0, 0, 1, 0], [], []>, transpose_lhs_hint = false} : vector<256x128xf32>, vector<256x128xf32>, vector<256x256xf32> -> vector<256x256xf32>
    %mul3A_1144 = arith.constant 16 : i32
    %mul3A_1145 = arith.muli %mul3A_1144, %arg1 : i32
    %add3A_1146 = arith.constant 15 : i32
    %add3A_1147 = arith.addi %mul3A_1145, %add3A_1146 : i32
    %eq3A_1148 = vector.broadcast %add3A_1147 : i32 to vector<256xi32>
    %eq3A_1149 = arith.cmpi eq, %get3A_13, %eq3A_1148 : vector<256xi32>
    %jit3A_1150 = arith.constant -3.40282347E+38 : f32
    %jit3A_1151 = arith.constant 2.77258873 : f32
    %broadcast_in_dim3A_1152 = vector.broadcast %jit3A_1150 : f32 to vector<256xf32>
    %broadcast_in_dim3A_1153 = vector.broadcast %jit3A_1151 : f32 to vector<256xf32>
    %select_n3A_1154 = arith.select %eq3A_1149, %broadcast_in_dim3A_1152, %broadcast_in_dim3A_1153 : vector<256xi1>, vector<256xf32>
    %broadcast_in_dim3A_1155 = vector.shape_cast %select_n3A_1154 : vector<256xf32> to vector<1x256xf32>
    %add3A_1156 = vector.broadcast %broadcast_in_dim3A_1155 : vector<1x256xf32> to vector<256x256xf32>
    %add3A_1157 = arith.addf %dot_general3A_1143, %add3A_1156 : vector<256x256xf32>
    %reduce_max3A_1158 = arith.constant dense<0xFF800000> : vector<256xf32>
    %reduce_max3A_1159 = vector.multi_reduction <maximumf>, %dot_general3A_1141, %reduce_max3A_1158 [1] : vector<256x256xf32> to vector<256xf32>
    %reduce_max3A_1160 = arith.constant dense<0xFF800000> : vector<256xf32>
    %reduce_max3A_1161 = vector.multi_reduction <maximumf>, %add3A_1157, %reduce_max3A_1160 [1] : vector<256x256xf32> to vector<256xf32>
    %max3A_1162 = arith.maximumf %reduce_max3A_1159, %reduce_max3A_1161 : vector<256xf32>
    %broadcast_in_dim3A_1163 = vector.shape_cast %max3A_1162 : vector<256xf32> to vector<256x1xf32>
    %sub3A_1164 = vector.broadcast %broadcast_in_dim3A_1163 : vector<256x1xf32> to vector<256x256xf32>
    %sub3A_1165 = arith.subf %dot_general3A_1141, %sub3A_1164 : vector<256x256xf32>
    %exp3A_1166 = math.exp %sub3A_1165 : vector<256x256xf32>
    %broadcast_in_dim3A_1167 = vector.shape_cast %max3A_1162 : vector<256xf32> to vector<256x1xf32>
    %sub3A_1168 = vector.broadcast %broadcast_in_dim3A_1167 : vector<256x1xf32> to vector<256x256xf32>
    %sub3A_1169 = arith.subf %add3A_1157, %sub3A_1168 : vector<256x256xf32>
    %exp3A_1170 = math.exp %sub3A_1169 : vector<256x256xf32>
    %reduce_sum3A_1171 = arith.constant dense<0.000000e+00> : vector<256xf32>
    %reduce_sum3A_1172 = vector.multi_reduction <add>, %exp3A_1166, %reduce_sum3A_1171 [1] : vector<256x256xf32> to vector<256xf32>
    %reduce_sum3A_1173 = arith.constant dense<0.000000e+00> : vector<256xf32>
    %reduce_sum3A_1174 = vector.multi_reduction <add>, %exp3A_1170, %reduce_sum3A_1173 [1] : vector<256x256xf32> to vector<256xf32>
    %add3A_1175 = arith.addf %reduce_sum3A_1172, %reduce_sum3A_1174 : vector<256xf32>
    %get3A_1176 = arith.constant 0 : index
    %get3A_1177 = arith.constant 15 : index
    %get3A_1178 = arith.constant 0 : index
    %get3A_1179 = arith.constant 0 : index
    %get3A_1180 = vector.load %arg5[%get3A_1176, %get3A_1177, %get3A_1178, %get3A_1179] : memref<1x16x256x128xf32, #tpu.memory_space<vmem>>, vector<1x1x256x128xf32>
    %get3A_1181 = vector.shape_cast %get3A_1180 : vector<1x1x256x128xf32> to vector<256x128xf32>
    %dot_general3A_1182 = arith.constant dense<0.000000e+00> : vector<256x128xf32>
    %dot_general3A_1183 = tpu.matmul %exp3A_1166, %get3A_1181, %dot_general3A_1182 {dimension_numbers = #tpu.dot_dimension_numbers<[1], [0], [0], [1], [0, 0, 1, 1], [], []>, transpose_lhs_hint = false} : vector<256x256xf32>, vector<256x128xf32>, vector<256x128xf32> -> vector<256x128xf32>
    %dot_general3A_1184 = arith.constant dense<0.000000e+00> : vector<256x128xf32>
    %dot_general3A_1185 = tpu.matmul %exp3A_1170, %get3A_8, %dot_general3A_1184 {dimension_numbers = #tpu.dot_dimension_numbers<[1], [0], [0], [1], [0, 0, 1, 1], [], []>, transpose_lhs_hint = false} : vector<256x256xf32>, vector<256x128xf32>, vector<256x128xf32> -> vector<256x128xf32>
    %add3A_1186 = arith.addf %dot_general3A_1183, %dot_general3A_1185 : vector<256x128xf32>
    %div3A_1187 = arith.constant 1.000000e+00 : f32
    %div3A_1188 = vector.broadcast %div3A_1187 : f32 to vector<256xf32>
    %div3A_1189 = arith.divf %div3A_1188, %add3A_1175 : vector<256xf32>
    %broadcast_in_dim3A_1190 = vector.shape_cast %div3A_1189 : vector<256xf32> to vector<256x1xf32>
    %mul3A_1191 = vector.broadcast %broadcast_in_dim3A_1190 : vector<256x1xf32> to vector<256x128xf32>
    %mul3A_1192 = arith.mulf %add3A_1186, %mul3A_1191 : vector<256x128xf32>
    %swap3A_1193 = arith.constant 0 : index
    %swap3A_1194 = arith.constant 15 : index
    %swap3A_1195 = arith.constant 0 : index
    %swap3A_1196 = arith.constant 0 : index
    %swap3A_1197 = vector.load %arg8[%swap3A_1193, %swap3A_1194, %swap3A_1195, %swap3A_1196] : memref<1x16x256x128xf32, #tpu.memory_space<vmem>>, vector<1x1x256x128xf32>
    %swap3A_1198 = vector.shape_cast %swap3A_1197 : vector<1x1x256x128xf32> to vector<256x128xf32>
    %swap3A_1199 = vector.shape_cast %mul3A_1192 : vector<256x128xf32> to vector<1x1x256x128xf32>
    tpu.vector_store %arg8[%swap3A_1193, %swap3A_1194, %swap3A_1195, %swap3A_1196], %swap3A_1199 {strides = array<i32>} : memref<1x16x256x128xf32, #tpu.memory_space<vmem>>, vector<1x1x256x128xf32>,
    return
  }
  func.func @transform_0(%arg0: i32, %arg1: i32) -> (i32, i32, i32) {
    %c0_i32 = arith.constant 0 : i32
    %c0_i32_0 = arith.constant 0 : i32
    %c0_i32_1 = arith.constant 0 : i32
    return %arg0, %c0_i32, %c0_i32_0 : i32, i32, i32
  }
  func.func @transform_1(%arg0: i32, %arg1: i32) -> (i32, i32, i32, i32) {
    %c0_i32 = arith.constant 0 : i32
    %c0_i32_0 = arith.constant 0 : i32
    %c0_i32_1 = arith.constant 0 : i32
    return %arg0, %arg1, %c0_i32, %c0_i32_0 : i32, i32, i32, i32
  }
  func.func @transform_2(%arg0: i32, %arg1: i32) -> (i32, i32, i32, i32) {
    %c0_i32 = arith.constant 0 : i32
    %c0_i32_0 = arith.constant 0 : i32
    %c0_i32_1 = arith.constant 0 : i32
    return %arg0, %arg1, %c0_i32, %c0_i32_0 : i32, i32, i32, i32
  }
  func.func @transform_3(%arg0: i32, %arg1: i32) -> (i32, i32, i32, i32) {
    %c0_i32 = arith.constant 0 : i32
    %c0_i32_0 = arith.constant 0 : i32
    %c0_i32_1 = arith.constant 0 : i32
    return %arg0, %arg1, %c0_i32, %c0_i32_0 : i32, i32, i32, i32
  }
  func.func @transform_4(%arg0: i32, %arg1: i32) -> (i32, i32, i32) {
    %c0_i32 = arith.constant 0 : i32
    %c0_i32_0 = arith.constant 0 : i32
    %c0_i32_1 = arith.constant 0 : i32
    return %arg0, %c0_i32, %c0_i32_0 : i32, i32, i32
  }
  func.func @transform_5(%arg0: i32, %arg1: i32) -> (i32, i32, i32) {
    %c0_i32 = arith.constant 0 : i32
    %c0_i32_0 = arith.constant 0 : i32
    %c0_i32_1 = arith.constant 0 : i32
    return %arg0, %c0_i32, %c0_i32_0 : i32, i32, i32
  }
  func.func @transform_6(%arg0: i32, %arg1: i32) -> (i32, i32, i32, i32) {
    %c0_i32 = arith.constant 0 : i32
    %c0_i32_0 = arith.constant 0 : i32
    %c0_i32_1 = arith.constant 0 : i32
    return %arg0, %arg1, %c0_i32, %c0_i32_0 : i32, i32, i32, i32
  }
}

</mosaic_0001>

<sc_bundles>
// kernel: kernel.6.cloned.1.call-start
scs
__scs_entry_jumppad:
0x0: {  	(pc) =	sbr.rel $0x88, $3  }
0x1: {  	(tag) =	ssettag $0x0;
	lr =	simm.s32 $0x1  }
0x2: {  	[smem:$0x3F9D] =	sst lr;
	_ =	strace $0xD0000000  }
0x3: {  	_ = 	snop  }
0x4: {  	_ = 	snop  }
0x5: {  	_ = 	snop  }
0x6: {  	_ = 	snop  }
0x7: {  	_ = 	snop  }
__scs_overlays_trampoline_lowered:
0x8: {  	[smem:$0x3FAC] =	sst s0  }
0x9: {  	[smem:$0x3FAD] =	sst s1  }
0xa: {  	[smem:$0x3FAE] =	sst s2  }
0xb: {  	[smem:$0x3FAF] =	sst s3  }
0xc: {  	[smem:$0x3FB0] =	sst s4  }
0xd: {  	[smem:$0x3FB1] =	sst s5  }
0xe: {  	[smem:$0x3FB2] =	sst s6  }
0xf: {  	[smem:$0x3FB3] =	sst s7  }
0x10: {  	[smem:$0x3FB4] =	sst s8  }
0x11: {  	[smem:$0x3FB5] =	sst s9;
	s0 =	simm.s32 @!p0 $0x0  }
0x12: {  	s1 =	sld [smem:$0x3F9B];
	s0 =	simm.s32 @p0 $0x1  }
0x13: {  	[smem:$0x3FB6] =	sst s0;
	s0 =	simm.s32 @!p1 $0x0  }
0x14: {  	s2 =	sld [smem:$0x3F9A];
	s0 =	simm.s32 @p1 $0x1  }
0x15: {  	[smem:$0x3FB7] =	sst s0;
	s0 =	simm.s32 @!p2 $0x0  }
0x16: {  	s3 =	sld [smem:$0x3FDB];
	s0 =	simm.s32 @p2 $0x1  }
0x17: {  	s4 =	simm.s32 $0x1BF5;
	[smem:$0x3FB9] =	sst s0  }
0x18: {  	s0 =	sld [smem:$0x3F9C];
	_ =	swait.ge [sflag:s4], $0x0  }
0x19: {  	s7 =	sld [smem:$0x3F9D]  }
0x1a: {  	s8 =	sadd.s32 $0xFFFFE003, lr  }
0x1b: {  	s9 =	sadd.s32 $0xFFFFFEF7, lr;
	s5 =	simm.s32 $0xFFFFFFFF;
	p2 =	slt.u32 s8, $0xFFFFF086  }
0x1c: {  	p1 =	slt.u32 s9, $0xF7A;
	s5 =	simm.s32 @!p2 $0x0  }
0x1d: {  	s5 =	simm.s32 @p1 $0x1;
	p0 =	seq.s32 s7, s2  }
0x1e: {  	s7 =	smul.u32 @!p0 $0xF7A, s2;
	p2 =	seq.s32 @!p0 s5, $0x0  }
0x1f: {  	s9 =	smul.u32 $0xF7A, s1;
	s8 =	simm.s32 @!p0 $0x1BF5;
	p2 =	por !p2, p0  }
0x20: {  	[sflag:s8] =	ssyncset.s32 @!p0 $0xFFFFF086;
	s6 =	sadd.s32 @!p0 s3, s7;
	s7 =	simm.s32 @!p0 $0x108  }
0x21: {  	s3 =	sadd.s32 s3, s9;
	s6 =	sadd.s32 @!p0 $0x88, s6;
	s7 =	simm.s32 @p2 $0x1082  }
0x22: {  	[simem:s7], [sflag:s8] =	dma.local @!p0 [hbm:s6], $0xF7A  }
0x23: {  	s9 =	sor.u32 $0xD0000000, s2;
	s6 =	simm.s32 $0x108;
	_ =	swait.ge @!p0 [sflag:s8], $0x0  }
0x24: {  	s3 =	sadd.s32 $0x88, s3;
	s6 =	simm.s32 @!p1 $0x1082;
	[sflag:s4] =	ssyncset.s32 $0xFFFFF086  }
0x25: {  	[simem:s6], [sflag:s4] =	dma.local [hbm:s3], $0xF7A  }
0x26: {  	[smem:$0x3F9D] =	sst s1;
	(tag) =	ssettag s2;
	_ =	strace s9  }
0x27: {  	s1 =	sld [smem:$0x3FAD]  }
0x28: {  	s2 =	sld [smem:$0x3FAE]  }
0x29: {  	s4 =	sld [smem:$0x3FB0]  }
0x2a: {  	p0 =	seq.s32 s5, $0x0;
	s5 =	sld [smem:$0x3FB1]  }
0x2b: {  	s6 =	sld [smem:$0x3FB2]  }
0x2c: {  	s7 =	sld [smem:$0x3FB3]  }
0x2d: {  	s3 =	simm.s32 $0x108;
	s8 =	sld [smem:$0x3FB4]  }
0x2e: {  	s3 =	simm.s32 @!p0 $0x1082;
	s9 =	sld [smem:$0x3FB5]  }
0x2f: {  	lr =	sadd.s32 s0, s3;
	s0 =	sld [smem:$0x3FAC]  }
0x30: {  	s3 =	sld [smem:$0x3FAF]  }
0x31: {  	[smem:$0x3FB8] =	sst s10  }
0x32: {  	s10 =	sld [smem:$0x3FB6];
	_ =	sdelay $0x3  }
0x33: {  	p0 =	seq.s32 s10, $0x1;
	s10 =	sld [smem:$0x3FB8];
	_ =	sdelay $0x3  }
0x34: {  	[smem:$0x3FB8] =	sst s10  }
0x35: {  	s10 =	sld [smem:$0x3FB7];
	_ =	sdelay $0x3  }
0x36: {  	p1 =	seq.s32 s10, $0x1;
	s10 =	sld [smem:$0x3FB8];
	_ =	sdelay $0x3  }
0x37: {  	[smem:$0x3FB8] =	sst s10  }
0x38: {  	s10 =	sld [smem:$0x3FB9]  }
0x39: {  	_ = 	snop;
	(pc) =	sbr.ind lr, $3  }
0x3a: {  	_ = 	snop  }
0x3b: {  	_ = 	snop  }
0x3c: {  	p2 =	seq.s32 s10, $0x1;
	s10 =	sld [smem:$0x3FB8]  }
0x3d: {  	_ =	shalt  }
0x3e: {  	_ =	shalt  }
0x3f: {  	_ =	shalt  }
0x40: {  	_ =	shalt  }
0x41: {  	_ =	shalt  }
0x42: {  	_ =	shalt  }
0x43: {  	_ =	shalt  }
0x44: {  	_ =	shalt  }
0x45: {  	_ =	shalt  }
0x46: {  	_ =	shalt  }
0x47: {  	_ =	shalt  }
0x48: {  	_ =	shalt  }
0x49: {  	_ =	shalt  }
0x4a: {  	_ =	shalt  }
0x4b: {  	_ =	shalt  }
0x4c: {  	_ =	shalt  }
0x4d: {  	_ =	shalt  }
0x4e: {  	_ =	shalt  }
0x4f: {  	_ =	shalt  }
0x50: {  	_ =	shalt  }
0x51: {  	_ =	shalt  }
0x52: {  	_ =	shalt  }
0x53: {  	_ =	shalt  }
0x54: {  	_ =	shalt  }
0x55: {  	_ =	shalt  }
0x56: {  	_ =	shalt  }
0x57: {  	_ =	shalt  }
0x58: {  	_ =	shalt  }
0x59: {  	_ =	shalt  }
0x5a: {  	_ =	shalt  }
0x5b: {  	_ =	shalt  }
0x5c: {  	_ =	shalt  }
0x5d: {  	_ =	shalt  }
0x5e: {  	_ =	shalt  }
0x5f: {  	_ =	shalt  }
0x60: {  	_ =	shalt  }
0x61: {  	_ =	shalt  }
0x62: {  	_ =	shalt  }
0x63: {  	_ =	shalt  }
0x64: {  	_ =	shalt  }
0x65: {  	_ =	shalt  }
0x66: {  	_ =	shalt  }
0x67: {  	_ =	shalt  }
0x68: {  	_ =	shalt  }
0x69: {  	_ =	shalt  }
0x6a: {  	_ =	shalt  }
0x6b: {  	_ =	shalt  }
0x6c: {  	_ =	shalt  }
0x6d: {  	_ =	shalt  }
0x6e: {  	_ =	shalt  }
0x6f: {  	_ =	shalt  }
0x70: {  	_ =	shalt  }
0x71: {  	_ =	shalt  }
0x72: {  	_ =	shalt  }
0x73: {  	_ =	shalt  }
0x74: {  	_ =	shalt  }
0x75: {  	_ =	shalt  }
0x76: {  	_ =	shalt  }
0x77: {  	_ =	shalt  }
0x78: {  	_ =	shalt  }
0x79: {  	_ =	shalt  }
0x7a: {  	_ =	shalt  }
0x7b: {  	_ =	shalt  }
0x7c: {  	_ =	shalt  }
0x7d: {  	_ =	shalt  }
0x7e: {  	_ =	shalt  }
0x7f: {  	_ =	shalt  }
0x80: {  	_ =	shalt  }
0x81: {  	_ =	shalt  }
0x82: {  	_ =	shalt  }
0x83: {  	_ =	shalt  }
0x84: {  	_ =	shalt  }
0x85: {  	_ =	shalt  }
0x86: {  	_ =	shalt  }
0x87: {  	_ =	shalt  }
.Lfunc_end0:
.L_simem_size_0:
called_computation_lowered:
.L_overlay_start_0:
0x88: {  	s2 =	sld [smem:$0x3FD9]  }
0x89: {  	s3 =	sld [smem:$0x3FFE];
	_ =	sdelay $0x1  }
0x8a: {  	s1 =	srdreg.scid  }
0x8b: {  	s0 =	sand.u32 $0x1, s1  }
0x8c: {  	s17 =	sshll.u32 s0, $0xA;
	s2 =	sadd.s32 s3, s2  }
0x8d: {  	s2 =	sadd.s32 s2, s17  }
0x8e: {  	[smem:$0x3FC4] =	sst s2  }
0x8f: {  	_ = 	snop  }
0x90: {  	s2 =	sld [smem:$0x3FC9]  }
0x91: {  	s18 =	sld [smem:$0x3FC8]  }
0x92: {  	s4 =	sld [smem:$0x3FC7]  }
0x93: {  	s5 =	sld [smem:$0x3FD0];
	(tm) =	ssettm $0x1  }
0x94: {  	s6 =	sld [smem:$0x3FFB];
	_ =	sdelay $0x3  }
0x95: {  	_ =	strace s6  }
0x96: {  	s6 =	sld [smem:$0x3FFC];
	_ =	sdelay $0x3  }
0x97: {  	_ =	strace s6  }
0x98: {  	s6 =	sld [smem:$0x3FFD];
	_ =	sdelay $0x3  }
0x99: {  	_ =	strace s6  }
0x9a: {  	_ =	strace $0x8FFFFFFF  }
0x9b: {  	s19 =	sld [smem:$0x3FDB];
	_ =	sdelay $0x1  }
0x9c: {  	s7 =	simm.s32 $_scs_section_size  }
0x9d: {  	s8 =	simm.s32 $_size__tile_overlayer_lowered;
	s9 =	simm.s32 $_tile_overlayer_lowered  }
0x9e: {  	s22 =	simm.s32 $0x1BFF;
	s21 =	sshll.u32 s9, $0x1;
	s6 =	sadd.s32 s7, s19  }
0x9f: {  	s10 =	simm.s32 $0x0;
	s20 =	sshll.u32 s8, $0x1;
	s8 =	sadd.s32 s21, s6  }
0xa0: {  	[timem:s10], [sflag:s22] =	dma.local [hbm:s8], s20  }
0xa1: {  	_ =	swait.ge [sflag:s22], s20  }
0xa2: {  	s7 =	ssub.s32 $0x0, s20;
	[sflag:s22] =	ssyncset.done $0x0  }
0xa3: {  	[sflag:s22] =	ssyncadd.s32 s7;
	_ =	sdelay $0x1  }
0xa4: {  	s23 =	simm.s32 $0x1B8B  }
0xa5: {  	_ =	swait.ge [sflag:s23], $0x1  }
0xa6: {  	[sflag:s23] =	ssyncset.done $0x0  }
0xa7: {  	s25 =	simm.s32 $0x1B8E;
	s24 =	sld [smem:$0x3FFE];
	[sflag:s23] =	ssyncadd.s32 $0xFFFFFFFF  }
0xa8: {  	s26 =	simm.s32 $execute0_lowered;
	[smem:$0x3FD2] =	sst s25  }
0xa9: {  	s8 =	sshll.u32 s26, $0x1;
	_ =	strace $0x80000046;
	[dreg:$0x1] =	wrdreg $0xFFFFFFFF  }
0xaa: {  	s28 =	simm.s32 $_size_execute0_lowered;
	s6 =	sadd.s32 s6, s8;
	[dreg:$0x0] =	wrdreg $0x0  }
0xab: {  	s8 =	sshll.u32 s28, $0x1;
	[dreg:$0x2] =	wrdreg s6  }
0xac: {  	[dreg:$0x3] =	wrdreg s8  }
0xad: {  	[dreg:$0x4] =	wrdreg $0xC0  }
0xae: {  	_ =	task [dreg:s10], $0x5FFFF  }
0xaf: {  	[dreg:$0x1] =	wrdreg $0xFFFFFFFF  }
0xb0: {  	[dreg:$0x0] =	wrdreg $0x60  }
0xb1: {  	[dreg:$0x2] =	wrdreg s24  }
0xb2: {  	[dreg:$0x3] =	wrdreg s2  }
0xb3: {  	[dreg:$0x4] =	wrdreg s18  }
0xb4: {  	[dreg:$0x5] =	wrdreg s4  }
0xb5: {  	[dreg:$0x6] =	wrdreg s5  }
0xb6: {  	[dreg:$0x7] =	wrdreg $0x9  }
0xb7: {  	_ =	task.clear_ibuf [dreg:s10], $0x8FFFF;
	_ =	strace $0x90000046  }
0xb8: {  	s29 =	simm.s32 $0x9;
	_ =	strace $0x80000048  }
0xb9: {  	_ =	swait.ge [sflag:s29], $0x1  }
0xba: {  	[sflag:s29] =	ssyncadd.s32 $0xFFFFFFFF  }
0xbb: {  	_ =	strace $0x90000048  }
0xbc: {  	_ =	sfence  }
0xbd: {  	s30 =	sld [smem:$0x0];
	_ =	sdelay $0x2  }
0xbe: {  	s31 =	sshll.u32 s1, $0xD;
	s1 =	sshrl.u32 s1, $0x2  }
0xbf: {  	s3 =	sand.u32 $0x4000, s31;
	s1 =	sadd.s32 s1, s30  }
0xc0: {  	s0 =	sor.u32 s3, s0;
	s1 =	sshll.u32 s1, $0x11  }
0xc1: {  	s0 =	sor.u32 s1, s0  }
0xc2: {  	s0 =	sadd.s32 $0x8F2B, s0  }
0xc3: {  	[sflag:s0] =	ssyncadd.remote.s32 $0x1  }
0xc4: {  	_ =	sfence.sel $0xFFFF  }
0xc5: {  	[dreg:$0x0] =	wrdreg $0xFFFFFFFF;
	(pc) =	sbr.abs _section_cstart, $3  }
0xc6: {  	[dreg:$0x1] =	wrdreg $0xFFFFFFFF  }
0xc7: {  	_ =	task.clear_ibuf [dreg:s10], $0x2FFFF;
	_ =	strace $0x9FFFFFFF  }
0xc8: {  	(tm) =	ssettm $0x7FFFFFFF  }
0xc9: {  	_ =	shalt  }
tec
execute0_lowered:
.L_overlay_start_1:
0x0: {  	(tag) =	ssettag $0x1  }
0x1: {  	s0 =	rddreg [dreg:$0x0]  }
0x2: {  	s1 =	rddreg [dreg:$0x1]  }
0x3: {  	s2 =	rddreg [dreg:$0x2];
	s3 =	srdreg.scid  }
0x4: {  	s11 =	stileid.u32;
	s4 =	rddreg [dreg:$0x3]  }
0x5: {  	s6 =	rddreg [dreg:$0x4];
	s29 =	simm.s32 $0x4A80;
	s30 =	simm.s32 $0x8A80  }
0x6: {  	s31 =	simm.s32 $0x1;
	s28 =	simm.s32 $0x4;
	s3 =	sand.u32 $0x1, s3  }
0x7: {  	s5 =	sshll.u32 s11, $0x1;
	s8 =	sshrl.u32 s11, $0x2;
	s26 =	sshll.u32 s11, $0x11  }
0x8: {  	s15 =	sadd.s32 $0x1E00, s0;
	s12 =	sadd.s32 $0xA800, s0;
	s7 =	sor.u32 s3, s5  }
0x9: {  	s5 =	simm.s32 $0x0;
	s10 =	sshll.u32 s8, $0xF;
	s8 =	sshll.u32 s8, $0xB  }
0xa: {  	s16 =	sadd.s32 s26, s0;
	s14 =	ssub.s32 $0x2, s3;
	s23 =	sshll.u32 s3, $0x10  }
0xb: {  	s3 =	simm.s32 $0x2;
	s9 =	sshll.u32 s7, $0x7;
	[smem:$0x7FF] =	sst s5  }
0xc: {  	s13 =	sshll.u32 s7, $0x9;
	s17 =	sshrl.u32 s14, $0x1;
	s7 =	sshll.u32 s7, $0xC  }
0xd: {  	s9 =	sand.u32 $0x380, s9;
	_ =	strace $0x80000047;
	[dreg:$0x6] =	wrdreg s15  }
0xe: {  	v0 =	vlaneseq.u32;
	s15 =	sadd.s32 $0x2A800, s0;
	s19 =	sor.u32 $0x800, s7;
	s20 =	sadd.s32 s12, s7  }
0xf: {  	v1 =	vmul.u32 $0x100, v0;
	s10 =	sor.u32 s10, s9;
	s8 =	sor.u32 s8, s9;
	[dreg:$0xb] =	wrdreg s20  }
0x10: {  	s21 =	sadd.s32 s12, s19;
	s22 =	sadd.s32 s15, s7;
	s20 =	simm.s32 $0x5  }
0x11: {  	v2 =	vmov s7;
	v3 =	vor.u32 s7, v1;
	s7 =	simm.s32 $0x4A00;
	s10 =	sshrl.u32 s10, $0x3;
	[dreg:$0xc] =	wrdreg s21  }
0x12: {  	s8 =	sshrl.u32 s8, $0x3;
	[dreg:$0xd] =	wrdreg s22;
	s21 =	simm.s32 $0x80  }
0x13: {  	s22 =	simm.s32 $0x400;
	s25 =	sadd.s32 s10, s0;
	s8 =	sadd.s32 s8, s0  }
0x14: {  	s0 =	sadd.s32 s13, s0;
	s13 =	ssub.s32 s14, s17;
	s18 =	sadd.s32 $0x6800, s25  }
0x15: {  	s9 =	sadd.s32 $0x2800, s25;
	s0 =	sadd.s32 $0x44A800, s0;
	[dreg:$0x7] =	wrdreg s18  }
0x16: {  	s8 =	sadd.s32 $0x2400, s8;
	s24 =	smax.u32 s13, $0x1;
	[dreg:$0x8] =	wrdreg s9  }
0x17: {  	s25 =	sadd.s32 s26, s6;
	s26 =	sadd.s32 s23, s16;
	[dreg:$0x9] =	wrdreg s0  }
0x18: {  	s6 =	simm.s32 $0x4980;
	[dreg:$0xa] =	wrdreg s8;
	s0 =	sadd.s32 s15, s19  }
0x19: {  	[dreg:$0xf] =	wrdreg s24;
	s16 =	sadd.s32 s23, s25;
	s17 =	sadd.s32 $0x4A800, s26  }
0x1a: {  	s18 =	sadd.s32 $0x24A800, s26;
	s19 =	simm.s32 $0x1000;
	s23 =	simm.s32 $0x1080  }
0x1b: {  	s24 =	simm.s32 $0x1880;
	s25 =	simm.s32 $0x3880;
	s26 =	simm.s32 $0x2880  }
0x1c: {  	v4 =	vimm.s32 $0x0;
	s8 =	simm.s32 $0x0;
	[dreg:$0xe] =	wrdreg s0;
	s0 =	simm.s32 $0x3  }
.LBB2_1:
0x1d: {  	s9 =	rddreg [dreg:$0x6]  }
0x1e: {  	[tilespmem:s19], [sflag:$0x5] =	stream.linear.gather [hbm4b:s9+s5], $0x80, $0x38;
	[tilespmem:$0xCA80] =	vst v63  }
0x1f: {  	_ =	swait.ge [sflag:s20], $0x80  }
0x20: {  	[sflag:s20] =	ssyncset.done $0x0  }
0x21: {  	s15 =	rddreg [dreg:$0x7];
	[sflag:s20] =	ssyncadd.s32 $0xFFFFFF80  }
0x22: {  	[tilespmem:s5], [sflag:$0x5] =	stream.strided.gather [hbm4b:s15+s21], $0x1000, s22, s21, $0x38;
	[tilespmem:$0xCA80] =	vst v63  }
0x23: {  	_ =	swait.ge [sflag:s20], $0x1000  }
0x24: {  	[sflag:s20] =	ssyncset.done $0x0  }
0x25: {  	s10 =	simm.s32 $0x0;
	s9 =	simm.s32 $0x40;
	[sflag:s20] =	ssyncadd.s32 $0xFFFFF000  }
.LBB2_2:
0x26: {  	p0 =	sne.s32 s9, $0x1FC0;
	[tilespmem:s10+$0x1080] =	vst v4;
	s10 =	smov.u32 s9;
	s9 =	sadd.s32 $0x40, s9  }
.Ltmp0:
0x27: {  	(pc) =	sbr.rel @p0 .LBB2_2-.Ltmp0, $2  }
0x28: {  	_ =	sdelay $0x2  }
0x29: {  	s10 =	sshra.s32 s10, $0x2  }
0x2a: {  	s9 =	simm.s32 $0x0  }
0x2b: {  	v5 =	vor.u32 s9, v1;
	_ =	sdelay $0x3  }
0x2c: {  	[tilespmem:s10+$0x1080] =	vst v4  }
0x2d: {  	v5 =	vld.idx.msk [tilespmem:v5+s9+$0x0], $0xffff;
	_ =	sdelay $0x7  }
0x2e: {  	v5 =	vld.idx.msk [tilespmem:v5+s19+$0x0], $0xffff;
	_ =	sdelay $0x4  }
0x2f: {  	v5 =	vshll.u32 v5, $0x4  }
0x30: {  	v5 =	vor.u32 v0, v5;
	_ =	sdelay $0x4  }
0x31: {  	v7 =	vld.idx.msk [tilespmem:v5+s23+$0x0], $0xffff  }
0x32: {  	s15 =	simm.s32 $0x1  }
0x33: {  	s10 =	simm.s32 $0x2;
	v6 =	vor.u32 s15, v1  }
.LBB2_4:
0x34: {  	p0 =	sne.s32 s10, $0xFF;
	_ =	sdelay $0x1  }
0x35: {  	v7 =	vadd.s32 $0x1, v7  }
0x36: {  	[tilespmem:v5+s23+$0x0] =	vst.idx.msk $0xffff, v7  }
0x37: {  	v5 =	vld.idx.msk [tilespmem:v6+s9+$0x0], $0xffff;
	_ =	sdelay $0x7  }
0x38: {  	v5 =	vld.idx.msk [tilespmem:v5+s19+$0x0], $0xffff;
	_ =	sdelay $0x5  }
0x39: {  	v5 =	vshll.u32 v5, $0x4  }
0x3a: {  	v5 =	vor.u32 v0, v5;
	_ =	sdelay $0x3  }
.Ltmp1:
0x3b: {  	(pc) =	sbr.rel @p0 .LBB2_4-.Ltmp1, $2  }
0x3c: {  	v7 =	vld.idx.msk [tilespmem:v5+s23+$0x0], $0xffff;
	_ =	sdelay $0x2  }
0x3d: {  	v6 =	vor.u32 s10, v1;
	s10 =	sadd.s32 $0x1, s10  }
0x3e: {  	_ =	sdelay $0x2  }
0x3f: {  	v7 =	vadd.s32 $0x1, v7  }
0x40: {  	[tilespmem:v5+s23+$0x0] =	vst.idx.msk $0xffff, v7  }
0x41: {  	v5 =	vld.idx.msk [tilespmem:v6+s9+$0x0], $0xffff;
	_ =	sdelay $0x7  }
0x42: {  	v5 =	vld.idx.msk [tilespmem:v5+s19+$0x0], $0xffff;
	_ =	sdelay $0x4  }
0x43: {  	v5 =	vshll.u32 v5, $0x4  }
0x44: {  	v5 =	vor.u32 v0, v5;
	_ =	sdelay $0x4  }
0x45: {  	v6 =	vld.idx.msk [tilespmem:v5+s23+$0x0], $0xffff;
	_ =	sdelay $0x4  }
0x46: {  	v6 =	vadd.s32 $0x1, v6  }
0x47: {  	s12 =	simm.s32 $0x0;
	[tilespmem:v5+s23+$0x0] =	vst.idx.msk $0xffff, v6  }
0x48: {  	v5 =	vld [tilespmem:s12+$0x1080];
	_ =	sdelay $0x4  }
0x49: {  	(xrf0) =	vadd.scan.msk.s32 $0xffff, v5;
	_ =	sdelay $0x5  }
0x4a: {  	v6, _, _ =	vpop (xrf0)  }
0x4b: {  	(v2sf) =	vpush v6, $0xF  }
0x4c: {  	v5 =	vsub.s32 s9, v5  }
0x4d: {  	v5 =	vadd.s32 v6, v5  }
0x4e: {  	s10 =	simm.s32 $0x10;
	s11 =	simm.s32 $0x80;
	[tilespmem:s12+$0x1080] =	vst v5  }
.LBB2_6:
0x4f: {  	p0 =	sne.s32 s11, $0x1FC0;
	v5 =	vld [tilespmem:s10+$0x1080];
	_ =	sdelay $0x4  }
0x50: {  	(xrf0) =	vadd.scan.msk.s32 $0xffff, v5;
	_ =	sdelay $0x5  }
.Ltmp2:
0x51: {  	v6, _, _ =	vpop (xrf0);
	s12 =	spop (v2sf);
	(pc) =	sbr.rel @p0 .LBB2_6-.Ltmp2, $4  }
0x52: {  	(v2sf) =	vpush v6, $0xF;
	s9 =	sadd.s32 s9, s12  }
0x53: {  	v5 =	vsub.s32 s9, v5  }
0x54: {  	v5 =	vadd.s32 v6, v5  }
0x55: {  	[tilespmem:s10+$0x1080] =	vst v5;
	s10 =	sshra.s32 s11, $0x2;
	s11 =	sadd.s32 $0x40, s11  }
0x56: {  	_ =	sdelay $0x1  }
0x57: {  	v6 =	vld [tilespmem:s10+$0x1080];
	_ =	sdelay $0x4  }
0x58: {  	(xrf0) =	vadd.scan.msk.s32 $0xffff, v6;
	_ =	sdelay $0x2  }
0x59: {  	s11 =	simm.s32 $0x0  }
0x5a: {  	v5 =	vor.u32 s11, v1;
	s13 =	spop (v2sf)  }
0x5b: {  	s9 =	sadd.s32 s9, s13  }
0x5c: {  	v7, _, _ =	vpop (xrf0);
	v6 =	vsub.s32 s9, v6  }
0x5d: {  	v6 =	vadd.s32 v7, v6  }
0x5e: {  	[tilespmem:s10+$0x1080] =	vst v6  }
0x5f: {  	v6 =	vld.idx.msk [tilespmem:v5+s5+$0x0], $0xffff;
	_ =	sdelay $0x7  }
0x60: {  	v6 =	vld.idx.msk [tilespmem:v6+s19+$0x0], $0xffff;
	_ =	sdelay $0x1  }
0x61: {  	(v2sf) =	vpush v7, $0xF;
	_ =	sdelay $0x2  }
0x62: {  	v6 =	vshll.u32 v6, $0x4  }
0x63: {  	v7 =	vor.u32 v0, v6;
	_ =	sdelay $0x4  }
0x64: {  	v8 =	vld.idx.msk [tilespmem:v7+s23+$0x0], $0xffff;
	_ =	sdelay $0x4  }
0x65: {  	s14 =	simm.s32 $0x1  }
0x66: {  	s9 =	simm.s32 $0x2;
	s15 =	spop (v2sf);
	v6 =	vor.u32 s14, v1;
	v10 =	vadd.s32 $0x1, v8;
	v9 =	vadd.s32 v2, v8  }
.LBB2_8:
0x67: {  	p0 =	sne.s32 s9, $0xFF;
	[tilespmem:v7+s23+$0x0] =	vst.idx.msk $0xffff, v10;
	v7 =	vor.u32 v2, v5  }
0x68: {  	[tilespmem:v8+s24+$0x0] =	vst.idx.msk $0xffff, v7  }
0x69: {  	[tilespmem:v5+s25+$0x0] =	vst.idx.msk $0xffff, v9;
	v5 =	vmov v6  }
0x6a: {  	v6 =	vld.idx.msk [tilespmem:v6+s5+$0x0], $0xffff;
	_ =	sdelay $0x7  }
0x6b: {  	v6 =	vld.idx.msk [tilespmem:v6+s19+$0x0], $0xffff;
	_ =	sdelay $0x5  }
0x6c: {  	v6 =	vshll.u32 v6, $0x4  }
0x6d: {  	v7 =	vor.u32 v0, v6;
	_ =	sdelay $0x4  }
0x6e: {  	v8 =	vld.idx.msk [tilespmem:v7+s23+$0x0], $0xffff;
	_ =	sdelay $0x1  }
.Ltmp3:
0x6f: {  	(pc) =	sbr.rel @p0 .LBB2_8-.Ltmp3, $3  }
0x70: {  	_ =	sdelay $0x1  }
0x71: {  	v6 =	vor.u32 s9, v1  }
0x72: {  	s9 =	sadd.s32 $0x1, s9;
	v10 =	vadd.s32 $0x1, v8;
	v9 =	vadd.s32 v2, v8  }
0x73: {  	_ =	sdelay $0x3  }
0x74: {  	[tilespmem:v7+s23+$0x0] =	vst.idx.msk $0xffff, v10;
	v7 =	vor.u32 v2, v5  }
0x75: {  	[tilespmem:v8+s24+$0x0] =	vst.idx.msk $0xffff, v7  }
0x76: {  	[tilespmem:v5+s25+$0x0] =	vst.idx.msk $0xffff, v9  }
0x77: {  	v5 =	vld.idx.msk [tilespmem:v6+s5+$0x0], $0xffff;
	_ =	sdelay $0x7  }
0x78: {  	v5 =	vld.idx.msk [tilespmem:v5+s19+$0x0], $0xffff;
	_ =	sdelay $0x4  }
0x79: {  	v5 =	vshll.u32 v5, $0x4  }
0x7a: {  	v5 =	vor.u32 v0, v5;
	_ =	sdelay $0x4  }
0x7b: {  	v7 =	vld.idx.msk [tilespmem:v5+s23+$0x0], $0xffff;
	_ =	sdelay $0x5  }
0x7c: {  	v62 =	vadd.s32 $0x1, v7  }
0x7d: {  	[tilespmem:v5+s23+$0x0] =	vst.idx.msk $0xffff, v62;
	v5 =	vor.u32 v2, v6  }
0x7e: {  	v63 =	vadd.s32 v2, v7;
	[tilespmem:v7+s24+$0x0] =	vst.idx.msk $0xffff, v5  }
0x7f: {  	s9 =	simm.s32 $0x0;
	s10 =	rddreg [dreg:$0x8];
	[tilespmem:v6+s25+$0x0] =	vst.idx.msk $0xffff, v63  }
0x80: {  	[tilespmem:s9], [sflag:$0x5] =	stream.strided.gather [hbm4b:s10+s21], $0x1000, s22, s21, $0x38;
	[tilespmem:$0xCA80] =	vst v63  }
0x81: {  	_ =	swait.ge [sflag:s20], $0x1000  }
0x82: {  	[sflag:s20] =	ssyncset.done $0x0  }
0x83: {  	s11 =	simm.s32 $0x0;
	s10 =	simm.s32 $0x40;
	[sflag:s20] =	ssyncadd.s32 $0xFFFFF000  }
.LBB2_10:
0x84: {  	p0 =	sne.s32 s10, $0x1FC0;
	[tilespmem:s11+$0x1080] =	vst v4;
	s11 =	smov.u32 s10;
	s10 =	sadd.s32 $0x40, s10  }
.Ltmp4:
0x85: {  	(pc) =	sbr.rel @p0 .LBB2_10-.Ltmp4, $2  }
0x86: {  	_ =	sdelay $0x2  }
0x87: {  	s11 =	sshra.s32 s11, $0x2  }
0x88: {  	v5 =	vor.u32 s9, v1;
	_ =	sdelay $0x3  }
0x89: {  	[tilespmem:s11+$0x1080] =	vst v4;
	s9 =	simm.s32 $0x0  }
0x8a: {  	v5 =	vld.idx.msk [tilespmem:v5+s9+$0x0], $0xffff;
	_ =	sdelay $0x7  }
0x8b: {  	v5 =	vld.idx.msk [tilespmem:v5+s19+$0x0], $0xffff;
	_ =	sdelay $0x4  }
0x8c: {  	v5 =	vshll.u32 v5, $0x4  }
0x8d: {  	v5 =	vor.u32 v0, v5;
	_ =	sdelay $0x4  }
0x8e: {  	v7 =	vld.idx.msk [tilespmem:v5+s23+$0x0], $0xffff  }
0x8f: {  	s10 =	simm.s32 $0x1  }
0x90: {  	v6 =	vor.u32 s10, v1;
	s10 =	simm.s32 $0x2  }
.LBB2_12:
0x91: {  	p0 =	sne.s32 s10, $0xFF;
	_ =	sdelay $0x1  }
0x92: {  	v7 =	vadd.s32 $0x1, v7  }
0x93: {  	[tilespmem:v5+s23+$0x0] =	vst.idx.msk $0xffff, v7  }
0x94: {  	v5 =	vld.idx.msk [tilespmem:v6+s9+$0x0], $0xffff;
	_ =	sdelay $0x7  }
0x95: {  	v5 =	vld.idx.msk [tilespmem:v5+s19+$0x0], $0xffff;
	_ =	sdelay $0x5  }
0x96: {  	v5 =	vshll.u32 v5, $0x4  }
0x97: {  	v5 =	vor.u32 v0, v5;
	_ =	sdelay $0x3  }
.Ltmp5:
0x98: {  	(pc) =	sbr.rel @p0 .LBB2_12-.Ltmp5, $2  }
0x99: {  	v7 =	vld.idx.msk [tilespmem:v5+s23+$0x0], $0xffff;
	_ =	sdelay $0x2  }
0x9a: {  	v6 =	vor.u32 s10, v1;
	s10 =	sadd.s32 $0x1, s10  }
0x9b: {  	_ =	sdelay $0x2  }
0x9c: {  	v7 =	vadd.s32 $0x1, v7  }
0x9d: {  	s9 =	simm.s32 $0x0;
	[tilespmem:v5+s23+$0x0] =	vst.idx.msk $0xffff, v7  }
0x9e: {  	v5 =	vld.idx.msk [tilespmem:v6+s9+$0x0], $0xffff;
	_ =	sdelay $0x7  }
0x9f: {  	v5 =	vld.idx.msk [tilespmem:v5+s19+$0x0], $0xffff;
	_ =	sdelay $0x4  }
0xa0: {  	v5 =	vshll.u32 v5, $0x4  }
0xa1: {  	v5 =	vor.u32 v0, v5;
	_ =	sdelay $0x4  }
0xa2: {  	v6 =	vld.idx.msk [tilespmem:v5+s23+$0x0], $0xffff  }
0xa3: {  	p1 =	por $0x1, $0x1  }
.Ltmp6:
0xa4: {  	_ = 	snop;
	(pc) =	sbr.rel @!p1 .LBB2_14-.Ltmp6, $3  }
0xa5: {  	_ =	sdelay $0x1  }
0xa6: {  	v6 =	vadd.s32 $0x1, v6  }
0xa7: {  	s13 =	simm.s32 $0x0;
	p0 =	por $0x0, $0x0;
	[tilespmem:v5+s23+$0x0] =	vst.idx.msk $0xffff, v6  }
0xa8: {  	v5 =	vld [tilespmem:s13+$0x1080];
	_ =	sdelay $0x4  }
0xa9: {  	(xrf0) =	vadd.scan.msk.s32 $0xffff, v5;
	_ =	sdelay $0x4  }
0xaa: {  	p2 =	por $0x1, $0x1  }
.Ltmp7:
0xab: {  	v6, _, _ =	vpop (xrf0);
	(pc) =	sbr.rel @!p2 .LBB2_16-.Ltmp7, $4  }
0xac: {  	(v2sf) =	vpush v6, $0xF  }
0xad: {  	v5 =	vsub.s32 s9, v5  }
0xae: {  	s11 =	simm.s32 $0x10;
	v5 =	vadd.s32 v6, v5  }
0xaf: {  	s12 =	simm.s32 $0x80;
	p1 =	por $0x1, $0x1;
	s10 =	simm.s32 $0x0;
	[tilespmem:s13+$0x1080] =	vst v5  }
.LBB2_17:
0xb0: {  	p2 =	sne.s32 s12, $0x1FC0;
	v5 =	vld [tilespmem:s11+$0x1080];
	_ =	sdelay $0x4  }
0xb1: {  	(xrf0) =	vadd.scan.msk.s32 $0xffff, v5;
	_ =	sdelay $0x5  }
.Ltmp8:
0xb2: {  	v6, _, _ =	vpop (xrf0);
	s13 =	spop (v2sf);
	(pc) =	sbr.rel @p2 .LBB2_17-.Ltmp8, $4  }
0xb3: {  	(v2sf) =	vpush v6, $0xF;
	s10 =	sadd.s32 s10, s13  }
0xb4: {  	v5 =	vsub.s32 s10, v5  }
0xb5: {  	v5 =	vadd.s32 v6, v5  }
0xb6: {  	[tilespmem:s11+$0x1080] =	vst v5;
	s11 =	sshra.s32 s12, $0x2;
	s12 =	sadd.s32 $0x40, s12  }
0xb7: {  	s13 =	smov.u32 s11  }
.LBB2_19:
0xb8: {  	v5 =	vld [tilespmem:s13+$0x1080];
	_ =	sdelay $0x4  }
0xb9: {  	(xrf0) =	vadd.scan.msk.s32 $0xffff, v5;
	_ =	sdelay $0x5  }
0xba: {  	v6, _, _ =	vpop (xrf0)  }
0xbb: {  	(v2sf) =	vpush v6, $0xF;
	_ =	sdelay $0x7  }
0xbc: {  	s11 =	spop @p1 (v2sf)  }
0xbd: {  	s10 =	sadd.s32 @p1 s10, s11;
	s11 =	simm.s32 $0x0  }
0xbe: {  	s11 =	smov.u32 @p1 s10;
	p1 =	por $0x1, $0x1  }
.Ltmp9:
0xbf: {  	_ = 	snop;
	(pc) =	sbr.rel @!p1 .LBB2_20-.Ltmp9, $4  }
0xc0: {  	_ = 	snop  }
0xc1: {  	v5 =	vsub.s32 s11, v5  }
0xc2: {  	v5 =	vadd.s32 v6, v5  }
0xc3: {  	s10 =	simm.s32 $0x1;
	[tilespmem:s13+$0x1080] =	vst v5;
	v5 =	vor.u32 s9, v1;
	s15 =	spop (v2sf)  }
0xc4: {  	_ =	sdelay $0x3  }
0xc5: {  	v5 =	vld.idx.msk [tilespmem:v5+s5+$0x0], $0xffff;
	_ =	sdelay $0x7  }
0xc6: {  	v5 =	vld.idx.msk [tilespmem:v5+s19+$0x0], $0xffff;
	_ =	sdelay $0x4  }
0xc7: {  	v5 =	vshll.u32 v5, $0x4  }
0xc8: {  	v7 =	vor.u32 v0, v5;
	_ =	sdelay $0x2  }
0xc9: {  	p1 =	por $0x1, $0x1  }
.Ltmp10:
0xca: {  	_ = 	snop;
	(pc) =	sbr.rel @!p1 .LBB2_22-.Ltmp10, $2  }
0xcb: {  	v6 =	vld.idx.msk [tilespmem:v7+s23+$0x0], $0xffff;
	_ =	sdelay $0x2  }
0xcc: {  	s11 =	simm.s32 $0x2;
	p0 =	por $0x1, $0x1;
	v5 =	vor.u32 s10, v1  }
.LBB2_23:
0xcd: {  	p1 =	sne.s32 s11, $0xFF  }
0xce: {  	v8 =	vadd.s32 $0x1, v6  }
0xcf: {  	[tilespmem:v7+s23+$0x0] =	vst.idx.msk $0xffff, v8;
	v7 =	vor.u32 s9, v3;
	s9 =	smov.u32 s10;
	s10 =	smov.u32 s11  }
0xd0: {  	[tilespmem:v6+s26+$0x0] =	vst.idx.msk $0xffff, v7  }
0xd1: {  	v5 =	vld.idx.msk [tilespmem:v5+s5+$0x0], $0xffff;
	_ =	sdelay $0x7  }
0xd2: {  	v5 =	vld.idx.msk [tilespmem:v5+s19+$0x0], $0xffff;
	_ =	sdelay $0x5  }
0xd3: {  	v5 =	vshll.u32 v5, $0x4  }
0xd4: {  	v7 =	vor.u32 v0, v5;
	_ =	sdelay $0x4  }
.Ltmp11:
0xd5: {  	v6 =	vld.idx.msk [tilespmem:v7+s23+$0x0], $0xffff;
	(pc) =	sbr.rel @p1 .LBB2_23-.Ltmp11, $2  }
0xd6: {  	_ =	sdelay $0x2  }
0xd7: {  	s11 =	sadd.s32 $0x1, s11;
	v5 =	vor.u32 s10, v1  }
0xd8: {  	s11 =	smov.u32 s9;
	s9 =	smov.u32 s10  }
.LBB2_25:
0xd9: {  	_ =	sdelay $0x2  }
0xda: {  	v8 =	vadd.s32 @p0 $0x1, v6  }
0xdb: {  	[tilespmem:v7+s23+$0x0] =	vst.idx.msk @p0 $0xffff, v8;
	v7 =	vor.u32 @p0 s11, v3  }
0xdc: {  	[tilespmem:v6+s26+$0x0] =	vst.idx.msk @p0 $0xffff, v7  }
0xdd: {  	v5 =	vld.idx.msk [tilespmem:v5+s5+$0x0], $0xffff;
	_ =	sdelay $0x7  }
0xde: {  	v5 =	vld.idx.msk [tilespmem:v5+s19+$0x0], $0xffff;
	_ =	sdelay $0x4  }
0xdf: {  	v5 =	vshll.u32 v5, $0x4  }
0xe0: {  	v5 =	vor.u32 v0, v5;
	_ =	sdelay $0x4  }
0xe1: {  	v6 =	vld.idx.msk [tilespmem:v5+s23+$0x0], $0xffff;
	_ =	sdelay $0x5  }
0xe2: {  	v7 =	vadd.s32 $0x1, v6  }
0xe3: {  	[tilespmem:v5+s23+$0x0] =	vst.idx.msk $0xffff, v7;
	v5 =	vor.u32 s9, v3  }
0xe4: {  	s10 =	rddreg [dreg:$0x9];
	s9 =	simm.s32 $0x0;
	[tilespmem:v6+s26+$0x0] =	vst.idx.msk $0xffff, v5  }
0xe5: {  	[hbm4b:s10+s9] =	stream.linear.scatter [tilespmem:s25], [sflag:$0x5], $0x1000, $0x38;
	[tilespmem:$0xCA80] =	vst v63  }
0xe6: {  	_ =	swait.ge [sflag:s20], $0x1000  }
0xe7: {  	[sflag:s20] =	ssyncset.done $0x0  }
0xe8: {  	s12 =	simm.s32 $0x4880;
	s11 =	rddreg [dreg:$0xa];
	[sflag:s20] =	ssyncadd.s32 $0xFFFFF000  }
0xe9: {  	[tilespmem:s12], [sflag:$0x5] =	stream.strided.gather [hbm4b:s11+s21], $0x100, s22, s21, $0x38;
	[tilespmem:$0xCA80] =	vst v63  }
0xea: {  	_ =	swait.ge [sflag:s20], $0x100  }
0xeb: {  	[sflag:s20] =	ssyncset.done $0x0  }
0xec: {  	[sflag:s20] =	ssyncadd.s32 $0xFFFFFF00  }
0xed: {  	v5 =	vld [tilespmem:$0x4880];
	_ =	sdelay $0x5  }
0xee: {  	v6 =	vld [tilespmem:$0x4890];
	_ =	sdelay $0x1  }
0xef: {  	v5 =	vld.idx.msk [tilespmem:v5+s26+$0x0], $0xffff;
	_ =	sdelay $0x3  }
0xf0: {  	v7 =	vld [tilespmem:$0x48A0]  }
0xf1: {  	[tilespmem:$0x4980] =	vst v5  }
0xf2: {  	v5 =	vld.idx.msk [tilespmem:v6+s26+$0x0], $0xffff;
	_ =	sdelay $0x3  }
0xf3: {  	v6 =	vld [tilespmem:$0x48B0]  }
0xf4: {  	[tilespmem:$0x4990] =	vst v5  }
0xf5: {  	v5 =	vld.idx.msk [tilespmem:v7+s26+$0x0], $0xffff;
	_ =	sdelay $0x3  }
0xf6: {  	v7 =	vld [tilespmem:$0x48C0]  }
0xf7: {  	[tilespmem:$0x49A0] =	vst v5  }
0xf8: {  	v5 =	vld.idx.msk [tilespmem:v6+s26+$0x0], $0xffff;
	_ =	sdelay $0x3  }
0xf9: {  	v6 =	vld [tilespmem:$0x48D0]  }
0xfa: {  	[tilespmem:$0x49B0] =	vst v5  }
0xfb: {  	v5 =	vld.idx.msk [tilespmem:v7+s26+$0x0], $0xffff;
	_ =	sdelay $0x3  }
0xfc: {  	v7 =	vld [tilespmem:$0x48E0]  }
0xfd: {  	[tilespmem:$0x49C0] =	vst v5  }
0xfe: {  	v5 =	vld.idx.msk [tilespmem:v6+s26+$0x0], $0xffff;
	_ =	sdelay $0x3  }
0xff: {  	v6 =	vld [tilespmem:$0x48F0]  }
0x100: {  	[tilespmem:$0x49D0] =	vst v5  }
0x101: {  	v5 =	vld.idx.msk [tilespmem:v7+s26+$0x0], $0xffff;
	_ =	sdelay $0x3  }
0x102: {  	v7 =	vld [tilespmem:$0x4900]  }
0x103: {  	[tilespmem:$0x49E0] =	vst v5  }
0x104: {  	v5 =	vld.idx.msk [tilespmem:v6+s26+$0x0], $0xffff;
	_ =	sdelay $0x3  }
0x105: {  	v6 =	vld [tilespmem:$0x4910]  }
0x106: {  	[tilespmem:$0x49F0] =	vst v5  }
0x107: {  	v5 =	vld.idx.msk [tilespmem:v7+s26+$0x0], $0xffff;
	_ =	sdelay $0x3  }
0x108: {  	v7 =	vld [tilespmem:$0x4920]  }
0x109: {  	[tilespmem:$0x4A00] =	vst v5  }
0x10a: {  	v5 =	vld.idx.msk [tilespmem:v6+s26+$0x0], $0xffff;
	_ =	sdelay $0x3  }
0x10b: {  	v6 =	vld [tilespmem:$0x4930]  }
0x10c: {  	[tilespmem:$0x4A10] =	vst v5  }
0x10d: {  	v5 =	vld.idx.msk [tilespmem:v7+s26+$0x0], $0xffff;
	_ =	sdelay $0x3  }
0x10e: {  	v7 =	vld [tilespmem:$0x4940]  }
0x10f: {  	[tilespmem:$0x4A20] =	vst v5  }
0x110: {  	v5 =	vld.idx.msk [tilespmem:v6+s26+$0x0], $0xffff;
	_ =	sdelay $0x3  }
0x111: {  	v6 =	vld [tilespmem:$0x4950]  }
0x112: {  	[tilespmem:$0x4A30] =	vst v5  }
0x113: {  	v5 =	vld.idx.msk [tilespmem:v7+s26+$0x0], $0xffff;
	_ =	sdelay $0x3  }
0x114: {  	v7 =	vld [tilespmem:$0x4960]  }
0x115: {  	[tilespmem:$0x4A40] =	vst v5  }
0x116: {  	v5 =	vld.idx.msk [tilespmem:v6+s26+$0x0], $0xffff;
	_ =	sdelay $0x3  }
0x117: {  	v6 =	vld [tilespmem:$0x4970]  }
0x118: {  	[tilespmem:$0x4A50] =	vst v5  }
0x119: {  	v5 =	vld.idx.msk [tilespmem:v7+s26+$0x0], $0xffff;
	_ =	sdelay $0x4  }
0x11a: {  	[tilespmem:$0x4A60] =	vst v5  }
0x11b: {  	v5 =	vld.idx.msk [tilespmem:v6+s26+$0x0], $0xffff;
	_ =	sdelay $0x4  }
0x11c: {  	s13 =	simm.s32 $0x1880;
	[tilespmem:$0x4A70] =	vst v5  }
0x11d: {  	[tilespmem:s29], [sflag:$0x1] =	stream.indirect.gather [hbm4b:s1+s21], $0x80, s13, s21, $0xb8;
	[tilespmem:$0xCA80] =	vst v63  }
0x11e: {  	s14 =	simm.s32 $0x1900  }
0x11f: {  	[tilespmem:s30], [sflag:$0x2] =	stream.indirect.gather [hbm4b:s1+s21], $0x80, s14, s21, $0xb8;
	[tilespmem:$0xCA80] =	vst v63  }
0x120: {  	_ =	swait.ge [sflag:s31], $0x4000  }
0x121: {  	[sflag:s31] =	ssyncset.done $0x0  }
0x122: {  	[sflag:s31] =	ssyncadd.s32 $0xFFFFC000  }
0x123: {  	[hbm4b:s16+s9] =	stream.linear.scatter [tilespmem:s29], [sflag:$0x3], $0x4000, $0x38;
	[tilespmem:$0xCA80] =	vst v63  }
0x124: {  	_ =	swait.ge [sflag:s3], $0x4000  }
0x125: {  	[sflag:s3] =	ssyncset.done $0x0  }
0x126: {  	s15 =	sadd.s32 $0x800, s16;
	[sflag:s3] =	ssyncadd.s32 $0xFFFFC000  }
0x127: {  	[hbm4b:s15+s9] =	stream.linear.scatter [tilespmem:s30], [sflag:$0x4], $0x4000, $0x38;
	[tilespmem:$0xCA80] =	vst v63  }
0x128: {  	_ =	swait.ge [sflag:s0], $0x4000  }
0x129: {  	[sflag:s0] =	ssyncset.done $0x0  }
0x12a: {  	[sflag:s0] =	ssyncadd.s32 $0xFFFFC000  }
0x12b: {  	s10 =	sadd.s32 $0x1000, s16;
	_ =	swait.ge [sflag:s28], $0x4000  }
0x12c: {  	s12 =	simm.s32 $0x800;
	s11 =	simm.s32 $0x100;
	[sflag:s28] =	ssyncset.done $0x0  }
.LBB2_26:
0x12d: {  	s13 =	sadd.s32 $0x1880, s11  }
0x12e: {  	[sflag:s28] =	ssyncadd.s32 $0xFFFFC000;
	s14 =	smov.u32 s12;
	s15 =	sadd.s32 $0x400, s12  }
0x12f: {  	[tilespmem:s29], [sflag:$0x1] =	stream.indirect.gather [hbm4b:s1+s21], $0x80, s13, s21, $0xb8;
	[tilespmem:$0xCA80] =	vst v63  }
0x130: {  	p0 =	sne.s32 s12, $0x3C00;
	s11 =	sadd.s32 $0x1900, s11  }
0x131: {  	[tilespmem:s30], [sflag:$0x2] =	stream.indirect.gather [hbm4b:s1+s21], $0x80, s11, s21, $0xb8;
	[tilespmem:$0xCA80] =	vst v63  }
0x132: {  	_ =	swait.ge [sflag:s31], $0x4000  }
0x133: {  	[sflag:s31] =	ssyncset.done $0x0  }
0x134: {  	[sflag:s31] =	ssyncadd.s32 $0xFFFFC000  }
0x135: {  	[hbm4b:s10+s9] =	stream.linear.scatter [tilespmem:s29], [sflag:$0x3], $0x4000, $0x38;
	[tilespmem:$0xCA80] =	vst v63  }
0x136: {  	_ =	swait.ge [sflag:s3], $0x4000  }
0x137: {  	[sflag:s3] =	ssyncset.done $0x0  }
0x138: {  	s11 =	sadd.s32 $0x800, s10;
	[sflag:s3] =	ssyncadd.s32 $0xFFFFC000  }
0x139: {  	[hbm4b:s11+s9] =	stream.linear.scatter [tilespmem:s30], [sflag:$0x4], $0x4000, $0x38;
	[tilespmem:$0xCA80] =	vst v63  }
.Ltmp12:
0x13a: {  	_ =	swait.ge [sflag:s0], $0x4000;
	(pc) =	sbr.rel @p0 .LBB2_26-.Ltmp12, $4  }
0x13b: {  	[sflag:s0] =	ssyncset.done $0x0  }
0x13c: {  	[sflag:s0] =	ssyncadd.s32 $0xFFFFC000  }
0x13d: {  	s12 =	smov.u32 s15;
	_ =	swait.ge [sflag:s28], $0x4000  }
0x13e: {  	s10 =	sadd.s32 $0x1000, s10;
	s11 =	sshra.s32 s14, $0x2;
	[sflag:s28] =	ssyncset.done $0x0  }
0x13f: {  	s12 =	sadd.s32 $0x1880, s11;
	[sflag:s28] =	ssyncadd.s32 $0xFFFFC000  }
0x140: {  	[tilespmem:s29], [sflag:$0x1] =	stream.indirect.gather [hbm4b:s1+s21], $0x80, s12, s21, $0xb8;
	[tilespmem:$0xCA80] =	vst v63  }
0x141: {  	s15 =	sadd.s32 $0x1900, s11  }
0x142: {  	[tilespmem:s30], [sflag:$0x2] =	stream.indirect.gather [hbm4b:s1+s21], $0x80, s15, s21, $0xb8;
	[tilespmem:$0xCA80] =	vst v63  }
0x143: {  	_ =	swait.ge [sflag:s31], $0x4000  }
0x144: {  	[sflag:s31] =	ssyncset.done $0x0  }
0x145: {  	[sflag:s31] =	ssyncadd.s32 $0xFFFFC000  }
0x146: {  	[hbm4b:s10+s9] =	stream.linear.scatter [tilespmem:s29], [sflag:$0x3], $0x4000, $0x38;
	[tilespmem:$0xCA80] =	vst v63  }
0x147: {  	_ =	swait.ge [sflag:s3], $0x4000  }
0x148: {  	[sflag:s3] =	ssyncset.done $0x0  }
0x149: {  	s12 =	sadd.s32 $0x800, s10;
	[sflag:s3] =	ssyncadd.s32 $0xFFFFC000  }
0x14a: {  	[hbm4b:s12+s9] =	stream.linear.scatter [tilespmem:s30], [sflag:$0x4], $0x4000, $0x38;
	[tilespmem:$0xCA80] =	vst v63  }
0x14b: {  	_ =	swait.ge [sflag:s0], $0x4000  }
0x14c: {  	[sflag:s0] =	ssyncset.done $0x0  }
0x14d: {  	[sflag:s0] =	ssyncadd.s32 $0xFFFFC000  }
0x14e: {  	_ =	swait.ge [sflag:s28], $0x4000  }
0x14f: {  	[sflag:s28] =	ssyncset.done $0x0  }
0x150: {  	s13 =	simm.s32 $0x2880;
	[sflag:s28] =	ssyncadd.s32 $0xFFFFC000  }
0x151: {  	[tilespmem:s29], [sflag:$0x1] =	stream.indirect.gather [hbm4b:s2+s21], $0x80, s13, s21, $0xb8;
	[tilespmem:$0xCA80] =	vst v63  }
0x152: {  	s14 =	simm.s32 $0x2900  }
0x153: {  	[tilespmem:s30], [sflag:$0x2] =	stream.indirect.gather [hbm4b:s2+s21], $0x80, s14, s21, $0xb8;
	[tilespmem:$0xCA80] =	vst v63  }
0x154: {  	_ =	swait.ge [sflag:s31], $0x4000  }
0x155: {  	[sflag:s31] =	ssyncset.done $0x0  }
0x156: {  	s10 =	simm.s32 $0x0;
	[sflag:s31] =	ssyncadd.s32 $0xFFFFC000  }
0x157: {  	[hbm4b:s17+s10] =	stream.linear.scatter [tilespmem:s29], [sflag:$0x3], $0x4000, $0x38;
	[tilespmem:$0xCA80] =	vst v63  }
0x158: {  	_ =	swait.ge [sflag:s3], $0x4000  }
0x159: {  	[sflag:s3] =	ssyncset.done $0x0  }
0x15a: {  	s15 =	sadd.s32 $0x800, s17;
	[sflag:s3] =	ssyncadd.s32 $0xFFFFC000  }
0x15b: {  	[hbm4b:s15+s10] =	stream.linear.scatter [tilespmem:s30], [sflag:$0x4], $0x4000, $0x38;
	[tilespmem:$0xCA80] =	vst v63  }
0x15c: {  	_ =	swait.ge [sflag:s0], $0x4000  }
0x15d: {  	[sflag:s0] =	ssyncset.done $0x0  }
0x15e: {  	[sflag:s0] =	ssyncadd.s32 $0xFFFFC000  }
0x15f: {  	s11 =	simm.s32 $0x100;
	_ =	swait.ge [sflag:s28], $0x4000  }
0x160: {  	s12 =	simm.s32 $0x800;
	s9 =	sadd.s32 $0x1000, s17;
	[sflag:s28] =	ssyncset.done $0x0  }
.LBB2_28:
0x161: {  	s13 =	sadd.s32 $0x2880, s11  }
0x162: {  	[sflag:s28] =	ssyncadd.s32 $0xFFFFC000;
	s14 =	smov.u32 s12;
	s15 =	sadd.s32 $0x400, s12  }
0x163: {  	[tilespmem:s29], [sflag:$0x1] =	stream.indirect.gather [hbm4b:s2+s21], $0x80, s13, s21, $0xb8;
	[tilespmem:$0xCA80] =	vst v63  }
0x164: {  	p0 =	sne.s32 s12, $0x3C00;
	s11 =	sadd.s32 $0x2900, s11  }
0x165: {  	[tilespmem:s30], [sflag:$0x2] =	stream.indirect.gather [hbm4b:s2+s21], $0x80, s11, s21, $0xb8;
	[tilespmem:$0xCA80] =	vst v63  }
0x166: {  	_ =	swait.ge [sflag:s31], $0x4000  }
0x167: {  	[sflag:s31] =	ssyncset.done $0x0  }
0x168: {  	[sflag:s31] =	ssyncadd.s32 $0xFFFFC000  }
0x169: {  	[hbm4b:s9+s10] =	stream.linear.scatter [tilespmem:s29], [sflag:$0x3], $0x4000, $0x38;
	[tilespmem:$0xCA80] =	vst v63  }
0x16a: {  	_ =	swait.ge [sflag:s3], $0x4000  }
0x16b: {  	[sflag:s3] =	ssyncset.done $0x0  }
0x16c: {  	s11 =	sadd.s32 $0x800, s9;
	[sflag:s3] =	ssyncadd.s32 $0xFFFFC000  }
0x16d: {  	[hbm4b:s11+s10] =	stream.linear.scatter [tilespmem:s30], [sflag:$0x4], $0x4000, $0x38;
	[tilespmem:$0xCA80] =	vst v63  }
.Ltmp13:
0x16e: {  	_ =	swait.ge [sflag:s0], $0x4000;
	(pc) =	sbr.rel @p0 .LBB2_28-.Ltmp13, $4  }
0x16f: {  	[sflag:s0] =	ssyncset.done $0x0  }
0x170: {  	[sflag:s0] =	ssyncadd.s32 $0xFFFFC000  }
0x171: {  	s12 =	smov.u32 s15;
	_ =	swait.ge [sflag:s28], $0x4000  }
0x172: {  	s9 =	sadd.s32 $0x1000, s9;
	s11 =	sshra.s32 s14, $0x2;
	[sflag:s28] =	ssyncset.done $0x0  }
0x173: {  	s10 =	sadd.s32 $0x2880, s11;
	[sflag:s28] =	ssyncadd.s32 $0xFFFFC000  }
0x174: {  	[tilespmem:s29], [sflag:$0x1] =	stream.indirect.gather [hbm4b:s2+s21], $0x80, s10, s21, $0xb8;
	[tilespmem:$0xCA80] =	vst v63  }
0x175: {  	s13 =	sadd.s32 $0x2900, s11  }
0x176: {  	[tilespmem:s30], [sflag:$0x2] =	stream.indirect.gather [hbm4b:s2+s21], $0x80, s13, s21, $0xb8;
	[tilespmem:$0xCA80] =	vst v63  }
0x177: {  	_ =	swait.ge [sflag:s31], $0x4000  }
0x178: {  	[sflag:s31] =	ssyncset.done $0x0  }
0x179: {  	s14 =	simm.s32 $0x0;
	[sflag:s31] =	ssyncadd.s32 $0xFFFFC000  }
0x17a: {  	[hbm4b:s9+s14] =	stream.linear.scatter [tilespmem:s29], [sflag:$0x3], $0x4000, $0x38;
	[tilespmem:$0xCA80] =	vst v63  }
0x17b: {  	_ =	swait.ge [sflag:s3], $0x4000  }
0x17c: {  	[sflag:s3] =	ssyncset.done $0x0  }
0x17d: {  	s15 =	sadd.s32 $0x800, s9;
	[sflag:s3] =	ssyncadd.s32 $0xFFFFC000  }
0x17e: {  	[hbm4b:s15+s14] =	stream.linear.scatter [tilespmem:s30], [sflag:$0x4], $0x4000, $0x38;
	[tilespmem:$0xCA80] =	vst v63  }
0x17f: {  	p1 =	por $0x1, $0x1;
	_ =	swait.ge [sflag:s0], $0x4000  }
.Ltmp14:
0x180: {  	[sflag:s0] =	ssyncset.done $0x0;
	(pc) =	sbr.rel @!p1 .LBB2_32-.Ltmp14, $4  }
0x181: {  	[sflag:s0] =	ssyncadd.s32 $0xFFFFC000  }
0x182: {  	_ =	swait.ge [sflag:s28], $0x4000  }
0x183: {  	p0 =	por $0x0, $0x0;
	[sflag:s28] =	ssyncset.done $0x0  }
0x184: {  	s10 =	simm.s32 $0x0;
	s9 =	smov.u32 s18;
	[sflag:s28] =	ssyncadd.s32 $0xFFFFC000  }
0x185: {  	s9 =	simm.s32 $0x2880  }
0x186: {  	[tilespmem:s29], [sflag:$0x1] =	stream.indirect.gather [hbm4b:s4+s21], $0x80, s9, s21, $0xb8;
	[tilespmem:$0xCA80] =	vst v63  }
0x187: {  	s14 =	simm.s32 $0x2900  }
0x188: {  	[tilespmem:s30], [sflag:$0x2] =	stream.indirect.gather [hbm4b:s4+s21], $0x80, s14, s21, $0xb8;
	[tilespmem:$0xCA80] =	vst v63  }
0x189: {  	_ =	swait.ge [sflag:s31], $0x4000  }
0x18a: {  	[sflag:s31] =	ssyncset.done $0x0  }
0x18b: {  	[sflag:s31] =	ssyncadd.s32 $0xFFFFC000  }
0x18c: {  	[hbm4b:s18+s5] =	stream.linear.scatter [tilespmem:s29], [sflag:$0x3], $0x4000, $0x38;
	[tilespmem:$0xCA80] =	vst v63  }
0x18d: {  	_ =	swait.ge [sflag:s3], $0x4000  }
0x18e: {  	[sflag:s3] =	ssyncset.done $0x0  }
0x18f: {  	s15 =	sadd.s32 $0x800, s18;
	p1 =	por $0x1, $0x1;
	[sflag:s3] =	ssyncadd.s32 $0xFFFFC000  }
0x190: {  	[hbm4b:s15+s5] =	stream.linear.scatter [tilespmem:s30], [sflag:$0x4], $0x4000, $0x38;
	[tilespmem:$0xCA80] =	vst v63  }
.Ltmp15:
0x191: {  	_ =	swait.ge [sflag:s0], $0x4000;
	(pc) =	sbr.rel @!p1 .LBB2_32-.Ltmp15, $4  }
0x192: {  	[sflag:s0] =	ssyncset.done $0x0  }
0x193: {  	[sflag:s0] =	ssyncadd.s32 $0xFFFFC000  }
0x194: {  	s11 =	simm.s32 $0x800;
	s10 =	simm.s32 $0x100;
	_ =	swait.ge [sflag:s28], $0x4000  }
0x195: {  	p0 =	por $0x1, $0x1;
	s9 =	sadd.s32 $0x1000, s18;
	[sflag:s28] =	ssyncset.done $0x0  }
.LBB2_31:
0x196: {  	s12 =	sadd.s32 $0x2880, s10  }
0x197: {  	[sflag:s28] =	ssyncadd.s32 $0xFFFFC000;
	s13 =	smov.u32 s11;
	s14 =	sadd.s32 $0x400, s11  }
0x198: {  	[tilespmem:s29], [sflag:$0x1] =	stream.indirect.gather [hbm4b:s4+s21], $0x80, s12, s21, $0xb8;
	[tilespmem:$0xCA80] =	vst v63  }
0x199: {  	p1 =	sne.s32 s11, $0x3C00;
	s10 =	sadd.s32 $0x2900, s10  }
0x19a: {  	[tilespmem:s30], [sflag:$0x2] =	stream.indirect.gather [hbm4b:s4+s21], $0x80, s10, s21, $0xb8;
	[tilespmem:$0xCA80] =	vst v63  }
0x19b: {  	_ =	swait.ge [sflag:s31], $0x4000  }
0x19c: {  	[sflag:s31] =	ssyncset.done $0x0  }
0x19d: {  	[sflag:s31] =	ssyncadd.s32 $0xFFFFC000  }
0x19e: {  	[hbm4b:s9+s5] =	stream.linear.scatter [tilespmem:s29], [sflag:$0x3], $0x4000, $0x38;
	[tilespmem:$0xCA80] =	vst v63  }
0x19f: {  	_ =	swait.ge [sflag:s3], $0x4000  }
0x1a0: {  	[sflag:s3] =	ssyncset.done $0x0  }
0x1a1: {  	s10 =	sadd.s32 $0x800, s9;
	[sflag:s3] =	ssyncadd.s32 $0xFFFFC000  }
0x1a2: {  	[hbm4b:s10+s5] =	stream.linear.scatter [tilespmem:s30], [sflag:$0x4], $0x4000, $0x38;
	[tilespmem:$0xCA80] =	vst v63  }
.Ltmp16:
0x1a3: {  	_ =	swait.ge [sflag:s0], $0x4000;
	(pc) =	sbr.rel @p1 .LBB2_31-.Ltmp16, $4  }
0x1a4: {  	[sflag:s0] =	ssyncset.done $0x0  }
0x1a5: {  	[sflag:s0] =	ssyncadd.s32 $0xFFFFC000  }
0x1a6: {  	s11 =	smov.u32 s14;
	_ =	swait.ge [sflag:s28], $0x4000  }
0x1a7: {  	s9 =	sadd.s32 $0x1000, s9;
	s10 =	sshra.s32 s13, $0x2;
	[sflag:s28] =	ssyncset.done $0x0  }
.LBB2_32:
0x1a8: {  	s11 =	sadd.s32 $0x2880, s10;
	[sflag:s28] =	ssyncadd.s32 @p0 $0xFFFFC000  }
0x1a9: {  	[tilespmem:s29], [sflag:$0x1] =	stream.indirect.gather [hbm4b:s4+s21], $0x80, s11, s21, $0xb8;
	[tilespmem:$0xCA80] =	vst v63  }
0x1aa: {  	s15 =	sadd.s32 $0x2900, s10  }
0x1ab: {  	[tilespmem:s30], [sflag:$0x2] =	stream.indirect.gather [hbm4b:s4+s21], $0x80, s15, s21, $0xb8;
	[tilespmem:$0xCA80] =	vst v63  }
0x1ac: {  	_ =	swait.ge [sflag:s31], $0x4000  }
0x1ad: {  	[sflag:s31] =	ssyncset.done $0x0  }
0x1ae: {  	[sflag:s31] =	ssyncadd.s32 $0xFFFFC000  }
0x1af: {  	[hbm4b:s9+s5] =	stream.linear.scatter [tilespmem:s29], [sflag:$0x3], $0x4000, $0x38;
	[tilespmem:$0xCA80] =	vst v63  }
0x1b0: {  	_ =	swait.ge [sflag:s3], $0x4000  }
0x1b1: {  	[sflag:s3] =	ssyncset.done $0x0  }
0x1b2: {  	s10 =	sadd.s32 $0x800, s9;
	[sflag:s3] =	ssyncadd.s32 $0xFFFFC000  }
0x1b3: {  	[hbm4b:s10+s5] =	stream.linear.scatter [tilespmem:s30], [sflag:$0x4], $0x4000, $0x38;
	[tilespmem:$0xCA80] =	vst v63  }
0x1b4: {  	_ =	swait.ge [sflag:s0], $0x4000  }
0x1b5: {  	[sflag:s0] =	ssyncset.done $0x0  }
0x1b6: {  	[sflag:s0] =	ssyncadd.s32 $0xFFFFC000  }
0x1b7: {  	_ =	swait.ge [sflag:s28], $0x4000  }
0x1b8: {  	[sflag:s28] =	ssyncset.done $0x0  }
0x1b9: {  	[sflag:s28] =	ssyncadd.s32 $0xFFFFC000  }
0x1ba: {  	[tilespmem:s29], [sflag:$0x1] =	stream.indirect.gather [hbm4b:s2+s21], $0x80, s6, s21, $0xb8;
	[tilespmem:$0xCA80] =	vst v63  }
0x1bb: {  	_ = 	snop  }
0x1bc: {  	[tilespmem:s30], [sflag:$0x2] =	stream.indirect.gather [hbm4b:s2+s21], $0x80, s7, s21, $0xb8;
	[tilespmem:$0xCA80] =	vst v63  }
0x1bd: {  	_ =	swait.ge [sflag:s31], $0x4000  }
0x1be: {  	[sflag:s31] =	ssyncset.done $0x0  }
0x1bf: {  	s11 =	rddreg [dreg:$0xb];
	[sflag:s31] =	ssyncadd.s32 $0xFFFFC000  }
0x1c0: {  	[hbm4b:s11+s5] =	stream.linear.scatter [tilespmem:s29], [sflag:$0x3], $0x4000, $0x38;
	[tilespmem:$0xCA80] =	vst v63  }
0x1c1: {  	_ =	swait.ge [sflag:s3], $0x4000  }
0x1c2: {  	[sflag:s3] =	ssyncset.done $0x0  }
0x1c3: {  	s12 =	rddreg [dreg:$0xc];
	[sflag:s3] =	ssyncadd.s32 $0xFFFFC000  }
0x1c4: {  	[hbm4b:s12+s5] =	stream.linear.scatter [tilespmem:s30], [sflag:$0x4], $0x4000, $0x38;
	[tilespmem:$0xCA80] =	vst v63  }
0x1c5: {  	_ =	swait.ge [sflag:s0], $0x4000  }
0x1c6: {  	[sflag:s0] =	ssyncset.done $0x0  }
0x1c7: {  	[sflag:s0] =	ssyncadd.s32 $0xFFFFC000  }
0x1c8: {  	_ =	swait.ge [sflag:s28], $0x4000  }
0x1c9: {  	[sflag:s28] =	ssyncset.done $0x0  }
0x1ca: {  	[sflag:s28] =	ssyncadd.s32 $0xFFFFC000  }
0x1cb: {  	[tilespmem:s29], [sflag:$0x1] =	stream.indirect.gather [hbm4b:s4+s21], $0x80, s6, s21, $0xb8;
	[tilespmem:$0xCA80] =	vst v63  }
0x1cc: {  	_ = 	snop  }
0x1cd: {  	[tilespmem:s30], [sflag:$0x2] =	stream.indirect.gather [hbm4b:s4+s21], $0x80, s7, s21, $0xb8;
	[tilespmem:$0xCA80] =	vst v63  }
0x1ce: {  	_ =	swait.ge [sflag:s31], $0x4000  }
0x1cf: {  	[sflag:s31] =	ssyncset.done $0x0  }
0x1d0: {  	s13 =	rddreg [dreg:$0xd];
	[sflag:s31] =	ssyncadd.s32 $0xFFFFC000  }
0x1d1: {  	[hbm4b:s13+s5] =	stream.linear.scatter [tilespmem:s29], [sflag:$0x3], $0x4000, $0x38;
	[tilespmem:$0xCA80] =	vst v63  }
0x1d2: {  	_ =	swait.ge [sflag:s3], $0x4000  }
0x1d3: {  	[sflag:s3] =	ssyncset.done $0x0  }
0x1d4: {  	s14 =	rddreg [dreg:$0xe];
	[sflag:s3] =	ssyncadd.s32 $0xFFFFC000  }
0x1d5: {  	[hbm4b:s14+s5] =	stream.linear.scatter [tilespmem:s30], [sflag:$0x4], $0x4000, $0x38;
	[tilespmem:$0xCA80] =	vst v63  }
0x1d6: {  	_ =	swait.ge [sflag:s0], $0x4000  }
0x1d7: {  	[sflag:s0] =	ssyncset.done $0x0  }
0x1d8: {  	[sflag:s0] =	ssyncadd.s32 $0xFFFFC000  }
0x1d9: {  	_ =	swait.ge [sflag:s28], $0x4000  }
0x1da: {  	s8 =	sadd.s32 $0x1, s8;
	s15 =	rddreg [dreg:$0xf]  }
0x1db: {  	p0 =	sne.s32 s8, s15  }
.Ltmp17:
0x1dc: {  	_ = 	snop;
	(pc) =	sbr.rel @p0 .LBB2_1-.Ltmp17, $4  }
.Ltmp18:
0x1dd: {  	_ = 	snop;
	(pc) =	sbr.rel @!p0 .LBB2_33-.Ltmp18, $4  }
0x1de: {  	_ = 	snop  }
0x1df: {  	[sflag:s28] =	ssyncset.done $0x0  }
0x1e0: {  	[sflag:s28] =	ssyncadd.s32 $0xFFFFC000  }
0x1e1: {  	_ = 	snop  }
.LBB2_14:
.Ltmp19:
0x1e2: {  	(pc) =	sbr.rel .LBB2_19-.Ltmp19, $2  }
0x1e3: {  	_ =	sdelay $0x2  }
0x1e4: {  	s10 =	simm.s32 $0x0;
	p1 =	por $0x0, $0x0  }
.LBB2_20:
.Ltmp20:
0x1e5: {  	(pc) =	sbr.rel .LBB2_25-.Ltmp20, $2  }
0x1e6: {  	_ =	sdelay $0x2  }
0x1e7: {  	_ = 	snop  }
.LBB2_16:
.Ltmp21:
0x1e8: {  	(pc) =	sbr.rel .LBB2_19-.Ltmp21, $2  }
0x1e9: {  	_ =	sdelay $0x2  }
0x1ea: {  	s13 =	simm.s32 $0x10;
	s10 =	simm.s32 $0x0  }
.LBB2_22:
.Ltmp22:
0x1eb: {  	(pc) =	sbr.rel .LBB2_25-.Ltmp22, $2  }
0x1ec: {  	_ =	sdelay $0x2  }
0x1ed: {  	s11 =	simm.s32 $0x0;
	s9 =	simm.s32 $0x1  }
.LBB2_33:
0x1ee: {  	_ =	sfence.sel $0x180000  }
0x1ef: {  	[bflag:$0x0] =	sbarrier.arrive $0xFFFF  }
0x1f0: {  	_ =	strace $0x90000047  }
0x1f1: {  	s0 =	stileid.u32;
	[bflag:$0x2] =	sbarrier.arrive $0xFFFF  }
0x1f2: {  	p0 =	sne.s32 s0, $0x0;
	s0 =	rddreg [dreg:$0x5]  }
0x1f3: {  	s0 =	sadd.s32 @!p0 $0x100000, s0  }
0x1f4: {  	[sflag:s0] =	ssyncadd.tile.s32 @!p0 $0x1;
	_ =	shalt  }
.Lfunc_end2:
_tile_overlayer_lowered:
.L_overlay_start_2:
0x1f5: {  	(tag) =	ssettag $0x2  }
0x1f6: {  	s0 =	rddreg [dreg:$0x0];
	s2 =	stileid.u32  }
0x1f7: {  	s1 =	rddreg [dreg:$0x1];
	p0 =	sne.s32 s2, $0x0  }
0x1f8: {  	s3 =	rddreg [dreg:$0x2];
	[bflag:$0x3] =	sbarrier.arrive $0xFFFF;
	s2 =	simm.s32 @!p0 $0x1C05  }
0x1f9: {  	[timem:s3], [sflag:s2] =	dma.local @!p0 [hbm:s0], s1  }
0x1fa: {  	s0 =	simm.s32 @!p0 $0x5  }
0x1fb: {  	_ =	swait.ge @!p0 [sflag:s0], s1  }
0x1fc: {  	s1 =	ssub.s32 @!p0 $0x0, s1;
	[sflag:s0] =	ssyncset.done @!p0 $0x0  }
0x1fd: {  	[sflag:s0] =	ssyncadd.s32 @!p0 s1  }
0x1fe: {  	[bflag:$0x3] =	sbarrier.arrive $0xFFFF  }
0x1ff: {  	_ =	shalt  }

// kernel: kernel.9.cloned.1.call-start
scs
__scs_entry_jumppad:
0x0: {  	(pc) =	sbr.rel $0x88, $3  }
0x1: {  	(tag) =	ssettag $0x0;
	lr =	simm.s32 $0x1  }
0x2: {  	[smem:$0x3F9D] =	sst lr;
	_ =	strace $0xD0000000  }
0x3: {  	_ = 	snop  }
0x4: {  	_ = 	snop  }
0x5: {  	_ = 	snop  }
0x6: {  	_ = 	snop  }
0x7: {  	_ = 	snop  }
__scs_overlays_trampoline_lowered:
0x8: {  	[smem:$0x3FAC] =	sst s0  }
0x9: {  	[smem:$0x3FAD] =	sst s1  }
0xa: {  	[smem:$0x3FAE] =	sst s2  }
0xb: {  	[smem:$0x3FAF] =	sst s3  }
0xc: {  	[smem:$0x3FB0] =	sst s4  }
0xd: {  	[smem:$0x3FB1] =	sst s5  }
0xe: {  	[smem:$0x3FB2] =	sst s6  }
0xf: {  	[smem:$0x3FB3] =	sst s7  }
0x10: {  	[smem:$0x3FB4] =	sst s8  }
0x11: {  	[smem:$0x3FB5] =	sst s9;
	s0 =	simm.s32 @!p0 $0x0  }
0x12: {  	s1 =	sld [smem:$0x3F9B];
	s0 =	simm.s32 @p0 $0x1  }
0x13: {  	[smem:$0x3FB6] =	sst s0;
	s0 =	simm.s32 @!p1 $0x0  }
0x14: {  	s2 =	sld [smem:$0x3F9A];
	s0 =	simm.s32 @p1 $0x1  }
0x15: {  	[smem:$0x3FB7] =	sst s0;
	s0 =	simm.s32 @!p2 $0x0  }
0x16: {  	s3 =	sld [smem:$0x3FDB];
	s0 =	simm.s32 @p2 $0x1  }
0x17: {  	s4 =	simm.s32 $0x1BF5;
	[smem:$0x3FB9] =	sst s0  }
0x18: {  	s0 =	sld [smem:$0x3F9C];
	_ =	swait.ge [sflag:s4], $0x0  }
0x19: {  	s7 =	sld [smem:$0x3F9D]  }
0x1a: {  	s8 =	sadd.s32 $0xFFFFE003, lr  }
0x1b: {  	s9 =	sadd.s32 $0xFFFFFEF7, lr;
	s5 =	simm.s32 $0xFFFFFFFF;
	p2 =	slt.u32 s8, $0xFFFFF086  }
0x1c: {  	p1 =	slt.u32 s9, $0xF7A;
	s5 =	simm.s32 @!p2 $0x0  }
0x1d: {  	s5 =	simm.s32 @p1 $0x1;
	p0 =	seq.s32 s7, s2  }
0x1e: {  	s7 =	smul.u32 @!p0 $0xF7A, s2;
	p2 =	seq.s32 @!p0 s5, $0x0  }
0x1f: {  	s9 =	smul.u32 $0xF7A, s1;
	s8 =	simm.s32 @!p0 $0x1BF5;
	p2 =	por !p2, p0  }
0x20: {  	[sflag:s8] =	ssyncset.s32 @!p0 $0xFFFFF086;
	s6 =	sadd.s32 @!p0 s3, s7;
	s7 =	simm.s32 @!p0 $0x108  }
0x21: {  	s3 =	sadd.s32 s3, s9;
	s6 =	sadd.s32 @!p0 $0x88, s6;
	s7 =	simm.s32 @p2 $0x1082  }
0x22: {  	[simem:s7], [sflag:s8] =	dma.local @!p0 [hbm:s6], $0xF7A  }
0x23: {  	s9 =	sor.u32 $0xD0000000, s2;
	s6 =	simm.s32 $0x108;
	_ =	swait.ge @!p0 [sflag:s8], $0x0  }
0x24: {  	s3 =	sadd.s32 $0x88, s3;
	s6 =	simm.s32 @!p1 $0x1082;
	[sflag:s4] =	ssyncset.s32 $0xFFFFF086  }
0x25: {  	[simem:s6], [sflag:s4] =	dma.local [hbm:s3], $0xF7A  }
0x26: {  	[smem:$0x3F9D] =	sst s1;
	(tag) =	ssettag s2;
	_ =	strace s9  }
0x27: {  	s1 =	sld [smem:$0x3FAD]  }
0x28: {  	s2 =	sld [smem:$0x3FAE]  }
0x29: {  	s4 =	sld [smem:$0x3FB0]  }
0x2a: {  	p0 =	seq.s32 s5, $0x0;
	s5 =	sld [smem:$0x3FB1]  }
0x2b: {  	s6 =	sld [smem:$0x3FB2]  }
0x2c: {  	s7 =	sld [smem:$0x3FB3]  }
0x2d: {  	s3 =	simm.s32 $0x108;
	s8 =	sld [smem:$0x3FB4]  }
0x2e: {  	s3 =	simm.s32 @!p0 $0x1082;
	s9 =	sld [smem:$0x3FB5]  }
0x2f: {  	lr =	sadd.s32 s0, s3;
	s0 =	sld [smem:$0x3FAC]  }
0x30: {  	s3 =	sld [smem:$0x3FAF]  }
0x31: {  	[smem:$0x3FB8] =	sst s10  }
0x32: {  	s10 =	sld [smem:$0x3FB6];
	_ =	sdelay $0x3  }
0x33: {  	p0 =	seq.s32 s10, $0x1;
	s10 =	sld [smem:$0x3FB8];
	_ =	sdelay $0x3  }
0x34: {  	[smem:$0x3FB8] =	sst s10  }
0x35: {  	s10 =	sld [smem:$0x3FB7];
	_ =	sdelay $0x3  }
0x36: {  	p1 =	seq.s32 s10, $0x1;
	s10 =	sld [smem:$0x3FB8];
	_ =	sdelay $0x3  }
0x37: {  	[smem:$0x3FB8] =	sst s10  }
0x38: {  	s10 =	sld [smem:$0x3FB9]  }
0x39: {  	_ = 	snop;
	(pc) =	sbr.ind lr, $3  }
0x3a: {  	_ = 	snop  }
0x3b: {  	_ = 	snop  }
0x3c: {  	p2 =	seq.s32 s10, $0x1;
	s10 =	sld [smem:$0x3FB8]  }
0x3d: {  	_ =	shalt  }
0x3e: {  	_ =	shalt  }
0x3f: {  	_ =	shalt  }
0x40: {  	_ =	shalt  }
0x41: {  	_ =	shalt  }
0x42: {  	_ =	shalt  }
0x43: {  	_ =	shalt  }
0x44: {  	_ =	shalt  }
0x45: {  	_ =	shalt  }
0x46: {  	_ =	shalt  }
0x47: {  	_ =	shalt  }
0x48: {  	_ =	shalt  }
0x49: {  	_ =	shalt  }
0x4a: {  	_ =	shalt  }
0x4b: {  	_ =	shalt  }
0x4c: {  	_ =	shalt  }
0x4d: {  	_ =	shalt  }
0x4e: {  	_ =	shalt  }
0x4f: {  	_ =	shalt  }
0x50: {  	_ =	shalt  }
0x51: {  	_ =	shalt  }
0x52: {  	_ =	shalt  }
0x53: {  	_ =	shalt  }
0x54: {  	_ =	shalt  }
0x55: {  	_ =	shalt  }
0x56: {  	_ =	shalt  }
0x57: {  	_ =	shalt  }
0x58: {  	_ =	shalt  }
0x59: {  	_ =	shalt  }
0x5a: {  	_ =	shalt  }
0x5b: {  	_ =	shalt  }
0x5c: {  	_ =	shalt  }
0x5d: {  	_ =	shalt  }
0x5e: {  	_ =	shalt  }
0x5f: {  	_ =	shalt  }
0x60: {  	_ =	shalt  }
0x61: {  	_ =	shalt  }
0x62: {  	_ =	shalt  }
0x63: {  	_ =	shalt  }
0x64: {  	_ =	shalt  }
0x65: {  	_ =	shalt  }
0x66: {  	_ =	shalt  }
0x67: {  	_ =	shalt  }
0x68: {  	_ =	shalt  }
0x69: {  	_ =	shalt  }
0x6a: {  	_ =	shalt  }
0x6b: {  	_ =	shalt  }
0x6c: {  	_ =	shalt  }
0x6d: {  	_ =	shalt  }
0x6e: {  	_ =	shalt  }
0x6f: {  	_ =	shalt  }
0x70: {  	_ =	shalt  }
0x71: {  	_ =	shalt  }
0x72: {  	_ =	shalt  }
0x73: {  	_ =	shalt  }
0x74: {  	_ =	shalt  }
0x75: {  	_ =	shalt  }
0x76: {  	_ =	shalt  }
0x77: {  	_ =	shalt  }
0x78: {  	_ =	shalt  }
0x79: {  	_ =	shalt  }
0x7a: {  	_ =	shalt  }
0x7b: {  	_ =	shalt  }
0x7c: {  	_ =	shalt  }
0x7d: {  	_ =	shalt  }
0x7e: {  	_ =	shalt  }
0x7f: {  	_ =	shalt  }
0x80: {  	_ =	shalt  }
0x81: {  	_ =	shalt  }
0x82: {  	_ =	shalt  }
0x83: {  	_ =	shalt  }
0x84: {  	_ =	shalt  }
0x85: {  	_ =	shalt  }
0x86: {  	_ =	shalt  }
0x87: {  	_ =	shalt  }
.Lfunc_end0:
.L_simem_size_0:
called_computation.1_lowered:
.L_overlay_start_0:
0x88: {  	s2 =	sld [smem:$0x3FD9]  }
0x89: {  	s3 =	sld [smem:$0x3FFE];
	_ =	sdelay $0x1  }
0x8a: {  	s1 =	srdreg.scid  }
0x8b: {  	s0 =	sand.u32 $0x1, s1  }
0x8c: {  	s17 =	sshll.u32 s0, $0xA;
	s2 =	sadd.s32 s3, s2  }
0x8d: {  	s2 =	sadd.s32 s2, s17  }
0x8e: {  	[smem:$0x3FC4] =	sst s2  }
0x8f: {  	_ = 	snop  }
0x90: {  	s2 =	sld [smem:$0x3FD0];
	(tm) =	ssettm $0x1  }
0x91: {  	s18 =	sld [smem:$0x3FFB];
	_ =	sdelay $0x3  }
0x92: {  	_ =	strace s18  }
0x93: {  	s3 =	sld [smem:$0x3FFC];
	_ =	sdelay $0x3  }
0x94: {  	_ =	strace s3  }
0x95: {  	s3 =	sld [smem:$0x3FFD];
	_ =	sdelay $0x3  }
0x96: {  	_ =	strace s3  }
0x97: {  	_ =	strace $0x8FFFFFFF  }
0x98: {  	s19 =	sld [smem:$0x3FDB];
	_ =	sdelay $0x1  }
0x99: {  	s4 =	simm.s32 $_scs_section_size  }
0x9a: {  	s5 =	simm.s32 $_size__tile_overlayer_lowered;
	s6 =	simm.s32 $_tile_overlayer_lowered  }
0x9b: {  	s22 =	simm.s32 $0x1BFF;
	s21 =	sshll.u32 s6, $0x1;
	s3 =	sadd.s32 s4, s19  }
0x9c: {  	s7 =	simm.s32 $0x0;
	s20 =	sshll.u32 s5, $0x1;
	s5 =	sadd.s32 s21, s3  }
0x9d: {  	[timem:s7], [sflag:s22] =	dma.local [hbm:s5], s20  }
0x9e: {  	_ =	swait.ge [sflag:s22], s20  }
0x9f: {  	s4 =	ssub.s32 $0x0, s20;
	[sflag:s22] =	ssyncset.done $0x0  }
0xa0: {  	[sflag:s22] =	ssyncadd.s32 s4;
	_ =	sdelay $0x1  }
0xa1: {  	s23 =	simm.s32 $0x1B8B  }
0xa2: {  	_ =	swait.ge [sflag:s23], $0x1  }
0xa3: {  	[sflag:s23] =	ssyncset.done $0x0  }
0xa4: {  	s25 =	simm.s32 $0x1B8E;
	s24 =	sld [smem:$0x3FFE];
	[sflag:s23] =	ssyncadd.s32 $0xFFFFFFFF  }
0xa5: {  	s26 =	simm.s32 $execute0_lowered;
	[smem:$0x3FD2] =	sst s25  }
0xa6: {  	s5 =	sshll.u32 s26, $0x1;
	_ =	strace $0x80000049;
	[dreg:$0x1] =	wrdreg $0xFFFFFFFF  }
0xa7: {  	s28 =	simm.s32 $_size_execute0_lowered;
	s3 =	sadd.s32 s3, s5;
	[dreg:$0x0] =	wrdreg $0x0  }
0xa8: {  	s5 =	sshll.u32 s28, $0x1;
	[dreg:$0x2] =	wrdreg s3  }
0xa9: {  	[dreg:$0x3] =	wrdreg s5  }
0xaa: {  	[dreg:$0x4] =	wrdreg $0xC0  }
0xab: {  	_ =	task [dreg:s7], $0x5FFFF  }
0xac: {  	[dreg:$0x1] =	wrdreg $0xFFFFFFFF  }
0xad: {  	[dreg:$0x0] =	wrdreg $0x60  }
0xae: {  	[dreg:$0x2] =	wrdreg s24  }
0xaf: {  	[dreg:$0x3] =	wrdreg s2  }
0xb0: {  	[dreg:$0x4] =	wrdreg $0x9  }
0xb1: {  	_ =	task.clear_ibuf [dreg:s7], $0x5FFFF;
	_ =	strace $0x90000049  }
0xb2: {  	s29 =	simm.s32 $0x9;
	_ =	strace $0x8000004B  }
0xb3: {  	_ =	swait.ge [sflag:s29], $0x1  }
0xb4: {  	[sflag:s29] =	ssyncadd.s32 $0xFFFFFFFF  }
0xb5: {  	_ =	strace $0x9000004B  }
0xb6: {  	_ =	sfence  }
0xb7: {  	s30 =	sld [smem:$0x0];
	_ =	sdelay $0x2  }
0xb8: {  	s31 =	sshll.u32 s1, $0xD;
	s1 =	sshrl.u32 s1, $0x2  }
0xb9: {  	s3 =	sand.u32 $0x4000, s31;
	s1 =	sadd.s32 s1, s30  }
0xba: {  	s0 =	sor.u32 s3, s0;
	s1 =	sshll.u32 s1, $0x11  }
0xbb: {  	s0 =	sor.u32 s1, s0  }
0xbc: {  	s0 =	sadd.s32 $0x8F2B, s0  }
0xbd: {  	[sflag:s0] =	ssyncadd.remote.s32 $0x1  }
0xbe: {  	_ =	sfence.sel $0xFFFF  }
0xbf: {  	[dreg:$0x0] =	wrdreg $0xFFFFFFFF;
	(pc) =	sbr.abs _section_cstart, $3  }
0xc0: {  	[dreg:$0x1] =	wrdreg $0xFFFFFFFF  }
0xc1: {  	_ =	task.clear_ibuf [dreg:s7], $0x2FFFF;
	_ =	strace $0x9FFFFFFF  }
0xc2: {  	(tm) =	ssettm $0x7FFFFFFF  }
0xc3: {  	_ =	shalt  }
tec
execute0_lowered:
.L_overlay_start_1:
0x0: {  	(tag) =	ssettag $0x1  }
0x1: {  	s4 =	rddreg [dreg:$0x0]  }
0x2: {  	s5 =	rddreg [dreg:$0x1]  }
0x3: {  	s0 =	rddreg [dreg:$0x2]  }
0x4: {  	s3 =	srdreg.scid;
	s2 =	simm.s32 $0x0;
	s1 =	stileid.u32  }
0x5: {  	s10 =	simm.s32 $0x5000;
	s11 =	simm.s32 $0x1;
	s12 =	simm.s32 $0x2  }
0x6: {  	s13 =	simm.s32 $0x3;
	s14 =	simm.s32 $0x4;
	s15 =	simm.s32 $0x0  }
0x7: {  	s6 =	sand.u32 $0x1, s3;
	[smem:$0x7FF] =	sst s2;
	s29 =	sshll.u32 s1, $0xD  }
0x8: {  	s3 =	sadd.s32 $0x44E800, s4;
	s9 =	sshll.u32 s1, $0x11;
	s7 =	sshll.u32 s6, $0xC  }
0x9: {  	_ =	strace $0x8000004A;
	s8 =	ssub.s32 $0x2, s6;
	s31 =	sadd.s32 s9, s5  }
0xa: {  	s6 =	sshll.u32 s6, $0x10;
	s9 =	simm.s32 $0x1000;
	s7 =	sor.u32 s7, s29  }
0xb: {  	s30 =	sshrl.u32 s8, $0x1;
	s6 =	sadd.s32 s6, s31;
	s7 =	sshrl.u32 s7, $0x3  }
0xc: {  	s4 =	sadd.s32 s7, s4;
	s7 =	ssub.s32 s8, s30;
	s8 =	simm.s32 $0x80  }
0xd: {  	s4 =	sadd.s32 $0x44A800, s4;
	s5 =	smax.u32 s7, $0x1;
	s7 =	simm.s32 $0x5  }
.LBB2_1:
0xe: {  	[tilespmem:s2], [sflag:$0x5] =	stream.linear.gather [hbm4b:s4+s2], $0x1000, $0x38;
	[tilespmem:$0x9000] =	vst v63  }
0xf: {  	_ =	swait.ge [sflag:s7], $0x1000  }
0x10: {  	[sflag:s7] =	ssyncset.done $0x0  }
0x11: {  	s16 =	simm.s32 $0x0;
	[sflag:s7] =	ssyncadd.s32 $0xFFFFF000  }
0x12: {  	[tilespmem:s9], [sflag:$0x1] =	stream.indirect.gather [hbm4b:s3+s8], $0x80, s16, s8, $0xb8;
	[tilespmem:$0x9000] =	vst v63  }
0x13: {  	s30 =	simm.s32 $0x80  }
0x14: {  	[tilespmem:s10], [sflag:$0x2] =	stream.indirect.gather [hbm4b:s3+s8], $0x80, s30, s8, $0xb8;
	[tilespmem:$0x9000] =	vst v63  }
0x15: {  	_ =	swait.ge [sflag:s11], $0x4000  }
0x16: {  	[sflag:s11] =	ssyncset.done $0x0  }
0x17: {  	[sflag:s11] =	ssyncadd.s32 $0xFFFFC000  }
0x18: {  	[hbm4b:s6+s2] =	stream.linear.scatter [tilespmem:s9], [sflag:$0x3], $0x4000, $0x38;
	[tilespmem:$0x9000] =	vst v63  }
0x19: {  	_ =	swait.ge [sflag:s12], $0x4000  }
0x1a: {  	[sflag:s12] =	ssyncset.done $0x0  }
0x1b: {  	s31 =	sadd.s32 $0x800, s6;
	[sflag:s12] =	ssyncadd.s32 $0xFFFFC000  }
0x1c: {  	[hbm4b:s31+s2] =	stream.linear.scatter [tilespmem:s10], [sflag:$0x4], $0x4000, $0x38;
	[tilespmem:$0x9000] =	vst v63  }
0x1d: {  	_ =	swait.ge [sflag:s13], $0x4000  }
0x1e: {  	[sflag:s13] =	ssyncset.done $0x0  }
0x1f: {  	[sflag:s13] =	ssyncadd.s32 $0xFFFFC000  }
0x20: {  	s17 =	simm.s32 $0x400;
	_ =	swait.ge [sflag:s14], $0x4000  }
0x21: {  	s18 =	simm.s32 $0x800;
	s16 =	sadd.s32 $0x1000, s6;
	[sflag:s14] =	ssyncset.done $0x0  }
.LBB2_2:
0x22: {  	s19 =	sshra.s32 s17, $0x2  }
0x23: {  	[sflag:s14] =	ssyncadd.s32 $0xFFFFC000;
	s17 =	smov.u32 s18;
	s20 =	sadd.s32 $0x400, s18  }
0x24: {  	[tilespmem:s9], [sflag:$0x1] =	stream.indirect.gather [hbm4b:s3+s8], $0x80, s19, s8, $0xb8;
	[tilespmem:$0x9000] =	vst v63  }
0x25: {  	p0 =	sne.s32 s18, $0x3C00;
	s18 =	sadd.s32 $0x80, s19  }
0x26: {  	[tilespmem:s10], [sflag:$0x2] =	stream.indirect.gather [hbm4b:s3+s8], $0x80, s18, s8, $0xb8;
	[tilespmem:$0x9000] =	vst v63  }
0x27: {  	_ =	swait.ge [sflag:s11], $0x4000  }
0x28: {  	[sflag:s11] =	ssyncset.done $0x0  }
0x29: {  	[sflag:s11] =	ssyncadd.s32 $0xFFFFC000  }
0x2a: {  	[hbm4b:s16+s2] =	stream.linear.scatter [tilespmem:s9], [sflag:$0x3], $0x4000, $0x38;
	[tilespmem:$0x9000] =	vst v63  }
0x2b: {  	_ =	swait.ge [sflag:s12], $0x4000  }
0x2c: {  	[sflag:s12] =	ssyncset.done $0x0  }
0x2d: {  	s18 =	sadd.s32 $0x800, s16;
	[sflag:s12] =	ssyncadd.s32 $0xFFFFC000  }
0x2e: {  	[hbm4b:s18+s2] =	stream.linear.scatter [tilespmem:s10], [sflag:$0x4], $0x4000, $0x38;
	[tilespmem:$0x9000] =	vst v63  }
.Ltmp0:
0x2f: {  	_ =	swait.ge [sflag:s13], $0x4000;
	(pc) =	sbr.rel @p0 .LBB2_2-.Ltmp0, $4  }
0x30: {  	[sflag:s13] =	ssyncset.done $0x0  }
0x31: {  	[sflag:s13] =	ssyncadd.s32 $0xFFFFC000  }
0x32: {  	_ =	swait.ge [sflag:s14], $0x4000  }
0x33: {  	s16 =	sadd.s32 $0x1000, s16;
	s18 =	smov.u32 s20;
	[sflag:s14] =	ssyncset.done $0x0  }
0x34: {  	s17 =	sshra.s32 s17, $0x2;
	[sflag:s14] =	ssyncadd.s32 $0xFFFFC000  }
0x35: {  	[tilespmem:s9], [sflag:$0x1] =	stream.indirect.gather [hbm4b:s3+s8], $0x80, s17, s8, $0xb8;
	[tilespmem:$0x9000] =	vst v63  }
0x36: {  	s17 =	sadd.s32 $0x80, s17  }
0x37: {  	[tilespmem:s10], [sflag:$0x2] =	stream.indirect.gather [hbm4b:s3+s8], $0x80, s17, s8, $0xb8;
	[tilespmem:$0x9000] =	vst v63  }
0x38: {  	_ =	swait.ge [sflag:s11], $0x4000  }
0x39: {  	[sflag:s11] =	ssyncset.done $0x0  }
0x3a: {  	[sflag:s11] =	ssyncadd.s32 $0xFFFFC000  }
0x3b: {  	[hbm4b:s16+s2] =	stream.linear.scatter [tilespmem:s9], [sflag:$0x3], $0x4000, $0x38;
	[tilespmem:$0x9000] =	vst v63  }
0x3c: {  	_ =	swait.ge [sflag:s12], $0x4000  }
0x3d: {  	[sflag:s12] =	ssyncset.done $0x0  }
0x3e: {  	s31 =	sadd.s32 $0x800, s16;
	s15 =	sadd.s32 $0x1, s15;
	[sflag:s12] =	ssyncadd.s32 $0xFFFFC000  }
0x3f: {  	[hbm4b:s31+s2] =	stream.linear.scatter [tilespmem:s10], [sflag:$0x4], $0x4000, $0x38;
	[tilespmem:$0x9000] =	vst v63  }
0x40: {  	p0 =	sne.s32 s15, s5;
	_ =	swait.ge [sflag:s13], $0x4000  }
.Ltmp1:
0x41: {  	[sflag:s13] =	ssyncset.done $0x0;
	(pc) =	sbr.rel @p0 .LBB2_1-.Ltmp1, $4  }
0x42: {  	[sflag:s13] =	ssyncadd.s32 $0xFFFFC000  }
0x43: {  	_ =	swait.ge [sflag:s14], $0x4000  }
0x44: {  	[sflag:s14] =	ssyncset.done $0x0  }
0x45: {  	[sflag:s14] =	ssyncadd.s32 $0xFFFFC000  }
0x46: {  	_ =	sfence.sel $0x180000  }
0x47: {  	[bflag:$0x0] =	sbarrier.arrive $0xFFFF  }
0x48: {  	p0 =	sne.s32 s1, $0x0;
	_ =	strace $0x9000004A  }
0x49: {  	s0 =	sadd.s32 @!p0 $0x100000, s0;
	[bflag:$0x2] =	sbarrier.arrive $0xFFFF  }
0x4a: {  	[sflag:s0] =	ssyncadd.tile.s32 @!p0 $0x1;
	_ =	shalt  }
.Lfunc_end2:
_tile_overlayer_lowered:
.L_overlay_start_2:
0x4b: {  	(tag) =	ssettag $0x2  }
0x4c: {  	s0 =	rddreg [dreg:$0x0];
	s2 =	stileid.u32  }
0x4d: {  	s1 =	rddreg [dreg:$0x1];
	p0 =	sne.s32 s2, $0x0  }
0x4e: {  	s3 =	rddreg [dreg:$0x2];
	[bflag:$0x3] =	sbarrier.arrive $0xFFFF;
	s2 =	simm.s32 @!p0 $0x1C05  }
0x4f: {  	[timem:s3], [sflag:s2] =	dma.local @!p0 [hbm:s0], s1  }
0x50: {  	s0 =	simm.s32 @!p0 $0x5  }
0x51: {  	_ =	swait.ge @!p0 [sflag:s0], s1  }
0x52: {  	s1 =	ssub.s32 @!p0 $0x0, s1;
	[sflag:s0] =	ssyncset.done @!p0 $0x0  }
0x53: {  	[sflag:s0] =	ssyncadd.s32 @!p0 s1  }
0x54: {  	[bflag:$0x3] =	sbarrier.arrive $0xFFFF  }
0x55: {  	_ =	shalt  }

</sc_bundles>
